<compile_context>
chip_gen: v7x
topology: tpu7x:2x2x1
jax: 0.10.2.dev20260603
libtpu: 0.0.44.dev20260713+nightly
codegen_flags: <defaults>
</compile_context>

<pallas_src>
import functools

import jax
import jax.numpy as jnp
import numpy as np
from jax import lax
from jax.experimental import pallas as pl
from jax.experimental.pallas import tpu as pltpu
from jax.experimental.pallas import tpu_sc as plsc

_NUM_FIELDS = 26
_EMBED_DIM = 64
_BATCH = 4096
_FIELD_DIMS = [1000] * _NUM_FIELDS
_OFFSETS = np.concatenate(([0], np.cumsum(_FIELD_DIMS)[:-1])).astype(np.int32)
_ROW = []
_COL = []
for _i in range(_NUM_FIELDS - 1):
    for _j in range(_i + 1, _NUM_FIELDS):
        _ROW.append(_i)
        _COL.append(_j)
_NPAIR = len(_ROW)

_PAIRID = np.full((_NUM_FIELDS, _NUM_FIELDS), _NPAIR, dtype=np.int32)
for _k in range(_NPAIR):
    _PAIRID[_COL[_k], _ROW[_k]] = _k

_NC, _NS = 2, 16
_NW = _NC * _NS
_NSEG = 1
_SEG_BATCH = _BATCH // _NSEG
_SEG_ROWS = _SEG_BATCH * _NUM_FIELDS
_ROWS_PER_W = _SEG_ROWS // _NW
_CHUNK = 128
_NCHUNK = _ROWS_PER_W // _CHUNK
_NBUF = 8


def _sc_gather(table, idx3):
    mesh = plsc.VectorSubcoreMesh(core_axis_name="c", subcore_axis_name="s")

    @functools.partial(
        pl.kernel,
        out_type=jax.ShapeDtypeStruct((_SEG_ROWS, _EMBED_DIM), jnp.float32),
        mesh=mesh,
        scratch_types=[
            pltpu.VMEM((_NCHUNK, _CHUNK), jnp.int32),
            pltpu.VMEM((_NBUF, _CHUNK, _EMBED_DIM), jnp.float32),
        ] + [pltpu.SemaphoreType.DMA] * _NBUF,
        compiler_params=pltpu.CompilerParams(use_tc_tiling_on_sc=False),
    )
    def k(table_hbm, idx_hbm, out_hbm, idx_v, rows_v, *sems):
        wid = lax.axis_index("s") * _NC + lax.axis_index("c")
        base = wid * _ROWS_PER_W
        pltpu.sync_copy(idx_hbm.at[wid], idx_v)
        cps = [None] * _NBUF
        for j in range(_NCHUNK + _NBUF - 1):
            if j < _NCHUNK:
                b = j % _NBUF
                cps[b] = pltpu.async_copy(
                    table_hbm.at[idx_v.at[j]], rows_v.at[b], sems[b])
            if j >= _NBUF - 1:
                p = j - (_NBUF - 1)
                pb = p % _NBUF
                cps[pb].wait()
                pltpu.sync_copy(
                    rows_v.at[pb],
                    out_hbm.at[pl.ds(base + p * _CHUNK, _CHUNK)])

    return k(table, idx3)


_BB = 512


_D = _NUM_FIELDS * _EMBED_DIM
_TRI = [(0, 384, 0), (384, 768, 384), (768, 1152, 768), (1152, 1664, 1152)]


def _kb_body(m_ref, p1t_ref, p1_ref, kb_ref):
    t1 = jnp.dot(p1t_ref[...], m_ref[...],
                 preferred_element_type=jnp.float32)
    me = jnp.dot(t1.astype(jnp.bfloat16), p1_ref[...],
                 preferred_element_type=jnp.float32)
    r = lax.broadcasted_iota(jnp.int32, (_D, _D), 0)
    c = lax.broadcasted_iota(jnp.int32, (_D, _D), 1)
    mask = (r % _EMBED_DIM) == (c % _EMBED_DIM)
    kb_ref[...] = jnp.where(mask, me, 0.0).astype(jnp.bfloat16)


def _kb_build(m, p1t, p1):
    return pl.pallas_call(
        _kb_body,
        out_shape=jax.ShapeDtypeStruct((_D, _D), jnp.bfloat16),
    )(m, p1t, p1)


def _tc_body(e_ref, kb_ref, wl_ref, b_ref, o_ref):
    e = e_ref[...]
    eb = e.astype(jnp.bfloat16)
    g = jnp.concatenate(
        [jnp.dot(eb[:, rs:], kb_ref[rs:, cs:ce],
                 preferred_element_type=jnp.float32)
         for cs, ce, rs in _TRI], axis=1)
    t = e * (g + wl_ref[...])
    logit = jnp.sum(t, axis=1) + b_ref[0]
    o_ref[...] = jax.nn.sigmoid(logit)


def _tc_fwfm(embed, kb, w_lin, b_int):
    grid = (_SEG_BATCH // _BB,)
    return pl.pallas_call(
        _tc_body,
        grid=grid,
        in_specs=[
            pl.BlockSpec((_BB, _D), lambda g: (g, 0)),
            pl.BlockSpec((_D, _D), lambda g: (0, 0)),
            pl.BlockSpec((1, _D), lambda g: (0, 0)),
            pl.BlockSpec(memory_space=pltpu.SMEM),
        ],
        out_specs=pl.BlockSpec((_BB,), lambda g: (g,)),
        out_shape=jax.ShapeDtypeStruct((_SEG_BATCH,), jnp.float32),
    )(embed, kb, w_lin, b_int)


def kernel(x, table, W_int, b_int, W_lin):
    idx = (x + jnp.asarray(_OFFSETS)[None, :]).reshape(-1)

    w_pad = jnp.concatenate(
        [W_int[0, :], jnp.zeros((1,), jnp.float32)]).astype(jnp.bfloat16)
    m = jnp.take(w_pad, jnp.asarray(_PAIRID))
    p1np = np.zeros((_NUM_FIELDS, _D), dtype=np.float32)
    p1np[np.arange(_D) // _EMBED_DIM, np.arange(_D)] = 1.0
    p1 = jnp.asarray(p1np, dtype=jnp.bfloat16)
    p1t = jnp.asarray(p1np.T.copy(), dtype=jnp.bfloat16)
    kb = _kb_build(m, p1t, p1)

    outs = []
    for s in range(_NSEG):
        idx3 = lax.slice_in_dim(idx, s * _SEG_ROWS, (s + 1) * _SEG_ROWS
                                ).reshape(_NW, _NCHUNK, _CHUNK)
        emb = _sc_gather(table, idx3)
        emb = emb.reshape(_SEG_BATCH, _NUM_FIELDS * _EMBED_DIM)
        outs.append(_tc_fwfm(emb, kb, W_lin, b_int))
    return jnp.concatenate(outs)

# --- scband reference (transcript-rebuilt; emitter-appended) ---
"""Pipeline reference for scband-fw-fm-4758823764681 (READ-ONLY COPY).

The authoritative reference and input builder live on the scoring server;
editing this copy changes nothing except your own understanding.
"""

import jax, jax.numpy as jnp
import numpy as np

FIELD_DIMS = [1000] * 26
EMBED_DIM = 64
BATCH = 4096
NUM_FIELDS = len(FIELD_DIMS)
TOTAL_VOCAB = int(np.sum(FIELD_DIMS))
OFFSETS = np.concatenate(([0], np.cumsum(FIELD_DIMS)[:-1])).astype(np.int32)
ROW = []
COL = []
for i in range(NUM_FIELDS - 1):
    for j in range(i + 1, NUM_FIELDS):
        ROW.append(i)
        COL.append(j)
INTERACT_DIM = len(ROW)


def setup_inputs(seed: int = 0) -> dict:
    key = jax.random.key(seed)
    k1, k2, k3, k4 = jax.random.split(key, 4)
    x = jax.random.randint(k1, (BATCH, NUM_FIELDS), 0, 1000, dtype=jnp.int32)
    table = jax.random.normal(k2, (TOTAL_VOCAB, EMBED_DIM), dtype=jnp.float32) * 0.01
    W_int = jax.random.normal(k3, (1, INTERACT_DIM), dtype=jnp.float32) * 0.05
    b_int = jnp.zeros((1,), dtype=jnp.float32)
    W_lin = jax.random.normal(k4, (1, NUM_FIELDS * EMBED_DIM), dtype=jnp.float32) * 0.01
    return {"x": x, "table": table, "W_int": W_int, "b_int": b_int, "W_lin": W_lin}


def reference(x, table, W_int, b_int, W_lin):
    offsets = jnp.asarray(OFFSETS, dtype=x.dtype)
    idx = x + offsets[None, :]
    embed_x = jnp.take(table, idx, axis=0)  # [B, F, D]
    row = jnp.asarray(ROW, dtype=jnp.int32)
    col = jnp.asarray(COL, dtype=jnp.int32)
    inner_product_vec = jnp.sum(embed_x[:, row] * embed_x[:, col], axis=2)  # [B, 325]
    poly2_part = inner_product_vec @ W_int.T + b_int  # [B, 1]
    linear_part = embed_x.reshape(embed_x.shape[0], NUM_FIELDS * EMBED_DIM) @ W_lin.T  # [B, 1]
    out = poly2_part + linear_part
    return jax.nn.sigmoid(jnp.squeeze(out, axis=1))

if __name__ == "__main__":
    import jax
    _d = setup_inputs()
    print(jax.jit(kernel)(*tuple(_d.values())))

</pallas_src>

<mosaic_0001>
#map = affine_map<(d0, d1) -> (0, 0)>
#map1 = affine_map<(d0, d1) -> (0, 0, 0)>
module attributes {stable_mosaic.version = 14 : i64} {
  func.func @k(%arg0: i32, %arg1: i32, %arg2: memref<26000x64xf32, #tpu.memory_space<hbm>>, %arg3: memref<32x26x128xi32, #tpu.memory_space<hbm>>, %arg4: memref<106496x64xf32, #tpu.memory_space<hbm>>, %arg5: memref<26x128xi32, #tpu.memory_space<vmem>>, %arg6: memref<8x128x64xf32, #tpu.memory_space<vmem>>, %arg7: memref<!tpu.dma_semaphore, #tpu.memory_space<semaphore_mem>>, %arg8: memref<!tpu.dma_semaphore, #tpu.memory_space<semaphore_mem>>, %arg9: memref<!tpu.dma_semaphore, #tpu.memory_space<semaphore_mem>>, %arg10: memref<!tpu.dma_semaphore, #tpu.memory_space<semaphore_mem>>, %arg11: memref<!tpu.dma_semaphore, #tpu.memory_space<semaphore_mem>>, %arg12: memref<!tpu.dma_semaphore, #tpu.memory_space<semaphore_mem>>, %arg13: memref<!tpu.dma_semaphore, #tpu.memory_space<semaphore_mem>>, %arg14: memref<!tpu.dma_semaphore, #tpu.memory_space<semaphore_mem>>) attributes {dimension_semantics = [#tpu.dimension_semantics<core_parallel>, #tpu.dimension_semantics<subcore_parallel>], iteration_bounds = array<i64: 2, 16>, scalar_prefetch = 0 : i64, scratch_operands = 10 : i64, tpu.core_type = #tpu.core_type<sc_vector_subcore>, window_params = [{transform_indices = #map}, {transform_indices = #map1}, {transform_indices = #map}]} {
    %mul3A = arith.constant 2 : i32
    %mul3A_0 = arith.muli %arg1, %mul3A : i32
    %add3A = arith.addi %mul3A_0, %arg0 : i32
    %mul3A_1 = arith.constant 3328 : i32
    %mul3A_2 = arith.muli %add3A, %mul3A_1 : i32
    "tpu.region"() ({
      %run_scoped3A_702 = tpu.sem_alloc : memref<!tpu.dma_semaphore, #tpu.memory_space<semaphore_mem>>
      %dma_start3A_703 = arith.constant 0 : i32
      %dma_start3A_704 = arith.constant 0 : i32
      %dma_start3A_705 = tpu.memref_slice %arg3[%add3A, %dma_start3A_703, %dma_start3A_704] : memref<32x26x128xi32, #tpu.memory_space<hbm>> -> memref<1x26x128xi32, #tpu.memory_space<hbm>>
      %dma_start3A_706 = tpu.memref_squeeze %dma_start3A_705 : memref<1x26x128xi32, #tpu.memory_space<hbm>> -> memref<26x128xi32, #tpu.memory_space<hbm>>
      %dma_start3A_707 = arith.constant 0 : i32
      %dma_start3A_708 = arith.constant 0 : i32
      %dma_start3A_709 = tpu.memref_slice %arg3[%add3A, %dma_start3A_707, %dma_start3A_708] : memref<32x26x128xi32, #tpu.memory_space<hbm>> -> memref<1x26x128xi32, #tpu.memory_space<hbm>>
      %dma_start3A_710 = tpu.memref_squeeze %dma_start3A_709 : memref<1x26x128xi32, #tpu.memory_space<hbm>> -> memref<26x128xi32, #tpu.memory_space<hbm>>
      tpu.enqueue_dma source(%dma_start3A_710 : memref<26x128xi32, #tpu.memory_space<hbm>>) target(%arg5 : memref<26x128xi32, #tpu.memory_space<vmem>>) target_semaphore(%run_scoped3A_702 : memref<!tpu.dma_semaphore, #tpu.memory_space<semaphore_mem>>)
      %dma_wait3A_711 = arith.constant 0 : i32
      %dma_wait3A_712 = arith.constant 0 : i32
      %dma_wait3A_713 = tpu.memref_slice %arg3[%add3A, %dma_wait3A_711, %dma_wait3A_712] : memref<32x26x128xi32, #tpu.memory_space<hbm>> -> memref<1x26x128xi32, #tpu.memory_space<hbm>>
      %dma_wait3A_714 = tpu.memref_squeeze %dma_wait3A_713 : memref<1x26x128xi32, #tpu.memory_space<hbm>> -> memref<26x128xi32, #tpu.memory_space<hbm>>
      %dma_wait3A_715 = arith.constant 0 : i32
      %dma_wait3A_716 = arith.constant 0 : i32
      %dma_wait3A_717 = tpu.memref_slice %arg3[%add3A, %dma_wait3A_715, %dma_wait3A_716] : memref<32x26x128xi32, #tpu.memory_space<hbm>> -> memref<1x26x128xi32, #tpu.memory_space<hbm>>
      %dma_wait3A_718 = tpu.memref_squeeze %dma_wait3A_717 : memref<1x26x128xi32, #tpu.memory_space<hbm>> -> memref<26x128xi32, #tpu.memory_space<hbm>>
      tpu.wait_dma2 semaphore(%run_scoped3A_702 : memref<!tpu.dma_semaphore, #tpu.memory_space<semaphore_mem>>) src(%dma_wait3A_718 : memref<26x128xi32, #tpu.memory_space<hbm>>) dst(%arg5 : memref<26x128xi32, #tpu.memory_space<vmem>>)
      tpu.yield
    }) : () -> ()
    %dma_start3A = arith.constant 0 : i32
    %dma_start3A_3 = arith.constant 0 : i32
    %dma_start3A_4 = arith.constant 0 : i32
    %dma_start3A_5 = arith.constant 0 : i32
    %dma_start3A_6 = tpu.memref_slice %arg6[%dma_start3A_3, %dma_start3A_4, %dma_start3A_5] : memref<8x128x64xf32, #tpu.memory_space<vmem>> -> memref<1x128x64xf32, #tpu.memory_space<vmem>>
    %dma_start3A_7 = tpu.memref_squeeze %dma_start3A_6 : memref<1x128x64xf32, #tpu.memory_space<vmem>> -> memref<128x64xf32, #tpu.memory_space<vmem>>
    %dma_start3A_8 = arith.constant 0 : i32
    %dma_start3A_9 = tpu.memref_slice %arg5[%dma_start3A, %dma_start3A_8] : memref<26x128xi32, #tpu.memory_space<vmem>> -> memref<1x128xi32, #tpu.memory_space<vmem>>
    %dma_start3A_10 = tpu.memref_squeeze %dma_start3A_9 : memref<1x128xi32, #tpu.memory_space<vmem>> -> memref<128xi32, #tpu.memory_space<vmem>>
    %dma_start3A_11 = arith.constant 0 : i32
    %dma_start3A_12 = arith.constant 0 : i32
    %dma_start3A_13 = tpu.memref_slice %arg2[%dma_start3A_11, %dma_start3A_12] : memref<26000x64xf32, #tpu.memory_space<hbm>> -> memref<26000x64xf32, #tpu.memory_space<hbm>>
    tpu.enqueue_indirect_dma source(%dma_start3A_13 : memref<26000x64xf32, #tpu.memory_space<hbm>>) target(%dma_start3A_7 : memref<128x64xf32, #tpu.memory_space<vmem>>) offsets(%dma_start3A_10 : memref<128xi32, #tpu.memory_space<vmem>>) semaphore(%arg7 : memref<!tpu.dma_semaphore, #tpu.memory_space<semaphore_mem>>)
    %dma_start3A_14 = arith.constant 1 : i32
    %dma_start3A_15 = arith.constant 1 : i32
    %dma_start3A_16 = arith.constant 0 : i32
    %dma_start3A_17 = arith.constant 0 : i32
    %dma_start3A_18 = tpu.memref_slice %arg6[%dma_start3A_15, %dma_start3A_16, %dma_start3A_17] : memref<8x128x64xf32, #tpu.memory_space<vmem>> -> memref<1x128x64xf32, #tpu.memory_space<vmem>>
    %dma_start3A_19 = tpu.memref_squeeze %dma_start3A_18 : memref<1x128x64xf32, #tpu.memory_space<vmem>> -> memref<128x64xf32, #tpu.memory_space<vmem>>
    %dma_start3A_20 = arith.constant 0 : i32
    %dma_start3A_21 = tpu.memref_slice %arg5[%dma_start3A_14, %dma_start3A_20] : memref<26x128xi32, #tpu.memory_space<vmem>> -> memref<1x128xi32, #tpu.memory_space<vmem>>
    %dma_start3A_22 = tpu.memref_squeeze %dma_start3A_21 : memref<1x128xi32, #tpu.memory_space<vmem>> -> memref<128xi32, #tpu.memory_space<vmem>>
    %dma_start3A_23 = arith.constant 0 : i32
    %dma_start3A_24 = arith.constant 0 : i32
    %dma_start3A_25 = tpu.memref_slice %arg2[%dma_start3A_23, %dma_start3A_24] : memref<26000x64xf32, #tpu.memory_space<hbm>> -> memref<26000x64xf32, #tpu.memory_space<hbm>>
    tpu.enqueue_indirect_dma source(%dma_start3A_25 : memref<26000x64xf32, #tpu.memory_space<hbm>>) target(%dma_start3A_19 : memref<128x64xf32, #tpu.memory_space<vmem>>) offsets(%dma_start3A_22 : memref<128xi32, #tpu.memory_space<vmem>>) semaphore(%arg8 : memref<!tpu.dma_semaphore, #tpu.memory_space<semaphore_mem>>)
    %dma_start3A_26 = arith.constant 2 : i32
    %dma_start3A_27 = arith.constant 2 : i32
    %dma_start3A_28 = arith.constant 0 : i32
    %dma_start3A_29 = arith.constant 0 : i32
    %dma_start3A_30 = tpu.memref_slice %arg6[%dma_start3A_27, %dma_start3A_28, %dma_start3A_29] : memref<8x128x64xf32, #tpu.memory_space<vmem>> -> memref<1x128x64xf32, #tpu.memory_space<vmem>>
    %dma_start3A_31 = tpu.memref_squeeze %dma_start3A_30 : memref<1x128x64xf32, #tpu.memory_space<vmem>> -> memref<128x64xf32, #tpu.memory_space<vmem>>
    %dma_start3A_32 = arith.constant 0 : i32
    %dma_start3A_33 = tpu.memref_slice %arg5[%dma_start3A_26, %dma_start3A_32] : memref<26x128xi32, #tpu.memory_space<vmem>> -> memref<1x128xi32, #tpu.memory_space<vmem>>
    %dma_start3A_34 = tpu.memref_squeeze %dma_start3A_33 : memref<1x128xi32, #tpu.memory_space<vmem>> -> memref<128xi32, #tpu.memory_space<vmem>>
    %dma_start3A_35 = arith.constant 0 : i32
    %dma_start3A_36 = arith.constant 0 : i32
    %dma_start3A_37 = tpu.memref_slice %arg2[%dma_start3A_35, %dma_start3A_36] : memref<26000x64xf32, #tpu.memory_space<hbm>> -> memref<26000x64xf32, #tpu.memory_space<hbm>>
    tpu.enqueue_indirect_dma source(%dma_start3A_37 : memref<26000x64xf32, #tpu.memory_space<hbm>>) target(%dma_start3A_31 : memref<128x64xf32, #tpu.memory_space<vmem>>) offsets(%dma_start3A_34 : memref<128xi32, #tpu.memory_space<vmem>>) semaphore(%arg9 : memref<!tpu.dma_semaphore, #tpu.memory_space<semaphore_mem>>)
    %dma_start3A_38 = arith.constant 3 : i32
    %dma_start3A_39 = arith.constant 3 : i32
    %dma_start3A_40 = arith.constant 0 : i32
    %dma_start3A_41 = arith.constant 0 : i32
    %dma_start3A_42 = tpu.memref_slice %arg6[%dma_start3A_39, %dma_start3A_40, %dma_start3A_41] : memref<8x128x64xf32, #tpu.memory_space<vmem>> -> memref<1x128x64xf32, #tpu.memory_space<vmem>>
    %dma_start3A_43 = tpu.memref_squeeze %dma_start3A_42 : memref<1x128x64xf32, #tpu.memory_space<vmem>> -> memref<128x64xf32, #tpu.memory_space<vmem>>
    %dma_start3A_44 = arith.constant 0 : i32
    %dma_start3A_45 = tpu.memref_slice %arg5[%dma_start3A_38, %dma_start3A_44] : memref<26x128xi32, #tpu.memory_space<vmem>> -> memref<1x128xi32, #tpu.memory_space<vmem>>
    %dma_start3A_46 = tpu.memref_squeeze %dma_start3A_45 : memref<1x128xi32, #tpu.memory_space<vmem>> -> memref<128xi32, #tpu.memory_space<vmem>>
    %dma_start3A_47 = arith.constant 0 : i32
    %dma_start3A_48 = arith.constant 0 : i32
    %dma_start3A_49 = tpu.memref_slice %arg2[%dma_start3A_47, %dma_start3A_48] : memref<26000x64xf32, #tpu.memory_space<hbm>> -> memref<26000x64xf32, #tpu.memory_space<hbm>>
    tpu.enqueue_indirect_dma source(%dma_start3A_49 : memref<26000x64xf32, #tpu.memory_space<hbm>>) target(%dma_start3A_43 : memref<128x64xf32, #tpu.memory_space<vmem>>) offsets(%dma_start3A_46 : memref<128xi32, #tpu.memory_space<vmem>>) semaphore(%arg10 : memref<!tpu.dma_semaphore, #tpu.memory_space<semaphore_mem>>)
    %dma_start3A_50 = arith.constant 4 : i32
    %dma_start3A_51 = arith.constant 4 : i32
    %dma_start3A_52 = arith.constant 0 : i32
    %dma_start3A_53 = arith.constant 0 : i32
    %dma_start3A_54 = tpu.memref_slice %arg6[%dma_start3A_51, %dma_start3A_52, %dma_start3A_53] : memref<8x128x64xf32, #tpu.memory_space<vmem>> -> memref<1x128x64xf32, #tpu.memory_space<vmem>>
    %dma_start3A_55 = tpu.memref_squeeze %dma_start3A_54 : memref<1x128x64xf32, #tpu.memory_space<vmem>> -> memref<128x64xf32, #tpu.memory_space<vmem>>
    %dma_start3A_56 = arith.constant 0 : i32
    %dma_start3A_57 = tpu.memref_slice %arg5[%dma_start3A_50, %dma_start3A_56] : memref<26x128xi32, #tpu.memory_space<vmem>> -> memref<1x128xi32, #tpu.memory_space<vmem>>
    %dma_start3A_58 = tpu.memref_squeeze %dma_start3A_57 : memref<1x128xi32, #tpu.memory_space<vmem>> -> memref<128xi32, #tpu.memory_space<vmem>>
    %dma_start3A_59 = arith.constant 0 : i32
    %dma_start3A_60 = arith.constant 0 : i32
    %dma_start3A_61 = tpu.memref_slice %arg2[%dma_start3A_59, %dma_start3A_60] : memref<26000x64xf32, #tpu.memory_space<hbm>> -> memref<26000x64xf32, #tpu.memory_space<hbm>>
    tpu.enqueue_indirect_dma source(%dma_start3A_61 : memref<26000x64xf32, #tpu.memory_space<hbm>>) target(%dma_start3A_55 : memref<128x64xf32, #tpu.memory_space<vmem>>) offsets(%dma_start3A_58 : memref<128xi32, #tpu.memory_space<vmem>>) semaphore(%arg11 : memref<!tpu.dma_semaphore, #tpu.memory_space<semaphore_mem>>)
    %dma_start3A_62 = arith.constant 5 : i32
    %dma_start3A_63 = arith.constant 5 : i32
    %dma_start3A_64 = arith.constant 0 : i32
    %dma_start3A_65 = arith.constant 0 : i32
    %dma_start3A_66 = tpu.memref_slice %arg6[%dma_start3A_63, %dma_start3A_64, %dma_start3A_65] : memref<8x128x64xf32, #tpu.memory_space<vmem>> -> memref<1x128x64xf32, #tpu.memory_space<vmem>>
    %dma_start3A_67 = tpu.memref_squeeze %dma_start3A_66 : memref<1x128x64xf32, #tpu.memory_space<vmem>> -> memref<128x64xf32, #tpu.memory_space<vmem>>
    %dma_start3A_68 = arith.constant 0 : i32
    %dma_start3A_69 = tpu.memref_slice %arg5[%dma_start3A_62, %dma_start3A_68] : memref<26x128xi32, #tpu.memory_space<vmem>> -> memref<1x128xi32, #tpu.memory_space<vmem>>
    %dma_start3A_70 = tpu.memref_squeeze %dma_start3A_69 : memref<1x128xi32, #tpu.memory_space<vmem>> -> memref<128xi32, #tpu.memory_space<vmem>>
    %dma_start3A_71 = arith.constant 0 : i32
    %dma_start3A_72 = arith.constant 0 : i32
    %dma_start3A_73 = tpu.memref_slice %arg2[%dma_start3A_71, %dma_start3A_72] : memref<26000x64xf32, #tpu.memory_space<hbm>> -> memref<26000x64xf32, #tpu.memory_space<hbm>>
    tpu.enqueue_indirect_dma source(%dma_start3A_73 : memref<26000x64xf32, #tpu.memory_space<hbm>>) target(%dma_start3A_67 : memref<128x64xf32, #tpu.memory_space<vmem>>) offsets(%dma_start3A_70 : memref<128xi32, #tpu.memory_space<vmem>>) semaphore(%arg12 : memref<!tpu.dma_semaphore, #tpu.memory_space<semaphore_mem>>)
    %dma_start3A_74 = arith.constant 6 : i32
    %dma_start3A_75 = arith.constant 6 : i32
    %dma_start3A_76 = arith.constant 0 : i32
    %dma_start3A_77 = arith.constant 0 : i32
    %dma_start3A_78 = tpu.memref_slice %arg6[%dma_start3A_75, %dma_start3A_76, %dma_start3A_77] : memref<8x128x64xf32, #tpu.memory_space<vmem>> -> memref<1x128x64xf32, #tpu.memory_space<vmem>>
    %dma_start3A_79 = tpu.memref_squeeze %dma_start3A_78 : memref<1x128x64xf32, #tpu.memory_space<vmem>> -> memref<128x64xf32, #tpu.memory_space<vmem>>
    %dma_start3A_80 = arith.constant 0 : i32
    %dma_start3A_81 = tpu.memref_slice %arg5[%dma_start3A_74, %dma_start3A_80] : memref<26x128xi32, #tpu.memory_space<vmem>> -> memref<1x128xi32, #tpu.memory_space<vmem>>
    %dma_start3A_82 = tpu.memref_squeeze %dma_start3A_81 : memref<1x128xi32, #tpu.memory_space<vmem>> -> memref<128xi32, #tpu.memory_space<vmem>>
    %dma_start3A_83 = arith.constant 0 : i32
    %dma_start3A_84 = arith.constant 0 : i32
    %dma_start3A_85 = tpu.memref_slice %arg2[%dma_start3A_83, %dma_start3A_84] : memref<26000x64xf32, #tpu.memory_space<hbm>> -> memref<26000x64xf32, #tpu.memory_space<hbm>>
    tpu.enqueue_indirect_dma source(%dma_start3A_85 : memref<26000x64xf32, #tpu.memory_space<hbm>>) target(%dma_start3A_79 : memref<128x64xf32, #tpu.memory_space<vmem>>) offsets(%dma_start3A_82 : memref<128xi32, #tpu.memory_space<vmem>>) semaphore(%arg13 : memref<!tpu.dma_semaphore, #tpu.memory_space<semaphore_mem>>)
    %dma_start3A_86 = arith.constant 7 : i32
    %dma_start3A_87 = arith.constant 7 : i32
    %dma_start3A_88 = arith.constant 0 : i32
    %dma_start3A_89 = arith.constant 0 : i32
    %dma_start3A_90 = tpu.memref_slice %arg6[%dma_start3A_87, %dma_start3A_88, %dma_start3A_89] : memref<8x128x64xf32, #tpu.memory_space<vmem>> -> memref<1x128x64xf32, #tpu.memory_space<vmem>>
    %dma_start3A_91 = tpu.memref_squeeze %dma_start3A_90 : memref<1x128x64xf32, #tpu.memory_space<vmem>> -> memref<128x64xf32, #tpu.memory_space<vmem>>
    %dma_start3A_92 = arith.constant 0 : i32
    %dma_start3A_93 = tpu.memref_slice %arg5[%dma_start3A_86, %dma_start3A_92] : memref<26x128xi32, #tpu.memory_space<vmem>> -> memref<1x128xi32, #tpu.memory_space<vmem>>
    %dma_start3A_94 = tpu.memref_squeeze %dma_start3A_93 : memref<1x128xi32, #tpu.memory_space<vmem>> -> memref<128xi32, #tpu.memory_space<vmem>>
    %dma_start3A_95 = arith.constant 0 : i32
    %dma_start3A_96 = arith.constant 0 : i32
    %dma_start3A_97 = tpu.memref_slice %arg2[%dma_start3A_95, %dma_start3A_96] : memref<26000x64xf32, #tpu.memory_space<hbm>> -> memref<26000x64xf32, #tpu.memory_space<hbm>>
    tpu.enqueue_indirect_dma source(%dma_start3A_97 : memref<26000x64xf32, #tpu.memory_space<hbm>>) target(%dma_start3A_91 : memref<128x64xf32, #tpu.memory_space<vmem>>) offsets(%dma_start3A_94 : memref<128xi32, #tpu.memory_space<vmem>>) semaphore(%arg14 : memref<!tpu.dma_semaphore, #tpu.memory_space<semaphore_mem>>)
    %dma_wait3A = arith.constant 0 : i32
    %dma_wait3A_98 = arith.constant 0 : i32
    %dma_wait3A_99 = arith.constant 0 : i32
    %dma_wait3A_100 = arith.constant 0 : i32
    %dma_wait3A_101 = tpu.memref_slice %arg6[%dma_wait3A_98, %dma_wait3A_99, %dma_wait3A_100] : memref<8x128x64xf32, #tpu.memory_space<vmem>> -> memref<1x128x64xf32, #tpu.memory_space<vmem>>
    %dma_wait3A_102 = tpu.memref_squeeze %dma_wait3A_101 : memref<1x128x64xf32, #tpu.memory_space<vmem>> -> memref<128x64xf32, #tpu.memory_space<vmem>>
    %dma_wait3A_103 = arith.constant 0 : i32
    %dma_wait3A_104 = tpu.memref_slice %arg5[%dma_wait3A, %dma_wait3A_103] : memref<26x128xi32, #tpu.memory_space<vmem>> -> memref<1x128xi32, #tpu.memory_space<vmem>>
    %dma_wait3A_105 = tpu.memref_squeeze %dma_wait3A_104 : memref<1x128xi32, #tpu.memory_space<vmem>> -> memref<128xi32, #tpu.memory_space<vmem>>
    %dma_wait3A_106 = arith.constant 0 : i32
    %dma_wait3A_107 = arith.constant 0 : i32
    %dma_wait3A_108 = tpu.memref_slice %arg2[%dma_wait3A_106, %dma_wait3A_107] : memref<26000x64xf32, #tpu.memory_space<hbm>> -> memref<26000x64xf32, #tpu.memory_space<hbm>>
    tpu.wait_indirect_dma semaphore(%arg7 : memref<!tpu.dma_semaphore, #tpu.memory_space<semaphore_mem>>) src(%dma_wait3A_108 : memref<26000x64xf32, #tpu.memory_space<hbm>>) dst(%dma_wait3A_102 : memref<128x64xf32, #tpu.memory_space<vmem>>)
    %add3A_109 = arith.constant 0 : i32
    %add3A_110 = arith.addi %mul3A_2, %add3A_109 : i32
    %run_scoped3A = arith.constant 0 : i32
    "tpu.region"() ({
      %run_scoped3A_702 = tpu.sem_alloc : memref<!tpu.dma_semaphore, #tpu.memory_space<semaphore_mem>>
      %dma_start3A_703 = arith.constant 0 : i32
      %dma_start3A_704 = arith.constant 0 : i32
      %dma_start3A_705 = tpu.memref_slice %arg6[%run_scoped3A, %dma_start3A_703, %dma_start3A_704] : memref<8x128x64xf32, #tpu.memory_space<vmem>> -> memref<1x128x64xf32, #tpu.memory_space<vmem>>
      %dma_start3A_706 = tpu.memref_squeeze %dma_start3A_705 : memref<1x128x64xf32, #tpu.memory_space<vmem>> -> memref<128x64xf32, #tpu.memory_space<vmem>>
      %dma_start3A_707 = arith.constant 0 : i32
      %dma_start3A_708 = tpu.memref_slice %arg4[%add3A_110, %dma_start3A_707] : memref<106496x64xf32, #tpu.memory_space<hbm>> -> memref<128x64xf32, #tpu.memory_space<hbm>>
      %dma_start3A_709 = arith.constant 0 : i32
      %dma_start3A_710 = tpu.memref_slice %arg4[%add3A_110, %dma_start3A_709] : memref<106496x64xf32, #tpu.memory_space<hbm>> -> memref<128x64xf32, #tpu.memory_space<hbm>>
      %dma_start3A_711 = arith.constant 0 : i32
      %dma_start3A_712 = arith.constant 0 : i32
      %dma_start3A_713 = tpu.memref_slice %arg6[%run_scoped3A, %dma_start3A_711, %dma_start3A_712] : memref<8x128x64xf32, #tpu.memory_space<vmem>> -> memref<1x128x64xf32, #tpu.memory_space<vmem>>
      %dma_start3A_714 = tpu.memref_squeeze %dma_start3A_713 : memref<1x128x64xf32, #tpu.memory_space<vmem>> -> memref<128x64xf32, #tpu.memory_space<vmem>>
      tpu.enqueue_dma source(%dma_start3A_714 : memref<128x64xf32, #tpu.memory_space<vmem>>) target(%dma_start3A_710 : memref<128x64xf32, #tpu.memory_space<hbm>>) target_semaphore(%run_scoped3A_702 : memref<!tpu.dma_semaphore, #tpu.memory_space<semaphore_mem>>)
      %dma_wait3A_715 = arith.constant 0 : i32
      %dma_wait3A_716 = arith.constant 0 : i32
      %dma_wait3A_717 = tpu.memref_slice %arg6[%run_scoped3A, %dma_wait3A_715, %dma_wait3A_716] : memref<8x128x64xf32, #tpu.memory_space<vmem>> -> memref<1x128x64xf32, #tpu.memory_space<vmem>>
      %dma_wait3A_718 = tpu.memref_squeeze %dma_wait3A_717 : memref<1x128x64xf32, #tpu.memory_space<vmem>> -> memref<128x64xf32, #tpu.memory_space<vmem>>
      %dma_wait3A_719 = arith.constant 0 : i32
      %dma_wait3A_720 = tpu.memref_slice %arg4[%add3A_110, %dma_wait3A_719] : memref<106496x64xf32, #tpu.memory_space<hbm>> -> memref<128x64xf32, #tpu.memory_space<hbm>>
      %dma_wait3A_721 = arith.constant 0 : i32
      %dma_wait3A_722 = tpu.memref_slice %arg4[%add3A_110, %dma_wait3A_721] : memref<106496x64xf32, #tpu.memory_space<hbm>> -> memref<128x64xf32, #tpu.memory_space<hbm>>
      %dma_wait3A_723 = arith.constant 0 : i32
      %dma_wait3A_724 = arith.constant 0 : i32
      %dma_wait3A_725 = tpu.memref_slice %arg6[%run_scoped3A, %dma_wait3A_723, %dma_wait3A_724] : memref<8x128x64xf32, #tpu.memory_space<vmem>> -> memref<1x128x64xf32, #tpu.memory_space<vmem>>
      %dma_wait3A_726 = tpu.memref_squeeze %dma_wait3A_725 : memref<1x128x64xf32, #tpu.memory_space<vmem>> -> memref<128x64xf32, #tpu.memory_space<vmem>>
      tpu.wait_dma2 semaphore(%run_scoped3A_702 : memref<!tpu.dma_semaphore, #tpu.memory_space<semaphore_mem>>) src(%dma_wait3A_726 : memref<128x64xf32, #tpu.memory_space<vmem>>) dst(%dma_wait3A_722 : memref<128x64xf32, #tpu.memory_space<hbm>>)
      tpu.yield
    }) : () -> ()
    %dma_start3A_111 = arith.constant 8 : i32
    %dma_start3A_112 = arith.constant 0 : i32
    %dma_start3A_113 = arith.constant 0 : i32
    %dma_start3A_114 = arith.constant 0 : i32
    %dma_start3A_115 = tpu.memref_slice %arg6[%dma_start3A_112, %dma_start3A_113, %dma_start3A_114] : memref<8x128x64xf32, #tpu.memory_space<vmem>> -> memref<1x128x64xf32, #tpu.memory_space<vmem>>
    %dma_start3A_116 = tpu.memref_squeeze %dma_start3A_115 : memref<1x128x64xf32, #tpu.memory_space<vmem>> -> memref<128x64xf32, #tpu.memory_space<vmem>>
    %dma_start3A_117 = arith.constant 0 : i32
    %dma_start3A_118 = tpu.memref_slice %arg5[%dma_start3A_111, %dma_start3A_117] : memref<26x128xi32, #tpu.memory_space<vmem>> -> memref<1x128xi32, #tpu.memory_space<vmem>>
    %dma_start3A_119 = tpu.memref_squeeze %dma_start3A_118 : memref<1x128xi32, #tpu.memory_space<vmem>> -> memref<128xi32, #tpu.memory_space<vmem>>
    %dma_start3A_120 = arith.constant 0 : i32
    %dma_start3A_121 = arith.constant 0 : i32
    %dma_start3A_122 = tpu.memref_slice %arg2[%dma_start3A_120, %dma_start3A_121] : memref<26000x64xf32, #tpu.memory_space<hbm>> -> memref<26000x64xf32, #tpu.memory_space<hbm>>
    tpu.enqueue_indirect_dma source(%dma_start3A_122 : memref<26000x64xf32, #tpu.memory_space<hbm>>) target(%dma_start3A_116 : memref<128x64xf32, #tpu.memory_space<vmem>>) offsets(%dma_start3A_119 : memref<128xi32, #tpu.memory_space<vmem>>) semaphore(%arg7 : memref<!tpu.dma_semaphore, #tpu.memory_space<semaphore_mem>>)
    %dma_wait3A_123 = arith.constant 1 : i32
    %dma_wait3A_124 = arith.constant 1 : i32
    %dma_wait3A_125 = arith.constant 0 : i32
    %dma_wait3A_126 = arith.constant 0 : i32
    %dma_wait3A_127 = tpu.memref_slice %arg6[%dma_wait3A_124, %dma_wait3A_125, %dma_wait3A_126] : memref<8x128x64xf32, #tpu.memory_space<vmem>> -> memref<1x128x64xf32, #tpu.memory_space<vmem>>
    %dma_wait3A_128 = tpu.memref_squeeze %dma_wait3A_127 : memref<1x128x64xf32, #tpu.memory_space<vmem>> -> memref<128x64xf32, #tpu.memory_space<vmem>>
    %dma_wait3A_129 = arith.constant 0 : i32
    %dma_wait3A_130 = tpu.memref_slice %arg5[%dma_wait3A_123, %dma_wait3A_129] : memref<26x128xi32, #tpu.memory_space<vmem>> -> memref<1x128xi32, #tpu.memory_space<vmem>>
    %dma_wait3A_131 = tpu.memref_squeeze %dma_wait3A_130 : memref<1x128xi32, #tpu.memory_space<vmem>> -> memref<128xi32, #tpu.memory_space<vmem>>
    %dma_wait3A_132 = arith.constant 0 : i32
    %dma_wait3A_133 = arith.constant 0 : i32
    %dma_wait3A_134 = tpu.memref_slice %arg2[%dma_wait3A_132, %dma_wait3A_133] : memref<26000x64xf32, #tpu.memory_space<hbm>> -> memref<26000x64xf32, #tpu.memory_space<hbm>>
    tpu.wait_indirect_dma semaphore(%arg8 : memref<!tpu.dma_semaphore, #tpu.memory_space<semaphore_mem>>) src(%dma_wait3A_134 : memref<26000x64xf32, #tpu.memory_space<hbm>>) dst(%dma_wait3A_128 : memref<128x64xf32, #tpu.memory_space<vmem>>)
    %add3A_135 = arith.constant 128 : i32
    %add3A_136 = arith.addi %mul3A_2, %add3A_135 : i32
    %run_scoped3A_137 = arith.constant 1 : i32
    "tpu.region"() ({
      %run_scoped3A_702 = tpu.sem_alloc : memref<!tpu.dma_semaphore, #tpu.memory_space<semaphore_mem>>
      %dma_start3A_703 = arith.constant 0 : i32
      %dma_start3A_704 = arith.constant 0 : i32
      %dma_start3A_705 = tpu.memref_slice %arg6[%run_scoped3A_137, %dma_start3A_703, %dma_start3A_704] : memref<8x128x64xf32, #tpu.memory_space<vmem>> -> memref<1x128x64xf32, #tpu.memory_space<vmem>>
      %dma_start3A_706 = tpu.memref_squeeze %dma_start3A_705 : memref<1x128x64xf32, #tpu.memory_space<vmem>> -> memref<128x64xf32, #tpu.memory_space<vmem>>
      %dma_start3A_707 = arith.constant 0 : i32
      %dma_start3A_708 = tpu.memref_slice %arg4[%add3A_136, %dma_start3A_707] : memref<106496x64xf32, #tpu.memory_space<hbm>> -> memref<128x64xf32, #tpu.memory_space<hbm>>
      %dma_start3A_709 = arith.constant 0 : i32
      %dma_start3A_710 = tpu.memref_slice %arg4[%add3A_136, %dma_start3A_709] : memref<106496x64xf32, #tpu.memory_space<hbm>> -> memref<128x64xf32, #tpu.memory_space<hbm>>
      %dma_start3A_711 = arith.constant 0 : i32
      %dma_start3A_712 = arith.constant 0 : i32
      %dma_start3A_713 = tpu.memref_slice %arg6[%run_scoped3A_137, %dma_start3A_711, %dma_start3A_712] : memref<8x128x64xf32, #tpu.memory_space<vmem>> -> memref<1x128x64xf32, #tpu.memory_space<vmem>>
      %dma_start3A_714 = tpu.memref_squeeze %dma_start3A_713 : memref<1x128x64xf32, #tpu.memory_space<vmem>> -> memref<128x64xf32, #tpu.memory_space<vmem>>
      tpu.enqueue_dma source(%dma_start3A_714 : memref<128x64xf32, #tpu.memory_space<vmem>>) target(%dma_start3A_710 : memref<128x64xf32, #tpu.memory_space<hbm>>) target_semaphore(%run_scoped3A_702 : memref<!tpu.dma_semaphore, #tpu.memory_space<semaphore_mem>>)
      %dma_wait3A_715 = arith.constant 0 : i32
      %dma_wait3A_716 = arith.constant 0 : i32
      %dma_wait3A_717 = tpu.memref_slice %arg6[%run_scoped3A_137, %dma_wait3A_715, %dma_wait3A_716] : memref<8x128x64xf32, #tpu.memory_space<vmem>> -> memref<1x128x64xf32, #tpu.memory_space<vmem>>
      %dma_wait3A_718 = tpu.memref_squeeze %dma_wait3A_717 : memref<1x128x64xf32, #tpu.memory_space<vmem>> -> memref<128x64xf32, #tpu.memory_space<vmem>>
      %dma_wait3A_719 = arith.constant 0 : i32
      %dma_wait3A_720 = tpu.memref_slice %arg4[%add3A_136, %dma_wait3A_719] : memref<106496x64xf32, #tpu.memory_space<hbm>> -> memref<128x64xf32, #tpu.memory_space<hbm>>
      %dma_wait3A_721 = arith.constant 0 : i32
      %dma_wait3A_722 = tpu.memref_slice %arg4[%add3A_136, %dma_wait3A_721] : memref<106496x64xf32, #tpu.memory_space<hbm>> -> memref<128x64xf32, #tpu.memory_space<hbm>>
      %dma_wait3A_723 = arith.constant 0 : i32
      %dma_wait3A_724 = arith.constant 0 : i32
      %dma_wait3A_725 = tpu.memref_slice %arg6[%run_scoped3A_137, %dma_wait3A_723, %dma_wait3A_724] : memref<8x128x64xf32, #tpu.memory_space<vmem>> -> memref<1x128x64xf32, #tpu.memory_space<vmem>>
      %dma_wait3A_726 = tpu.memref_squeeze %dma_wait3A_725 : memref<1x128x64xf32, #tpu.memory_space<vmem>> -> memref<128x64xf32, #tpu.memory_space<vmem>>
      tpu.wait_dma2 semaphore(%run_scoped3A_702 : memref<!tpu.dma_semaphore, #tpu.memory_space<semaphore_mem>>) src(%dma_wait3A_726 : memref<128x64xf32, #tpu.memory_space<vmem>>) dst(%dma_wait3A_722 : memref<128x64xf32, #tpu.memory_space<hbm>>)
      tpu.yield
    }) : () -> ()
    %dma_start3A_138 = arith.constant 9 : i32
    %dma_start3A_139 = arith.constant 1 : i32
    %dma_start3A_140 = arith.constant 0 : i32
    %dma_start3A_141 = arith.constant 0 : i32
    %dma_start3A_142 = tpu.memref_slice %arg6[%dma_start3A_139, %dma_start3A_140, %dma_start3A_141] : memref<8x128x64xf32, #tpu.memory_space<vmem>> -> memref<1x128x64xf32, #tpu.memory_space<vmem>>
    %dma_start3A_143 = tpu.memref_squeeze %dma_start3A_142 : memref<1x128x64xf32, #tpu.memory_space<vmem>> -> memref<128x64xf32, #tpu.memory_space<vmem>>
    %dma_start3A_144 = arith.constant 0 : i32
    %dma_start3A_145 = tpu.memref_slice %arg5[%dma_start3A_138, %dma_start3A_144] : memref<26x128xi32, #tpu.memory_space<vmem>> -> memref<1x128xi32, #tpu.memory_space<vmem>>
    %dma_start3A_146 = tpu.memref_squeeze %dma_start3A_145 : memref<1x128xi32, #tpu.memory_space<vmem>> -> memref<128xi32, #tpu.memory_space<vmem>>
    %dma_start3A_147 = arith.constant 0 : i32
    %dma_start3A_148 = arith.constant 0 : i32
    %dma_start3A_149 = tpu.memref_slice %arg2[%dma_start3A_147, %dma_start3A_148] : memref<26000x64xf32, #tpu.memory_space<hbm>> -> memref<26000x64xf32, #tpu.memory_space<hbm>>
    tpu.enqueue_indirect_dma source(%dma_start3A_149 : memref<26000x64xf32, #tpu.memory_space<hbm>>) target(%dma_start3A_143 : memref<128x64xf32, #tpu.memory_space<vmem>>) offsets(%dma_start3A_146 : memref<128xi32, #tpu.memory_space<vmem>>) semaphore(%arg8 : memref<!tpu.dma_semaphore, #tpu.memory_space<semaphore_mem>>)
    %dma_wait3A_150 = arith.constant 2 : i32
    %dma_wait3A_151 = arith.constant 2 : i32
    %dma_wait3A_152 = arith.constant 0 : i32
    %dma_wait3A_153 = arith.constant 0 : i32
    %dma_wait3A_154 = tpu.memref_slice %arg6[%dma_wait3A_151, %dma_wait3A_152, %dma_wait3A_153] : memref<8x128x64xf32, #tpu.memory_space<vmem>> -> memref<1x128x64xf32, #tpu.memory_space<vmem>>
    %dma_wait3A_155 = tpu.memref_squeeze %dma_wait3A_154 : memref<1x128x64xf32, #tpu.memory_space<vmem>> -> memref<128x64xf32, #tpu.memory_space<vmem>>
    %dma_wait3A_156 = arith.constant 0 : i32
    %dma_wait3A_157 = tpu.memref_slice %arg5[%dma_wait3A_150, %dma_wait3A_156] : memref<26x128xi32, #tpu.memory_space<vmem>> -> memref<1x128xi32, #tpu.memory_space<vmem>>
    %dma_wait3A_158 = tpu.memref_squeeze %dma_wait3A_157 : memref<1x128xi32, #tpu.memory_space<vmem>> -> memref<128xi32, #tpu.memory_space<vmem>>
    %dma_wait3A_159 = arith.constant 0 : i32
    %dma_wait3A_160 = arith.constant 0 : i32
    %dma_wait3A_161 = tpu.memref_slice %arg2[%dma_wait3A_159, %dma_wait3A_160] : memref<26000x64xf32, #tpu.memory_space<hbm>> -> memref<26000x64xf32, #tpu.memory_space<hbm>>
    tpu.wait_indirect_dma semaphore(%arg9 : memref<!tpu.dma_semaphore, #tpu.memory_space<semaphore_mem>>) src(%dma_wait3A_161 : memref<26000x64xf32, #tpu.memory_space<hbm>>) dst(%dma_wait3A_155 : memref<128x64xf32, #tpu.memory_space<vmem>>)
    %add3A_162 = arith.constant 256 : i32
    %add3A_163 = arith.addi %mul3A_2, %add3A_162 : i32
    %run_scoped3A_164 = arith.constant 2 : i32
    "tpu.region"() ({
      %run_scoped3A_702 = tpu.sem_alloc : memref<!tpu.dma_semaphore, #tpu.memory_space<semaphore_mem>>
      %dma_start3A_703 = arith.constant 0 : i32
      %dma_start3A_704 = arith.constant 0 : i32
      %dma_start3A_705 = tpu.memref_slice %arg6[%run_scoped3A_164, %dma_start3A_703, %dma_start3A_704] : memref<8x128x64xf32, #tpu.memory_space<vmem>> -> memref<1x128x64xf32, #tpu.memory_space<vmem>>
      %dma_start3A_706 = tpu.memref_squeeze %dma_start3A_705 : memref<1x128x64xf32, #tpu.memory_space<vmem>> -> memref<128x64xf32, #tpu.memory_space<vmem>>
      %dma_start3A_707 = arith.constant 0 : i32
      %dma_start3A_708 = tpu.memref_slice %arg4[%add3A_163, %dma_start3A_707] : memref<106496x64xf32, #tpu.memory_space<hbm>> -> memref<128x64xf32, #tpu.memory_space<hbm>>
      %dma_start3A_709 = arith.constant 0 : i32
      %dma_start3A_710 = tpu.memref_slice %arg4[%add3A_163, %dma_start3A_709] : memref<106496x64xf32, #tpu.memory_space<hbm>> -> memref<128x64xf32, #tpu.memory_space<hbm>>
      %dma_start3A_711 = arith.constant 0 : i32
      %dma_start3A_712 = arith.constant 0 : i32
      %dma_start3A_713 = tpu.memref_slice %arg6[%run_scoped3A_164, %dma_start3A_711, %dma_start3A_712] : memref<8x128x64xf32, #tpu.memory_space<vmem>> -> memref<1x128x64xf32, #tpu.memory_space<vmem>>
      %dma_start3A_714 = tpu.memref_squeeze %dma_start3A_713 : memref<1x128x64xf32, #tpu.memory_space<vmem>> -> memref<128x64xf32, #tpu.memory_space<vmem>>
      tpu.enqueue_dma source(%dma_start3A_714 : memref<128x64xf32, #tpu.memory_space<vmem>>) target(%dma_start3A_710 : memref<128x64xf32, #tpu.memory_space<hbm>>) target_semaphore(%run_scoped3A_702 : memref<!tpu.dma_semaphore, #tpu.memory_space<semaphore_mem>>)
      %dma_wait3A_715 = arith.constant 0 : i32
      %dma_wait3A_716 = arith.constant 0 : i32
      %dma_wait3A_717 = tpu.memref_slice %arg6[%run_scoped3A_164, %dma_wait3A_715, %dma_wait3A_716] : memref<8x128x64xf32, #tpu.memory_space<vmem>> -> memref<1x128x64xf32, #tpu.memory_space<vmem>>
      %dma_wait3A_718 = tpu.memref_squeeze %dma_wait3A_717 : memref<1x128x64xf32, #tpu.memory_space<vmem>> -> memref<128x64xf32, #tpu.memory_space<vmem>>
      %dma_wait3A_719 = arith.constant 0 : i32
      %dma_wait3A_720 = tpu.memref_slice %arg4[%add3A_163, %dma_wait3A_719] : memref<106496x64xf32, #tpu.memory_space<hbm>> -> memref<128x64xf32, #tpu.memory_space<hbm>>
      %dma_wait3A_721 = arith.constant 0 : i32
      %dma_wait3A_722 = tpu.memref_slice %arg4[%add3A_163, %dma_wait3A_721] : memref<106496x64xf32, #tpu.memory_space<hbm>> -> memref<128x64xf32, #tpu.memory_space<hbm>>
      %dma_wait3A_723 = arith.constant 0 : i32
      %dma_wait3A_724 = arith.constant 0 : i32
      %dma_wait3A_725 = tpu.memref_slice %arg6[%run_scoped3A_164, %dma_wait3A_723, %dma_wait3A_724] : memref<8x128x64xf32, #tpu.memory_space<vmem>> -> memref<1x128x64xf32, #tpu.memory_space<vmem>>
      %dma_wait3A_726 = tpu.memref_squeeze %dma_wait3A_725 : memref<1x128x64xf32, #tpu.memory_space<vmem>> -> memref<128x64xf32, #tpu.memory_space<vmem>>
      tpu.wait_dma2 semaphore(%run_scoped3A_702 : memref<!tpu.dma_semaphore, #tpu.memory_space<semaphore_mem>>) src(%dma_wait3A_726 : memref<128x64xf32, #tpu.memory_space<vmem>>) dst(%dma_wait3A_722 : memref<128x64xf32, #tpu.memory_space<hbm>>)
      tpu.yield
    }) : () -> ()
    %dma_start3A_165 = arith.constant 10 : i32
    %dma_start3A_166 = arith.constant 2 : i32
    %dma_start3A_167 = arith.constant 0 : i32
    %dma_start3A_168 = arith.constant 0 : i32
    %dma_start3A_169 = tpu.memref_slice %arg6[%dma_start3A_166, %dma_start3A_167, %dma_start3A_168] : memref<8x128x64xf32, #tpu.memory_space<vmem>> -> memref<1x128x64xf32, #tpu.memory_space<vmem>>
    %dma_start3A_170 = tpu.memref_squeeze %dma_start3A_169 : memref<1x128x64xf32, #tpu.memory_space<vmem>> -> memref<128x64xf32, #tpu.memory_space<vmem>>
    %dma_start3A_171 = arith.constant 0 : i32
    %dma_start3A_172 = tpu.memref_slice %arg5[%dma_start3A_165, %dma_start3A_171] : memref<26x128xi32, #tpu.memory_space<vmem>> -> memref<1x128xi32, #tpu.memory_space<vmem>>
    %dma_start3A_173 = tpu.memref_squeeze %dma_start3A_172 : memref<1x128xi32, #tpu.memory_space<vmem>> -> memref<128xi32, #tpu.memory_space<vmem>>
    %dma_start3A_174 = arith.constant 0 : i32
    %dma_start3A_175 = arith.constant 0 : i32
    %dma_start3A_176 = tpu.memref_slice %arg2[%dma_start3A_174, %dma_start3A_175] : memref<26000x64xf32, #tpu.memory_space<hbm>> -> memref<26000x64xf32, #tpu.memory_space<hbm>>
    tpu.enqueue_indirect_dma source(%dma_start3A_176 : memref<26000x64xf32, #tpu.memory_space<hbm>>) target(%dma_start3A_170 : memref<128x64xf32, #tpu.memory_space<vmem>>) offsets(%dma_start3A_173 : memref<128xi32, #tpu.memory_space<vmem>>) semaphore(%arg9 : memref<!tpu.dma_semaphore, #tpu.memory_space<semaphore_mem>>)
    %dma_wait3A_177 = arith.constant 3 : i32
    %dma_wait3A_178 = arith.constant 3 : i32
    %dma_wait3A_179 = arith.constant 0 : i32
    %dma_wait3A_180 = arith.constant 0 : i32
    %dma_wait3A_181 = tpu.memref_slice %arg6[%dma_wait3A_178, %dma_wait3A_179, %dma_wait3A_180] : memref<8x128x64xf32, #tpu.memory_space<vmem>> -> memref<1x128x64xf32, #tpu.memory_space<vmem>>
    %dma_wait3A_182 = tpu.memref_squeeze %dma_wait3A_181 : memref<1x128x64xf32, #tpu.memory_space<vmem>> -> memref<128x64xf32, #tpu.memory_space<vmem>>
    %dma_wait3A_183 = arith.constant 0 : i32
    %dma_wait3A_184 = tpu.memref_slice %arg5[%dma_wait3A_177, %dma_wait3A_183] : memref<26x128xi32, #tpu.memory_space<vmem>> -> memref<1x128xi32, #tpu.memory_space<vmem>>
    %dma_wait3A_185 = tpu.memref_squeeze %dma_wait3A_184 : memref<1x128xi32, #tpu.memory_space<vmem>> -> memref<128xi32, #tpu.memory_space<vmem>>
    %dma_wait3A_186 = arith.constant 0 : i32
    %dma_wait3A_187 = arith.constant 0 : i32
    %dma_wait3A_188 = tpu.memref_slice %arg2[%dma_wait3A_186, %dma_wait3A_187] : memref<26000x64xf32, #tpu.memory_space<hbm>> -> memref<26000x64xf32, #tpu.memory_space<hbm>>
    tpu.wait_indirect_dma semaphore(%arg10 : memref<!tpu.dma_semaphore, #tpu.memory_space<semaphore_mem>>) src(%dma_wait3A_188 : memref<26000x64xf32, #tpu.memory_space<hbm>>) dst(%dma_wait3A_182 : memref<128x64xf32, #tpu.memory_space<vmem>>)
    %add3A_189 = arith.constant 384 : i32
    %add3A_190 = arith.addi %mul3A_2, %add3A_189 : i32
    %run_scoped3A_191 = arith.constant 3 : i32
    "tpu.region"() ({
      %run_scoped3A_702 = tpu.sem_alloc : memref<!tpu.dma_semaphore, #tpu.memory_space<semaphore_mem>>
      %dma_start3A_703 = arith.constant 0 : i32
      %dma_start3A_704 = arith.constant 0 : i32
      %dma_start3A_705 = tpu.memref_slice %arg6[%run_scoped3A_191, %dma_start3A_703, %dma_start3A_704] : memref<8x128x64xf32, #tpu.memory_space<vmem>> -> memref<1x128x64xf32, #tpu.memory_space<vmem>>
      %dma_start3A_706 = tpu.memref_squeeze %dma_start3A_705 : memref<1x128x64xf32, #tpu.memory_space<vmem>> -> memref<128x64xf32, #tpu.memory_space<vmem>>
      %dma_start3A_707 = arith.constant 0 : i32
      %dma_start3A_708 = tpu.memref_slice %arg4[%add3A_190, %dma_start3A_707] : memref<106496x64xf32, #tpu.memory_space<hbm>> -> memref<128x64xf32, #tpu.memory_space<hbm>>
      %dma_start3A_709 = arith.constant 0 : i32
      %dma_start3A_710 = tpu.memref_slice %arg4[%add3A_190, %dma_start3A_709] : memref<106496x64xf32, #tpu.memory_space<hbm>> -> memref<128x64xf32, #tpu.memory_space<hbm>>
      %dma_start3A_711 = arith.constant 0 : i32
      %dma_start3A_712 = arith.constant 0 : i32
      %dma_start3A_713 = tpu.memref_slice %arg6[%run_scoped3A_191, %dma_start3A_711, %dma_start3A_712] : memref<8x128x64xf32, #tpu.memory_space<vmem>> -> memref<1x128x64xf32, #tpu.memory_space<vmem>>
      %dma_start3A_714 = tpu.memref_squeeze %dma_start3A_713 : memref<1x128x64xf32, #tpu.memory_space<vmem>> -> memref<128x64xf32, #tpu.memory_space<vmem>>
      tpu.enqueue_dma source(%dma_start3A_714 : memref<128x64xf32, #tpu.memory_space<vmem>>) target(%dma_start3A_710 : memref<128x64xf32, #tpu.memory_space<hbm>>) target_semaphore(%run_scoped3A_702 : memref<!tpu.dma_semaphore, #tpu.memory_space<semaphore_mem>>)
      %dma_wait3A_715 = arith.constant 0 : i32
      %dma_wait3A_716 = arith.constant 0 : i32
      %dma_wait3A_717 = tpu.memref_slice %arg6[%run_scoped3A_191, %dma_wait3A_715, %dma_wait3A_716] : memref<8x128x64xf32, #tpu.memory_space<vmem>> -> memref<1x128x64xf32, #tpu.memory_space<vmem>>
      %dma_wait3A_718 = tpu.memref_squeeze %dma_wait3A_717 : memref<1x128x64xf32, #tpu.memory_space<vmem>> -> memref<128x64xf32, #tpu.memory_space<vmem>>
      %dma_wait3A_719 = arith.constant 0 : i32
      %dma_wait3A_720 = tpu.memref_slice %arg4[%add3A_190, %dma_wait3A_719] : memref<106496x64xf32, #tpu.memory_space<hbm>> -> memref<128x64xf32, #tpu.memory_space<hbm>>
      %dma_wait3A_721 = arith.constant 0 : i32
      %dma_wait3A_722 = tpu.memref_slice %arg4[%add3A_190, %dma_wait3A_721] : memref<106496x64xf32, #tpu.memory_space<hbm>> -> memref<128x64xf32, #tpu.memory_space<hbm>>
      %dma_wait3A_723 = arith.constant 0 : i32
      %dma_wait3A_724 = arith.constant 0 : i32
      %dma_wait3A_725 = tpu.memref_slice %arg6[%run_scoped3A_191, %dma_wait3A_723, %dma_wait3A_724] : memref<8x128x64xf32, #tpu.memory_space<vmem>> -> memref<1x128x64xf32, #tpu.memory_space<vmem>>
      %dma_wait3A_726 = tpu.memref_squeeze %dma_wait3A_725 : memref<1x128x64xf32, #tpu.memory_space<vmem>> -> memref<128x64xf32, #tpu.memory_space<vmem>>
      tpu.wait_dma2 semaphore(%run_scoped3A_702 : memref<!tpu.dma_semaphore, #tpu.memory_space<semaphore_mem>>) src(%dma_wait3A_726 : memref<128x64xf32, #tpu.memory_space<vmem>>) dst(%dma_wait3A_722 : memref<128x64xf32, #tpu.memory_space<hbm>>)
      tpu.yield
    }) : () -> ()
    %dma_start3A_192 = arith.constant 11 : i32
    %dma_start3A_193 = arith.constant 3 : i32
    %dma_start3A_194 = arith.constant 0 : i32
    %dma_start3A_195 = arith.constant 0 : i32
    %dma_start3A_196 = tpu.memref_slice %arg6[%dma_start3A_193, %dma_start3A_194, %dma_start3A_195] : memref<8x128x64xf32, #tpu.memory_space<vmem>> -> memref<1x128x64xf32, #tpu.memory_space<vmem>>
    %dma_start3A_197 = tpu.memref_squeeze %dma_start3A_196 : memref<1x128x64xf32, #tpu.memory_space<vmem>> -> memref<128x64xf32, #tpu.memory_space<vmem>>
    %dma_start3A_198 = arith.constant 0 : i32
    %dma_start3A_199 = tpu.memref_slice %arg5[%dma_start3A_192, %dma_start3A_198] : memref<26x128xi32, #tpu.memory_space<vmem>> -> memref<1x128xi32, #tpu.memory_space<vmem>>
    %dma_start3A_200 = tpu.memref_squeeze %dma_start3A_199 : memref<1x128xi32, #tpu.memory_space<vmem>> -> memref<128xi32, #tpu.memory_space<vmem>>
    %dma_start3A_201 = arith.constant 0 : i32
    %dma_start3A_202 = arith.constant 0 : i32
    %dma_start3A_203 = tpu.memref_slice %arg2[%dma_start3A_201, %dma_start3A_202] : memref<26000x64xf32, #tpu.memory_space<hbm>> -> memref<26000x64xf32, #tpu.memory_space<hbm>>
    tpu.enqueue_indirect_dma source(%dma_start3A_203 : memref<26000x64xf32, #tpu.memory_space<hbm>>) target(%dma_start3A_197 : memref<128x64xf32, #tpu.memory_space<vmem>>) offsets(%dma_start3A_200 : memref<128xi32, #tpu.memory_space<vmem>>) semaphore(%arg10 : memref<!tpu.dma_semaphore, #tpu.memory_space<semaphore_mem>>)
    %dma_wait3A_204 = arith.constant 4 : i32
    %dma_wait3A_205 = arith.constant 4 : i32
    %dma_wait3A_206 = arith.constant 0 : i32
    %dma_wait3A_207 = arith.constant 0 : i32
    %dma_wait3A_208 = tpu.memref_slice %arg6[%dma_wait3A_205, %dma_wait3A_206, %dma_wait3A_207] : memref<8x128x64xf32, #tpu.memory_space<vmem>> -> memref<1x128x64xf32, #tpu.memory_space<vmem>>
    %dma_wait3A_209 = tpu.memref_squeeze %dma_wait3A_208 : memref<1x128x64xf32, #tpu.memory_space<vmem>> -> memref<128x64xf32, #tpu.memory_space<vmem>>
    %dma_wait3A_210 = arith.constant 0 : i32
    %dma_wait3A_211 = tpu.memref_slice %arg5[%dma_wait3A_204, %dma_wait3A_210] : memref<26x128xi32, #tpu.memory_space<vmem>> -> memref<1x128xi32, #tpu.memory_space<vmem>>
    %dma_wait3A_212 = tpu.memref_squeeze %dma_wait3A_211 : memref<1x128xi32, #tpu.memory_space<vmem>> -> memref<128xi32, #tpu.memory_space<vmem>>
    %dma_wait3A_213 = arith.constant 0 : i32
    %dma_wait3A_214 = arith.constant 0 : i32
    %dma_wait3A_215 = tpu.memref_slice %arg2[%dma_wait3A_213, %dma_wait3A_214] : memref<26000x64xf32, #tpu.memory_space<hbm>> -> memref<26000x64xf32, #tpu.memory_space<hbm>>
    tpu.wait_indirect_dma semaphore(%arg11 : memref<!tpu.dma_semaphore, #tpu.memory_space<semaphore_mem>>) src(%dma_wait3A_215 : memref<26000x64xf32, #tpu.memory_space<hbm>>) dst(%dma_wait3A_209 : memref<128x64xf32, #tpu.memory_space<vmem>>)
    %add3A_216 = arith.constant 512 : i32
    %add3A_217 = arith.addi %mul3A_2, %add3A_216 : i32
    %run_scoped3A_218 = arith.constant 4 : i32
    "tpu.region"() ({
      %run_scoped3A_702 = tpu.sem_alloc : memref<!tpu.dma_semaphore, #tpu.memory_space<semaphore_mem>>
      %dma_start3A_703 = arith.constant 0 : i32
      %dma_start3A_704 = arith.constant 0 : i32
      %dma_start3A_705 = tpu.memref_slice %arg6[%run_scoped3A_218, %dma_start3A_703, %dma_start3A_704] : memref<8x128x64xf32, #tpu.memory_space<vmem>> -> memref<1x128x64xf32, #tpu.memory_space<vmem>>
      %dma_start3A_706 = tpu.memref_squeeze %dma_start3A_705 : memref<1x128x64xf32, #tpu.memory_space<vmem>> -> memref<128x64xf32, #tpu.memory_space<vmem>>
      %dma_start3A_707 = arith.constant 0 : i32
      %dma_start3A_708 = tpu.memref_slice %arg4[%add3A_217, %dma_start3A_707] : memref<106496x64xf32, #tpu.memory_space<hbm>> -> memref<128x64xf32, #tpu.memory_space<hbm>>
      %dma_start3A_709 = arith.constant 0 : i32
      %dma_start3A_710 = tpu.memref_slice %arg4[%add3A_217, %dma_start3A_709] : memref<106496x64xf32, #tpu.memory_space<hbm>> -> memref<128x64xf32, #tpu.memory_space<hbm>>
      %dma_start3A_711 = arith.constant 0 : i32
      %dma_start3A_712 = arith.constant 0 : i32
      %dma_start3A_713 = tpu.memref_slice %arg6[%run_scoped3A_218, %dma_start3A_711, %dma_start3A_712] : memref<8x128x64xf32, #tpu.memory_space<vmem>> -> memref<1x128x64xf32, #tpu.memory_space<vmem>>
      %dma_start3A_714 = tpu.memref_squeeze %dma_start3A_713 : memref<1x128x64xf32, #tpu.memory_space<vmem>> -> memref<128x64xf32, #tpu.memory_space<vmem>>
      tpu.enqueue_dma source(%dma_start3A_714 : memref<128x64xf32, #tpu.memory_space<vmem>>) target(%dma_start3A_710 : memref<128x64xf32, #tpu.memory_space<hbm>>) target_semaphore(%run_scoped3A_702 : memref<!tpu.dma_semaphore, #tpu.memory_space<semaphore_mem>>)
      %dma_wait3A_715 = arith.constant 0 : i32
      %dma_wait3A_716 = arith.constant 0 : i32
      %dma_wait3A_717 = tpu.memref_slice %arg6[%run_scoped3A_218, %dma_wait3A_715, %dma_wait3A_716] : memref<8x128x64xf32, #tpu.memory_space<vmem>> -> memref<1x128x64xf32, #tpu.memory_space<vmem>>
      %dma_wait3A_718 = tpu.memref_squeeze %dma_wait3A_717 : memref<1x128x64xf32, #tpu.memory_space<vmem>> -> memref<128x64xf32, #tpu.memory_space<vmem>>
      %dma_wait3A_719 = arith.constant 0 : i32
      %dma_wait3A_720 = tpu.memref_slice %arg4[%add3A_217, %dma_wait3A_719] : memref<106496x64xf32, #tpu.memory_space<hbm>> -> memref<128x64xf32, #tpu.memory_space<hbm>>
      %dma_wait3A_721 = arith.constant 0 : i32
      %dma_wait3A_722 = tpu.memref_slice %arg4[%add3A_217, %dma_wait3A_721] : memref<106496x64xf32, #tpu.memory_space<hbm>> -> memref<128x64xf32, #tpu.memory_space<hbm>>
      %dma_wait3A_723 = arith.constant 0 : i32
      %dma_wait3A_724 = arith.constant 0 : i32
      %dma_wait3A_725 = tpu.memref_slice %arg6[%run_scoped3A_218, %dma_wait3A_723, %dma_wait3A_724] : memref<8x128x64xf32, #tpu.memory_space<vmem>> -> memref<1x128x64xf32, #tpu.memory_space<vmem>>
      %dma_wait3A_726 = tpu.memref_squeeze %dma_wait3A_725 : memref<1x128x64xf32, #tpu.memory_space<vmem>> -> memref<128x64xf32, #tpu.memory_space<vmem>>
      tpu.wait_dma2 semaphore(%run_scoped3A_702 : memref<!tpu.dma_semaphore, #tpu.memory_space<semaphore_mem>>) src(%dma_wait3A_726 : memref<128x64xf32, #tpu.memory_space<vmem>>) dst(%dma_wait3A_722 : memref<128x64xf32, #tpu.memory_space<hbm>>)
      tpu.yield
    }) : () -> ()
    %dma_start3A_219 = arith.constant 12 : i32
    %dma_start3A_220 = arith.constant 4 : i32
    %dma_start3A_221 = arith.constant 0 : i32
    %dma_start3A_222 = arith.constant 0 : i32
    %dma_start3A_223 = tpu.memref_slice %arg6[%dma_start3A_220, %dma_start3A_221, %dma_start3A_222] : memref<8x128x64xf32, #tpu.memory_space<vmem>> -> memref<1x128x64xf32, #tpu.memory_space<vmem>>
    %dma_start3A_224 = tpu.memref_squeeze %dma_start3A_223 : memref<1x128x64xf32, #tpu.memory_space<vmem>> -> memref<128x64xf32, #tpu.memory_space<vmem>>
    %dma_start3A_225 = arith.constant 0 : i32
    %dma_start3A_226 = tpu.memref_slice %arg5[%dma_start3A_219, %dma_start3A_225] : memref<26x128xi32, #tpu.memory_space<vmem>> -> memref<1x128xi32, #tpu.memory_space<vmem>>
    %dma_start3A_227 = tpu.memref_squeeze %dma_start3A_226 : memref<1x128xi32, #tpu.memory_space<vmem>> -> memref<128xi32, #tpu.memory_space<vmem>>
    %dma_start3A_228 = arith.constant 0 : i32
    %dma_start3A_229 = arith.constant 0 : i32
    %dma_start3A_230 = tpu.memref_slice %arg2[%dma_start3A_228, %dma_start3A_229] : memref<26000x64xf32, #tpu.memory_space<hbm>> -> memref<26000x64xf32, #tpu.memory_space<hbm>>
    tpu.enqueue_indirect_dma source(%dma_start3A_230 : memref<26000x64xf32, #tpu.memory_space<hbm>>) target(%dma_start3A_224 : memref<128x64xf32, #tpu.memory_space<vmem>>) offsets(%dma_start3A_227 : memref<128xi32, #tpu.memory_space<vmem>>) semaphore(%arg11 : memref<!tpu.dma_semaphore, #tpu.memory_space<semaphore_mem>>)
    %dma_wait3A_231 = arith.constant 5 : i32
    %dma_wait3A_232 = arith.constant 5 : i32
    %dma_wait3A_233 = arith.constant 0 : i32
    %dma_wait3A_234 = arith.constant 0 : i32
    %dma_wait3A_235 = tpu.memref_slice %arg6[%dma_wait3A_232, %dma_wait3A_233, %dma_wait3A_234] : memref<8x128x64xf32, #tpu.memory_space<vmem>> -> memref<1x128x64xf32, #tpu.memory_space<vmem>>
    %dma_wait3A_236 = tpu.memref_squeeze %dma_wait3A_235 : memref<1x128x64xf32, #tpu.memory_space<vmem>> -> memref<128x64xf32, #tpu.memory_space<vmem>>
    %dma_wait3A_237 = arith.constant 0 : i32
    %dma_wait3A_238 = tpu.memref_slice %arg5[%dma_wait3A_231, %dma_wait3A_237] : memref<26x128xi32, #tpu.memory_space<vmem>> -> memref<1x128xi32, #tpu.memory_space<vmem>>
    %dma_wait3A_239 = tpu.memref_squeeze %dma_wait3A_238 : memref<1x128xi32, #tpu.memory_space<vmem>> -> memref<128xi32, #tpu.memory_space<vmem>>
    %dma_wait3A_240 = arith.constant 0 : i32
    %dma_wait3A_241 = arith.constant 0 : i32
    %dma_wait3A_242 = tpu.memref_slice %arg2[%dma_wait3A_240, %dma_wait3A_241] : memref<26000x64xf32, #tpu.memory_space<hbm>> -> memref<26000x64xf32, #tpu.memory_space<hbm>>
    tpu.wait_indirect_dma semaphore(%arg12 : memref<!tpu.dma_semaphore, #tpu.memory_space<semaphore_mem>>) src(%dma_wait3A_242 : memref<26000x64xf32, #tpu.memory_space<hbm>>) dst(%dma_wait3A_236 : memref<128x64xf32, #tpu.memory_space<vmem>>)
    %add3A_243 = arith.constant 640 : i32
    %add3A_244 = arith.addi %mul3A_2, %add3A_243 : i32
    %run_scoped3A_245 = arith.constant 5 : i32
    "tpu.region"() ({
      %run_scoped3A_702 = tpu.sem_alloc : memref<!tpu.dma_semaphore, #tpu.memory_space<semaphore_mem>>
      %dma_start3A_703 = arith.constant 0 : i32
      %dma_start3A_704 = arith.constant 0 : i32
      %dma_start3A_705 = tpu.memref_slice %arg6[%run_scoped3A_245, %dma_start3A_703, %dma_start3A_704] : memref<8x128x64xf32, #tpu.memory_space<vmem>> -> memref<1x128x64xf32, #tpu.memory_space<vmem>>
      %dma_start3A_706 = tpu.memref_squeeze %dma_start3A_705 : memref<1x128x64xf32, #tpu.memory_space<vmem>> -> memref<128x64xf32, #tpu.memory_space<vmem>>
      %dma_start3A_707 = arith.constant 0 : i32
      %dma_start3A_708 = tpu.memref_slice %arg4[%add3A_244, %dma_start3A_707] : memref<106496x64xf32, #tpu.memory_space<hbm>> -> memref<128x64xf32, #tpu.memory_space<hbm>>
      %dma_start3A_709 = arith.constant 0 : i32
      %dma_start3A_710 = tpu.memref_slice %arg4[%add3A_244, %dma_start3A_709] : memref<106496x64xf32, #tpu.memory_space<hbm>> -> memref<128x64xf32, #tpu.memory_space<hbm>>
      %dma_start3A_711 = arith.constant 0 : i32
      %dma_start3A_712 = arith.constant 0 : i32
      %dma_start3A_713 = tpu.memref_slice %arg6[%run_scoped3A_245, %dma_start3A_711, %dma_start3A_712] : memref<8x128x64xf32, #tpu.memory_space<vmem>> -> memref<1x128x64xf32, #tpu.memory_space<vmem>>
      %dma_start3A_714 = tpu.memref_squeeze %dma_start3A_713 : memref<1x128x64xf32, #tpu.memory_space<vmem>> -> memref<128x64xf32, #tpu.memory_space<vmem>>
      tpu.enqueue_dma source(%dma_start3A_714 : memref<128x64xf32, #tpu.memory_space<vmem>>) target(%dma_start3A_710 : memref<128x64xf32, #tpu.memory_space<hbm>>) target_semaphore(%run_scoped3A_702 : memref<!tpu.dma_semaphore, #tpu.memory_space<semaphore_mem>>)
      %dma_wait3A_715 = arith.constant 0 : i32
      %dma_wait3A_716 = arith.constant 0 : i32
      %dma_wait3A_717 = tpu.memref_slice %arg6[%run_scoped3A_245, %dma_wait3A_715, %dma_wait3A_716] : memref<8x128x64xf32, #tpu.memory_space<vmem>> -> memref<1x128x64xf32, #tpu.memory_space<vmem>>
      %dma_wait3A_718 = tpu.memref_squeeze %dma_wait3A_717 : memref<1x128x64xf32, #tpu.memory_space<vmem>> -> memref<128x64xf32, #tpu.memory_space<vmem>>
      %dma_wait3A_719 = arith.constant 0 : i32
      %dma_wait3A_720 = tpu.memref_slice %arg4[%add3A_244, %dma_wait3A_719] : memref<106496x64xf32, #tpu.memory_space<hbm>> -> memref<128x64xf32, #tpu.memory_space<hbm>>
      %dma_wait3A_721 = arith.constant 0 : i32
      %dma_wait3A_722 = tpu.memref_slice %arg4[%add3A_244, %dma_wait3A_721] : memref<106496x64xf32, #tpu.memory_space<hbm>> -> memref<128x64xf32, #tpu.memory_space<hbm>>
      %dma_wait3A_723 = arith.constant 0 : i32
      %dma_wait3A_724 = arith.constant 0 : i32
      %dma_wait3A_725 = tpu.memref_slice %arg6[%run_scoped3A_245, %dma_wait3A_723, %dma_wait3A_724] : memref<8x128x64xf32, #tpu.memory_space<vmem>> -> memref<1x128x64xf32, #tpu.memory_space<vmem>>
      %dma_wait3A_726 = tpu.memref_squeeze %dma_wait3A_725 : memref<1x128x64xf32, #tpu.memory_space<vmem>> -> memref<128x64xf32, #tpu.memory_space<vmem>>
      tpu.wait_dma2 semaphore(%run_scoped3A_702 : memref<!tpu.dma_semaphore, #tpu.memory_space<semaphore_mem>>) src(%dma_wait3A_726 : memref<128x64xf32, #tpu.memory_space<vmem>>) dst(%dma_wait3A_722 : memref<128x64xf32, #tpu.memory_space<hbm>>)
      tpu.yield
    }) : () -> ()
    %dma_start3A_246 = arith.constant 13 : i32
    %dma_start3A_247 = arith.constant 5 : i32
    %dma_start3A_248 = arith.constant 0 : i32
    %dma_start3A_249 = arith.constant 0 : i32
    %dma_start3A_250 = tpu.memref_slice %arg6[%dma_start3A_247, %dma_start3A_248, %dma_start3A_249] : memref<8x128x64xf32, #tpu.memory_space<vmem>> -> memref<1x128x64xf32, #tpu.memory_space<vmem>>
    %dma_start3A_251 = tpu.memref_squeeze %dma_start3A_250 : memref<1x128x64xf32, #tpu.memory_space<vmem>> -> memref<128x64xf32, #tpu.memory_space<vmem>>
    %dma_start3A_252 = arith.constant 0 : i32
    %dma_start3A_253 = tpu.memref_slice %arg5[%dma_start3A_246, %dma_start3A_252] : memref<26x128xi32, #tpu.memory_space<vmem>> -> memref<1x128xi32, #tpu.memory_space<vmem>>
    %dma_start3A_254 = tpu.memref_squeeze %dma_start3A_253 : memref<1x128xi32, #tpu.memory_space<vmem>> -> memref<128xi32, #tpu.memory_space<vmem>>
    %dma_start3A_255 = arith.constant 0 : i32
    %dma_start3A_256 = arith.constant 0 : i32
    %dma_start3A_257 = tpu.memref_slice %arg2[%dma_start3A_255, %dma_start3A_256] : memref<26000x64xf32, #tpu.memory_space<hbm>> -> memref<26000x64xf32, #tpu.memory_space<hbm>>
    tpu.enqueue_indirect_dma source(%dma_start3A_257 : memref<26000x64xf32, #tpu.memory_space<hbm>>) target(%dma_start3A_251 : memref<128x64xf32, #tpu.memory_space<vmem>>) offsets(%dma_start3A_254 : memref<128xi32, #tpu.memory_space<vmem>>) semaphore(%arg12 : memref<!tpu.dma_semaphore, #tpu.memory_space<semaphore_mem>>)
    %dma_wait3A_258 = arith.constant 6 : i32
    %dma_wait3A_259 = arith.constant 6 : i32
    %dma_wait3A_260 = arith.constant 0 : i32
    %dma_wait3A_261 = arith.constant 0 : i32
    %dma_wait3A_262 = tpu.memref_slice %arg6[%dma_wait3A_259, %dma_wait3A_260, %dma_wait3A_261] : memref<8x128x64xf32, #tpu.memory_space<vmem>> -> memref<1x128x64xf32, #tpu.memory_space<vmem>>
    %dma_wait3A_263 = tpu.memref_squeeze %dma_wait3A_262 : memref<1x128x64xf32, #tpu.memory_space<vmem>> -> memref<128x64xf32, #tpu.memory_space<vmem>>
    %dma_wait3A_264 = arith.constant 0 : i32
    %dma_wait3A_265 = tpu.memref_slice %arg5[%dma_wait3A_258, %dma_wait3A_264] : memref<26x128xi32, #tpu.memory_space<vmem>> -> memref<1x128xi32, #tpu.memory_space<vmem>>
    %dma_wait3A_266 = tpu.memref_squeeze %dma_wait3A_265 : memref<1x128xi32, #tpu.memory_space<vmem>> -> memref<128xi32, #tpu.memory_space<vmem>>
    %dma_wait3A_267 = arith.constant 0 : i32
    %dma_wait3A_268 = arith.constant 0 : i32
    %dma_wait3A_269 = tpu.memref_slice %arg2[%dma_wait3A_267, %dma_wait3A_268] : memref<26000x64xf32, #tpu.memory_space<hbm>> -> memref<26000x64xf32, #tpu.memory_space<hbm>>
    tpu.wait_indirect_dma semaphore(%arg13 : memref<!tpu.dma_semaphore, #tpu.memory_space<semaphore_mem>>) src(%dma_wait3A_269 : memref<26000x64xf32, #tpu.memory_space<hbm>>) dst(%dma_wait3A_263 : memref<128x64xf32, #tpu.memory_space<vmem>>)
    %add3A_270 = arith.constant 768 : i32
    %add3A_271 = arith.addi %mul3A_2, %add3A_270 : i32
    %run_scoped3A_272 = arith.constant 6 : i32
    "tpu.region"() ({
      %run_scoped3A_702 = tpu.sem_alloc : memref<!tpu.dma_semaphore, #tpu.memory_space<semaphore_mem>>
      %dma_start3A_703 = arith.constant 0 : i32
      %dma_start3A_704 = arith.constant 0 : i32
      %dma_start3A_705 = tpu.memref_slice %arg6[%run_scoped3A_272, %dma_start3A_703, %dma_start3A_704] : memref<8x128x64xf32, #tpu.memory_space<vmem>> -> memref<1x128x64xf32, #tpu.memory_space<vmem>>
      %dma_start3A_706 = tpu.memref_squeeze %dma_start3A_705 : memref<1x128x64xf32, #tpu.memory_space<vmem>> -> memref<128x64xf32, #tpu.memory_space<vmem>>
      %dma_start3A_707 = arith.constant 0 : i32
      %dma_start3A_708 = tpu.memref_slice %arg4[%add3A_271, %dma_start3A_707] : memref<106496x64xf32, #tpu.memory_space<hbm>> -> memref<128x64xf32, #tpu.memory_space<hbm>>
      %dma_start3A_709 = arith.constant 0 : i32
      %dma_start3A_710 = tpu.memref_slice %arg4[%add3A_271, %dma_start3A_709] : memref<106496x64xf32, #tpu.memory_space<hbm>> -> memref<128x64xf32, #tpu.memory_space<hbm>>
      %dma_start3A_711 = arith.constant 0 : i32
      %dma_start3A_712 = arith.constant 0 : i32
      %dma_start3A_713 = tpu.memref_slice %arg6[%run_scoped3A_272, %dma_start3A_711, %dma_start3A_712] : memref<8x128x64xf32, #tpu.memory_space<vmem>> -> memref<1x128x64xf32, #tpu.memory_space<vmem>>
      %dma_start3A_714 = tpu.memref_squeeze %dma_start3A_713 : memref<1x128x64xf32, #tpu.memory_space<vmem>> -> memref<128x64xf32, #tpu.memory_space<vmem>>
      tpu.enqueue_dma source(%dma_start3A_714 : memref<128x64xf32, #tpu.memory_space<vmem>>) target(%dma_start3A_710 : memref<128x64xf32, #tpu.memory_space<hbm>>) target_semaphore(%run_scoped3A_702 : memref<!tpu.dma_semaphore, #tpu.memory_space<semaphore_mem>>)
      %dma_wait3A_715 = arith.constant 0 : i32
      %dma_wait3A_716 = arith.constant 0 : i32
      %dma_wait3A_717 = tpu.memref_slice %arg6[%run_scoped3A_272, %dma_wait3A_715, %dma_wait3A_716] : memref<8x128x64xf32, #tpu.memory_space<vmem>> -> memref<1x128x64xf32, #tpu.memory_space<vmem>>
      %dma_wait3A_718 = tpu.memref_squeeze %dma_wait3A_717 : memref<1x128x64xf32, #tpu.memory_space<vmem>> -> memref<128x64xf32, #tpu.memory_space<vmem>>
      %dma_wait3A_719 = arith.constant 0 : i32
      %dma_wait3A_720 = tpu.memref_slice %arg4[%add3A_271, %dma_wait3A_719] : memref<106496x64xf32, #tpu.memory_space<hbm>> -> memref<128x64xf32, #tpu.memory_space<hbm>>
      %dma_wait3A_721 = arith.constant 0 : i32
      %dma_wait3A_722 = tpu.memref_slice %arg4[%add3A_271, %dma_wait3A_721] : memref<106496x64xf32, #tpu.memory_space<hbm>> -> memref<128x64xf32, #tpu.memory_space<hbm>>
      %dma_wait3A_723 = arith.constant 0 : i32
      %dma_wait3A_724 = arith.constant 0 : i32
      %dma_wait3A_725 = tpu.memref_slice %arg6[%run_scoped3A_272, %dma_wait3A_723, %dma_wait3A_724] : memref<8x128x64xf32, #tpu.memory_space<vmem>> -> memref<1x128x64xf32, #tpu.memory_space<vmem>>
      %dma_wait3A_726 = tpu.memref_squeeze %dma_wait3A_725 : memref<1x128x64xf32, #tpu.memory_space<vmem>> -> memref<128x64xf32, #tpu.memory_space<vmem>>
      tpu.wait_dma2 semaphore(%run_scoped3A_702 : memref<!tpu.dma_semaphore, #tpu.memory_space<semaphore_mem>>) src(%dma_wait3A_726 : memref<128x64xf32, #tpu.memory_space<vmem>>) dst(%dma_wait3A_722 : memref<128x64xf32, #tpu.memory_space<hbm>>)
      tpu.yield
    }) : () -> ()
    %dma_start3A_273 = arith.constant 14 : i32
    %dma_start3A_274 = arith.constant 6 : i32
    %dma_start3A_275 = arith.constant 0 : i32
    %dma_start3A_276 = arith.constant 0 : i32
    %dma_start3A_277 = tpu.memref_slice %arg6[%dma_start3A_274, %dma_start3A_275, %dma_start3A_276] : memref<8x128x64xf32, #tpu.memory_space<vmem>> -> memref<1x128x64xf32, #tpu.memory_space<vmem>>
    %dma_start3A_278 = tpu.memref_squeeze %dma_start3A_277 : memref<1x128x64xf32, #tpu.memory_space<vmem>> -> memref<128x64xf32, #tpu.memory_space<vmem>>
    %dma_start3A_279 = arith.constant 0 : i32
    %dma_start3A_280 = tpu.memref_slice %arg5[%dma_start3A_273, %dma_start3A_279] : memref<26x128xi32, #tpu.memory_space<vmem>> -> memref<1x128xi32, #tpu.memory_space<vmem>>
    %dma_start3A_281 = tpu.memref_squeeze %dma_start3A_280 : memref<1x128xi32, #tpu.memory_space<vmem>> -> memref<128xi32, #tpu.memory_space<vmem>>
    %dma_start3A_282 = arith.constant 0 : i32
    %dma_start3A_283 = arith.constant 0 : i32
    %dma_start3A_284 = tpu.memref_slice %arg2[%dma_start3A_282, %dma_start3A_283] : memref<26000x64xf32, #tpu.memory_space<hbm>> -> memref<26000x64xf32, #tpu.memory_space<hbm>>
    tpu.enqueue_indirect_dma source(%dma_start3A_284 : memref<26000x64xf32, #tpu.memory_space<hbm>>) target(%dma_start3A_278 : memref<128x64xf32, #tpu.memory_space<vmem>>) offsets(%dma_start3A_281 : memref<128xi32, #tpu.memory_space<vmem>>) semaphore(%arg13 : memref<!tpu.dma_semaphore, #tpu.memory_space<semaphore_mem>>)
    %dma_wait3A_285 = arith.constant 7 : i32
    %dma_wait3A_286 = arith.constant 7 : i32
    %dma_wait3A_287 = arith.constant 0 : i32
    %dma_wait3A_288 = arith.constant 0 : i32
    %dma_wait3A_289 = tpu.memref_slice %arg6[%dma_wait3A_286, %dma_wait3A_287, %dma_wait3A_288] : memref<8x128x64xf32, #tpu.memory_space<vmem>> -> memref<1x128x64xf32, #tpu.memory_space<vmem>>
    %dma_wait3A_290 = tpu.memref_squeeze %dma_wait3A_289 : memref<1x128x64xf32, #tpu.memory_space<vmem>> -> memref<128x64xf32, #tpu.memory_space<vmem>>
    %dma_wait3A_291 = arith.constant 0 : i32
    %dma_wait3A_292 = tpu.memref_slice %arg5[%dma_wait3A_285, %dma_wait3A_291] : memref<26x128xi32, #tpu.memory_space<vmem>> -> memref<1x128xi32, #tpu.memory_space<vmem>>
    %dma_wait3A_293 = tpu.memref_squeeze %dma_wait3A_292 : memref<1x128xi32, #tpu.memory_space<vmem>> -> memref<128xi32, #tpu.memory_space<vmem>>
    %dma_wait3A_294 = arith.constant 0 : i32
    %dma_wait3A_295 = arith.constant 0 : i32
    %dma_wait3A_296 = tpu.memref_slice %arg2[%dma_wait3A_294, %dma_wait3A_295] : memref<26000x64xf32, #tpu.memory_space<hbm>> -> memref<26000x64xf32, #tpu.memory_space<hbm>>
    tpu.wait_indirect_dma semaphore(%arg14 : memref<!tpu.dma_semaphore, #tpu.memory_space<semaphore_mem>>) src(%dma_wait3A_296 : memref<26000x64xf32, #tpu.memory_space<hbm>>) dst(%dma_wait3A_290 : memref<128x64xf32, #tpu.memory_space<vmem>>)
    %add3A_297 = arith.constant 896 : i32
    %add3A_298 = arith.addi %mul3A_2, %add3A_297 : i32
    %run_scoped3A_299 = arith.constant 7 : i32
    "tpu.region"() ({
      %run_scoped3A_702 = tpu.sem_alloc : memref<!tpu.dma_semaphore, #tpu.memory_space<semaphore_mem>>
      %dma_start3A_703 = arith.constant 0 : i32
      %dma_start3A_704 = arith.constant 0 : i32
      %dma_start3A_705 = tpu.memref_slice %arg6[%run_scoped3A_299, %dma_start3A_703, %dma_start3A_704] : memref<8x128x64xf32, #tpu.memory_space<vmem>> -> memref<1x128x64xf32, #tpu.memory_space<vmem>>
      %dma_start3A_706 = tpu.memref_squeeze %dma_start3A_705 : memref<1x128x64xf32, #tpu.memory_space<vmem>> -> memref<128x64xf32, #tpu.memory_space<vmem>>
      %dma_start3A_707 = arith.constant 0 : i32
      %dma_start3A_708 = tpu.memref_slice %arg4[%add3A_298, %dma_start3A_707] : memref<106496x64xf32, #tpu.memory_space<hbm>> -> memref<128x64xf32, #tpu.memory_space<hbm>>
      %dma_start3A_709 = arith.constant 0 : i32
      %dma_start3A_710 = tpu.memref_slice %arg4[%add3A_298, %dma_start3A_709] : memref<106496x64xf32, #tpu.memory_space<hbm>> -> memref<128x64xf32, #tpu.memory_space<hbm>>
      %dma_start3A_711 = arith.constant 0 : i32
      %dma_start3A_712 = arith.constant 0 : i32
      %dma_start3A_713 = tpu.memref_slice %arg6[%run_scoped3A_299, %dma_start3A_711, %dma_start3A_712] : memref<8x128x64xf32, #tpu.memory_space<vmem>> -> memref<1x128x64xf32, #tpu.memory_space<vmem>>
      %dma_start3A_714 = tpu.memref_squeeze %dma_start3A_713 : memref<1x128x64xf32, #tpu.memory_space<vmem>> -> memref<128x64xf32, #tpu.memory_space<vmem>>
      tpu.enqueue_dma source(%dma_start3A_714 : memref<128x64xf32, #tpu.memory_space<vmem>>) target(%dma_start3A_710 : memref<128x64xf32, #tpu.memory_space<hbm>>) target_semaphore(%run_scoped3A_702 : memref<!tpu.dma_semaphore, #tpu.memory_space<semaphore_mem>>)
      %dma_wait3A_715 = arith.constant 0 : i32
      %dma_wait3A_716 = arith.constant 0 : i32
      %dma_wait3A_717 = tpu.memref_slice %arg6[%run_scoped3A_299, %dma_wait3A_715, %dma_wait3A_716] : memref<8x128x64xf32, #tpu.memory_space<vmem>> -> memref<1x128x64xf32, #tpu.memory_space<vmem>>
      %dma_wait3A_718 = tpu.memref_squeeze %dma_wait3A_717 : memref<1x128x64xf32, #tpu.memory_space<vmem>> -> memref<128x64xf32, #tpu.memory_space<vmem>>
      %dma_wait3A_719 = arith.constant 0 : i32
      %dma_wait3A_720 = tpu.memref_slice %arg4[%add3A_298, %dma_wait3A_719] : memref<106496x64xf32, #tpu.memory_space<hbm>> -> memref<128x64xf32, #tpu.memory_space<hbm>>
      %dma_wait3A_721 = arith.constant 0 : i32
      %dma_wait3A_722 = tpu.memref_slice %arg4[%add3A_298, %dma_wait3A_721] : memref<106496x64xf32, #tpu.memory_space<hbm>> -> memref<128x64xf32, #tpu.memory_space<hbm>>
      %dma_wait3A_723 = arith.constant 0 : i32
      %dma_wait3A_724 = arith.constant 0 : i32
      %dma_wait3A_725 = tpu.memref_slice %arg6[%run_scoped3A_299, %dma_wait3A_723, %dma_wait3A_724] : memref<8x128x64xf32, #tpu.memory_space<vmem>> -> memref<1x128x64xf32, #tpu.memory_space<vmem>>
      %dma_wait3A_726 = tpu.memref_squeeze %dma_wait3A_725 : memref<1x128x64xf32, #tpu.memory_space<vmem>> -> memref<128x64xf32, #tpu.memory_space<vmem>>
      tpu.wait_dma2 semaphore(%run_scoped3A_702 : memref<!tpu.dma_semaphore, #tpu.memory_space<semaphore_mem>>) src(%dma_wait3A_726 : memref<128x64xf32, #tpu.memory_space<vmem>>) dst(%dma_wait3A_722 : memref<128x64xf32, #tpu.memory_space<hbm>>)
      tpu.yield
    }) : () -> ()
    %dma_start3A_300 = arith.constant 15 : i32
    %dma_start3A_301 = arith.constant 7 : i32
    %dma_start3A_302 = arith.constant 0 : i32
    %dma_start3A_303 = arith.constant 0 : i32
    %dma_start3A_304 = tpu.memref_slice %arg6[%dma_start3A_301, %dma_start3A_302, %dma_start3A_303] : memref<8x128x64xf32, #tpu.memory_space<vmem>> -> memref<1x128x64xf32, #tpu.memory_space<vmem>>
    %dma_start3A_305 = tpu.memref_squeeze %dma_start3A_304 : memref<1x128x64xf32, #tpu.memory_space<vmem>> -> memref<128x64xf32, #tpu.memory_space<vmem>>
    %dma_start3A_306 = arith.constant 0 : i32
    %dma_start3A_307 = tpu.memref_slice %arg5[%dma_start3A_300, %dma_start3A_306] : memref<26x128xi32, #tpu.memory_space<vmem>> -> memref<1x128xi32, #tpu.memory_space<vmem>>
    %dma_start3A_308 = tpu.memref_squeeze %dma_start3A_307 : memref<1x128xi32, #tpu.memory_space<vmem>> -> memref<128xi32, #tpu.memory_space<vmem>>
    %dma_start3A_309 = arith.constant 0 : i32
    %dma_start3A_310 = arith.constant 0 : i32
    %dma_start3A_311 = tpu.memref_slice %arg2[%dma_start3A_309, %dma_start3A_310] : memref<26000x64xf32, #tpu.memory_space<hbm>> -> memref<26000x64xf32, #tpu.memory_space<hbm>>
    tpu.enqueue_indirect_dma source(%dma_start3A_311 : memref<26000x64xf32, #tpu.memory_space<hbm>>) target(%dma_start3A_305 : memref<128x64xf32, #tpu.memory_space<vmem>>) offsets(%dma_start3A_308 : memref<128xi32, #tpu.memory_space<vmem>>) semaphore(%arg14 : memref<!tpu.dma_semaphore, #tpu.memory_space<semaphore_mem>>)
    %dma_wait3A_312 = arith.constant 8 : i32
    %dma_wait3A_313 = arith.constant 0 : i32
    %dma_wait3A_314 = arith.constant 0 : i32
    %dma_wait3A_315 = arith.constant 0 : i32
    %dma_wait3A_316 = tpu.memref_slice %arg6[%dma_wait3A_313, %dma_wait3A_314, %dma_wait3A_315] : memref<8x128x64xf32, #tpu.memory_space<vmem>> -> memref<1x128x64xf32, #tpu.memory_space<vmem>>
    %dma_wait3A_317 = tpu.memref_squeeze %dma_wait3A_316 : memref<1x128x64xf32, #tpu.memory_space<vmem>> -> memref<128x64xf32, #tpu.memory_space<vmem>>
    %dma_wait3A_318 = arith.constant 0 : i32
    %dma_wait3A_319 = tpu.memref_slice %arg5[%dma_wait3A_312, %dma_wait3A_318] : memref<26x128xi32, #tpu.memory_space<vmem>> -> memref<1x128xi32, #tpu.memory_space<vmem>>
    %dma_wait3A_320 = tpu.memref_squeeze %dma_wait3A_319 : memref<1x128xi32, #tpu.memory_space<vmem>> -> memref<128xi32, #tpu.memory_space<vmem>>
    %dma_wait3A_321 = arith.constant 0 : i32
    %dma_wait3A_322 = arith.constant 0 : i32
    %dma_wait3A_323 = tpu.memref_slice %arg2[%dma_wait3A_321, %dma_wait3A_322] : memref<26000x64xf32, #tpu.memory_space<hbm>> -> memref<26000x64xf32, #tpu.memory_space<hbm>>
    tpu.wait_indirect_dma semaphore(%arg7 : memref<!tpu.dma_semaphore, #tpu.memory_space<semaphore_mem>>) src(%dma_wait3A_323 : memref<26000x64xf32, #tpu.memory_space<hbm>>) dst(%dma_wait3A_317 : memref<128x64xf32, #tpu.memory_space<vmem>>)
    %add3A_324 = arith.constant 1024 : i32
    %add3A_325 = arith.addi %mul3A_2, %add3A_324 : i32
    %run_scoped3A_326 = arith.constant 0 : i32
    "tpu.region"() ({
      %run_scoped3A_702 = tpu.sem_alloc : memref<!tpu.dma_semaphore, #tpu.memory_space<semaphore_mem>>
      %dma_start3A_703 = arith.constant 0 : i32
      %dma_start3A_704 = arith.constant 0 : i32
      %dma_start3A_705 = tpu.memref_slice %arg6[%run_scoped3A_326, %dma_start3A_703, %dma_start3A_704] : memref<8x128x64xf32, #tpu.memory_space<vmem>> -> memref<1x128x64xf32, #tpu.memory_space<vmem>>
      %dma_start3A_706 = tpu.memref_squeeze %dma_start3A_705 : memref<1x128x64xf32, #tpu.memory_space<vmem>> -> memref<128x64xf32, #tpu.memory_space<vmem>>
      %dma_start3A_707 = arith.constant 0 : i32
      %dma_start3A_708 = tpu.memref_slice %arg4[%add3A_325, %dma_start3A_707] : memref<106496x64xf32, #tpu.memory_space<hbm>> -> memref<128x64xf32, #tpu.memory_space<hbm>>
      %dma_start3A_709 = arith.constant 0 : i32
      %dma_start3A_710 = tpu.memref_slice %arg4[%add3A_325, %dma_start3A_709] : memref<106496x64xf32, #tpu.memory_space<hbm>> -> memref<128x64xf32, #tpu.memory_space<hbm>>
      %dma_start3A_711 = arith.constant 0 : i32
      %dma_start3A_712 = arith.constant 0 : i32
      %dma_start3A_713 = tpu.memref_slice %arg6[%run_scoped3A_326, %dma_start3A_711, %dma_start3A_712] : memref<8x128x64xf32, #tpu.memory_space<vmem>> -> memref<1x128x64xf32, #tpu.memory_space<vmem>>
      %dma_start3A_714 = tpu.memref_squeeze %dma_start3A_713 : memref<1x128x64xf32, #tpu.memory_space<vmem>> -> memref<128x64xf32, #tpu.memory_space<vmem>>
      tpu.enqueue_dma source(%dma_start3A_714 : memref<128x64xf32, #tpu.memory_space<vmem>>) target(%dma_start3A_710 : memref<128x64xf32, #tpu.memory_space<hbm>>) target_semaphore(%run_scoped3A_702 : memref<!tpu.dma_semaphore, #tpu.memory_space<semaphore_mem>>)
      %dma_wait3A_715 = arith.constant 0 : i32
      %dma_wait3A_716 = arith.constant 0 : i32
      %dma_wait3A_717 = tpu.memref_slice %arg6[%run_scoped3A_326, %dma_wait3A_715, %dma_wait3A_716] : memref<8x128x64xf32, #tpu.memory_space<vmem>> -> memref<1x128x64xf32, #tpu.memory_space<vmem>>
      %dma_wait3A_718 = tpu.memref_squeeze %dma_wait3A_717 : memref<1x128x64xf32, #tpu.memory_space<vmem>> -> memref<128x64xf32, #tpu.memory_space<vmem>>
      %dma_wait3A_719 = arith.constant 0 : i32
      %dma_wait3A_720 = tpu.memref_slice %arg4[%add3A_325, %dma_wait3A_719] : memref<106496x64xf32, #tpu.memory_space<hbm>> -> memref<128x64xf32, #tpu.memory_space<hbm>>
      %dma_wait3A_721 = arith.constant 0 : i32
      %dma_wait3A_722 = tpu.memref_slice %arg4[%add3A_325, %dma_wait3A_721] : memref<106496x64xf32, #tpu.memory_space<hbm>> -> memref<128x64xf32, #tpu.memory_space<hbm>>
      %dma_wait3A_723 = arith.constant 0 : i32
      %dma_wait3A_724 = arith.constant 0 : i32
      %dma_wait3A_725 = tpu.memref_slice %arg6[%run_scoped3A_326, %dma_wait3A_723, %dma_wait3A_724] : memref<8x128x64xf32, #tpu.memory_space<vmem>> -> memref<1x128x64xf32, #tpu.memory_space<vmem>>
      %dma_wait3A_726 = tpu.memref_squeeze %dma_wait3A_725 : memref<1x128x64xf32, #tpu.memory_space<vmem>> -> memref<128x64xf32, #tpu.memory_space<vmem>>
      tpu.wait_dma2 semaphore(%run_scoped3A_702 : memref<!tpu.dma_semaphore, #tpu.memory_space<semaphore_mem>>) src(%dma_wait3A_726 : memref<128x64xf32, #tpu.memory_space<vmem>>) dst(%dma_wait3A_722 : memref<128x64xf32, #tpu.memory_space<hbm>>)
      tpu.yield
    }) : () -> ()
    %dma_start3A_327 = arith.constant 16 : i32
    %dma_start3A_328 = arith.constant 0 : i32
    %dma_start3A_329 = arith.constant 0 : i32
    %dma_start3A_330 = arith.constant 0 : i32
    %dma_start3A_331 = tpu.memref_slice %arg6[%dma_start3A_328, %dma_start3A_329, %dma_start3A_330] : memref<8x128x64xf32, #tpu.memory_space<vmem>> -> memref<1x128x64xf32, #tpu.memory_space<vmem>>
    %dma_start3A_332 = tpu.memref_squeeze %dma_start3A_331 : memref<1x128x64xf32, #tpu.memory_space<vmem>> -> memref<128x64xf32, #tpu.memory_space<vmem>>
    %dma_start3A_333 = arith.constant 0 : i32
    %dma_start3A_334 = tpu.memref_slice %arg5[%dma_start3A_327, %dma_start3A_333] : memref<26x128xi32, #tpu.memory_space<vmem>> -> memref<1x128xi32, #tpu.memory_space<vmem>>
    %dma_start3A_335 = tpu.memref_squeeze %dma_start3A_334 : memref<1x128xi32, #tpu.memory_space<vmem>> -> memref<128xi32, #tpu.memory_space<vmem>>
    %dma_start3A_336 = arith.constant 0 : i32
    %dma_start3A_337 = arith.constant 0 : i32
    %dma_start3A_338 = tpu.memref_slice %arg2[%dma_start3A_336, %dma_start3A_337] : memref<26000x64xf32, #tpu.memory_space<hbm>> -> memref<26000x64xf32, #tpu.memory_space<hbm>>
    tpu.enqueue_indirect_dma source(%dma_start3A_338 : memref<26000x64xf32, #tpu.memory_space<hbm>>) target(%dma_start3A_332 : memref<128x64xf32, #tpu.memory_space<vmem>>) offsets(%dma_start3A_335 : memref<128xi32, #tpu.memory_space<vmem>>) semaphore(%arg7 : memref<!tpu.dma_semaphore, #tpu.memory_space<semaphore_mem>>)
    %dma_wait3A_339 = arith.constant 9 : i32
    %dma_wait3A_340 = arith.constant 1 : i32
    %dma_wait3A_341 = arith.constant 0 : i32
    %dma_wait3A_342 = arith.constant 0 : i32
    %dma_wait3A_343 = tpu.memref_slice %arg6[%dma_wait3A_340, %dma_wait3A_341, %dma_wait3A_342] : memref<8x128x64xf32, #tpu.memory_space<vmem>> -> memref<1x128x64xf32, #tpu.memory_space<vmem>>
    %dma_wait3A_344 = tpu.memref_squeeze %dma_wait3A_343 : memref<1x128x64xf32, #tpu.memory_space<vmem>> -> memref<128x64xf32, #tpu.memory_space<vmem>>
    %dma_wait3A_345 = arith.constant 0 : i32
    %dma_wait3A_346 = tpu.memref_slice %arg5[%dma_wait3A_339, %dma_wait3A_345] : memref<26x128xi32, #tpu.memory_space<vmem>> -> memref<1x128xi32, #tpu.memory_space<vmem>>
    %dma_wait3A_347 = tpu.memref_squeeze %dma_wait3A_346 : memref<1x128xi32, #tpu.memory_space<vmem>> -> memref<128xi32, #tpu.memory_space<vmem>>
    %dma_wait3A_348 = arith.constant 0 : i32
    %dma_wait3A_349 = arith.constant 0 : i32
    %dma_wait3A_350 = tpu.memref_slice %arg2[%dma_wait3A_348, %dma_wait3A_349] : memref<26000x64xf32, #tpu.memory_space<hbm>> -> memref<26000x64xf32, #tpu.memory_space<hbm>>
    tpu.wait_indirect_dma semaphore(%arg8 : memref<!tpu.dma_semaphore, #tpu.memory_space<semaphore_mem>>) src(%dma_wait3A_350 : memref<26000x64xf32, #tpu.memory_space<hbm>>) dst(%dma_wait3A_344 : memref<128x64xf32, #tpu.memory_space<vmem>>)
    %add3A_351 = arith.constant 1152 : i32
    %add3A_352 = arith.addi %mul3A_2, %add3A_351 : i32
    %run_scoped3A_353 = arith.constant 1 : i32
    "tpu.region"() ({
      %run_scoped3A_702 = tpu.sem_alloc : memref<!tpu.dma_semaphore, #tpu.memory_space<semaphore_mem>>
      %dma_start3A_703 = arith.constant 0 : i32
      %dma_start3A_704 = arith.constant 0 : i32
      %dma_start3A_705 = tpu.memref_slice %arg6[%run_scoped3A_353, %dma_start3A_703, %dma_start3A_704] : memref<8x128x64xf32, #tpu.memory_space<vmem>> -> memref<1x128x64xf32, #tpu.memory_space<vmem>>
      %dma_start3A_706 = tpu.memref_squeeze %dma_start3A_705 : memref<1x128x64xf32, #tpu.memory_space<vmem>> -> memref<128x64xf32, #tpu.memory_space<vmem>>
      %dma_start3A_707 = arith.constant 0 : i32
      %dma_start3A_708 = tpu.memref_slice %arg4[%add3A_352, %dma_start3A_707] : memref<106496x64xf32, #tpu.memory_space<hbm>> -> memref<128x64xf32, #tpu.memory_space<hbm>>
      %dma_start3A_709 = arith.constant 0 : i32
      %dma_start3A_710 = tpu.memref_slice %arg4[%add3A_352, %dma_start3A_709] : memref<106496x64xf32, #tpu.memory_space<hbm>> -> memref<128x64xf32, #tpu.memory_space<hbm>>
      %dma_start3A_711 = arith.constant 0 : i32
      %dma_start3A_712 = arith.constant 0 : i32
      %dma_start3A_713 = tpu.memref_slice %arg6[%run_scoped3A_353, %dma_start3A_711, %dma_start3A_712] : memref<8x128x64xf32, #tpu.memory_space<vmem>> -> memref<1x128x64xf32, #tpu.memory_space<vmem>>
      %dma_start3A_714 = tpu.memref_squeeze %dma_start3A_713 : memref<1x128x64xf32, #tpu.memory_space<vmem>> -> memref<128x64xf32, #tpu.memory_space<vmem>>
      tpu.enqueue_dma source(%dma_start3A_714 : memref<128x64xf32, #tpu.memory_space<vmem>>) target(%dma_start3A_710 : memref<128x64xf32, #tpu.memory_space<hbm>>) target_semaphore(%run_scoped3A_702 : memref<!tpu.dma_semaphore, #tpu.memory_space<semaphore_mem>>)
      %dma_wait3A_715 = arith.constant 0 : i32
      %dma_wait3A_716 = arith.constant 0 : i32
      %dma_wait3A_717 = tpu.memref_slice %arg6[%run_scoped3A_353, %dma_wait3A_715, %dma_wait3A_716] : memref<8x128x64xf32, #tpu.memory_space<vmem>> -> memref<1x128x64xf32, #tpu.memory_space<vmem>>
      %dma_wait3A_718 = tpu.memref_squeeze %dma_wait3A_717 : memref<1x128x64xf32, #tpu.memory_space<vmem>> -> memref<128x64xf32, #tpu.memory_space<vmem>>
      %dma_wait3A_719 = arith.constant 0 : i32
      %dma_wait3A_720 = tpu.memref_slice %arg4[%add3A_352, %dma_wait3A_719] : memref<106496x64xf32, #tpu.memory_space<hbm>> -> memref<128x64xf32, #tpu.memory_space<hbm>>
      %dma_wait3A_721 = arith.constant 0 : i32
      %dma_wait3A_722 = tpu.memref_slice %arg4[%add3A_352, %dma_wait3A_721] : memref<106496x64xf32, #tpu.memory_space<hbm>> -> memref<128x64xf32, #tpu.memory_space<hbm>>
      %dma_wait3A_723 = arith.constant 0 : i32
      %dma_wait3A_724 = arith.constant 0 : i32
      %dma_wait3A_725 = tpu.memref_slice %arg6[%run_scoped3A_353, %dma_wait3A_723, %dma_wait3A_724] : memref<8x128x64xf32, #tpu.memory_space<vmem>> -> memref<1x128x64xf32, #tpu.memory_space<vmem>>
      %dma_wait3A_726 = tpu.memref_squeeze %dma_wait3A_725 : memref<1x128x64xf32, #tpu.memory_space<vmem>> -> memref<128x64xf32, #tpu.memory_space<vmem>>
      tpu.wait_dma2 semaphore(%run_scoped3A_702 : memref<!tpu.dma_semaphore, #tpu.memory_space<semaphore_mem>>) src(%dma_wait3A_726 : memref<128x64xf32, #tpu.memory_space<vmem>>) dst(%dma_wait3A_722 : memref<128x64xf32, #tpu.memory_space<hbm>>)
      tpu.yield
    }) : () -> ()
    %dma_start3A_354 = arith.constant 17 : i32
    %dma_start3A_355 = arith.constant 1 : i32
    %dma_start3A_356 = arith.constant 0 : i32
    %dma_start3A_357 = arith.constant 0 : i32
    %dma_start3A_358 = tpu.memref_slice %arg6[%dma_start3A_355, %dma_start3A_356, %dma_start3A_357] : memref<8x128x64xf32, #tpu.memory_space<vmem>> -> memref<1x128x64xf32, #tpu.memory_space<vmem>>
    %dma_start3A_359 = tpu.memref_squeeze %dma_start3A_358 : memref<1x128x64xf32, #tpu.memory_space<vmem>> -> memref<128x64xf32, #tpu.memory_space<vmem>>
    %dma_start3A_360 = arith.constant 0 : i32
    %dma_start3A_361 = tpu.memref_slice %arg5[%dma_start3A_354, %dma_start3A_360] : memref<26x128xi32, #tpu.memory_space<vmem>> -> memref<1x128xi32, #tpu.memory_space<vmem>>
    %dma_start3A_362 = tpu.memref_squeeze %dma_start3A_361 : memref<1x128xi32, #tpu.memory_space<vmem>> -> memref<128xi32, #tpu.memory_space<vmem>>
    %dma_start3A_363 = arith.constant 0 : i32
    %dma_start3A_364 = arith.constant 0 : i32
    %dma_start3A_365 = tpu.memref_slice %arg2[%dma_start3A_363, %dma_start3A_364] : memref<26000x64xf32, #tpu.memory_space<hbm>> -> memref<26000x64xf32, #tpu.memory_space<hbm>>
    tpu.enqueue_indirect_dma source(%dma_start3A_365 : memref<26000x64xf32, #tpu.memory_space<hbm>>) target(%dma_start3A_359 : memref<128x64xf32, #tpu.memory_space<vmem>>) offsets(%dma_start3A_362 : memref<128xi32, #tpu.memory_space<vmem>>) semaphore(%arg8 : memref<!tpu.dma_semaphore, #tpu.memory_space<semaphore_mem>>)
    %dma_wait3A_366 = arith.constant 10 : i32
    %dma_wait3A_367 = arith.constant 2 : i32
    %dma_wait3A_368 = arith.constant 0 : i32
    %dma_wait3A_369 = arith.constant 0 : i32
    %dma_wait3A_370 = tpu.memref_slice %arg6[%dma_wait3A_367, %dma_wait3A_368, %dma_wait3A_369] : memref<8x128x64xf32, #tpu.memory_space<vmem>> -> memref<1x128x64xf32, #tpu.memory_space<vmem>>
    %dma_wait3A_371 = tpu.memref_squeeze %dma_wait3A_370 : memref<1x128x64xf32, #tpu.memory_space<vmem>> -> memref<128x64xf32, #tpu.memory_space<vmem>>
    %dma_wait3A_372 = arith.constant 0 : i32
    %dma_wait3A_373 = tpu.memref_slice %arg5[%dma_wait3A_366, %dma_wait3A_372] : memref<26x128xi32, #tpu.memory_space<vmem>> -> memref<1x128xi32, #tpu.memory_space<vmem>>
    %dma_wait3A_374 = tpu.memref_squeeze %dma_wait3A_373 : memref<1x128xi32, #tpu.memory_space<vmem>> -> memref<128xi32, #tpu.memory_space<vmem>>
    %dma_wait3A_375 = arith.constant 0 : i32
    %dma_wait3A_376 = arith.constant 0 : i32
    %dma_wait3A_377 = tpu.memref_slice %arg2[%dma_wait3A_375, %dma_wait3A_376] : memref<26000x64xf32, #tpu.memory_space<hbm>> -> memref<26000x64xf32, #tpu.memory_space<hbm>>
    tpu.wait_indirect_dma semaphore(%arg9 : memref<!tpu.dma_semaphore, #tpu.memory_space<semaphore_mem>>) src(%dma_wait3A_377 : memref<26000x64xf32, #tpu.memory_space<hbm>>) dst(%dma_wait3A_371 : memref<128x64xf32, #tpu.memory_space<vmem>>)
    %add3A_378 = arith.constant 1280 : i32
    %add3A_379 = arith.addi %mul3A_2, %add3A_378 : i32
    %run_scoped3A_380 = arith.constant 2 : i32
    "tpu.region"() ({
      %run_scoped3A_702 = tpu.sem_alloc : memref<!tpu.dma_semaphore, #tpu.memory_space<semaphore_mem>>
      %dma_start3A_703 = arith.constant 0 : i32
      %dma_start3A_704 = arith.constant 0 : i32
      %dma_start3A_705 = tpu.memref_slice %arg6[%run_scoped3A_380, %dma_start3A_703, %dma_start3A_704] : memref<8x128x64xf32, #tpu.memory_space<vmem>> -> memref<1x128x64xf32, #tpu.memory_space<vmem>>
      %dma_start3A_706 = tpu.memref_squeeze %dma_start3A_705 : memref<1x128x64xf32, #tpu.memory_space<vmem>> -> memref<128x64xf32, #tpu.memory_space<vmem>>
      %dma_start3A_707 = arith.constant 0 : i32
      %dma_start3A_708 = tpu.memref_slice %arg4[%add3A_379, %dma_start3A_707] : memref<106496x64xf32, #tpu.memory_space<hbm>> -> memref<128x64xf32, #tpu.memory_space<hbm>>
      %dma_start3A_709 = arith.constant 0 : i32
      %dma_start3A_710 = tpu.memref_slice %arg4[%add3A_379, %dma_start3A_709] : memref<106496x64xf32, #tpu.memory_space<hbm>> -> memref<128x64xf32, #tpu.memory_space<hbm>>
      %dma_start3A_711 = arith.constant 0 : i32
      %dma_start3A_712 = arith.constant 0 : i32
      %dma_start3A_713 = tpu.memref_slice %arg6[%run_scoped3A_380, %dma_start3A_711, %dma_start3A_712] : memref<8x128x64xf32, #tpu.memory_space<vmem>> -> memref<1x128x64xf32, #tpu.memory_space<vmem>>
      %dma_start3A_714 = tpu.memref_squeeze %dma_start3A_713 : memref<1x128x64xf32, #tpu.memory_space<vmem>> -> memref<128x64xf32, #tpu.memory_space<vmem>>
      tpu.enqueue_dma source(%dma_start3A_714 : memref<128x64xf32, #tpu.memory_space<vmem>>) target(%dma_start3A_710 : memref<128x64xf32, #tpu.memory_space<hbm>>) target_semaphore(%run_scoped3A_702 : memref<!tpu.dma_semaphore, #tpu.memory_space<semaphore_mem>>)
      %dma_wait3A_715 = arith.constant 0 : i32
      %dma_wait3A_716 = arith.constant 0 : i32
      %dma_wait3A_717 = tpu.memref_slice %arg6[%run_scoped3A_380, %dma_wait3A_715, %dma_wait3A_716] : memref<8x128x64xf32, #tpu.memory_space<vmem>> -> memref<1x128x64xf32, #tpu.memory_space<vmem>>
      %dma_wait3A_718 = tpu.memref_squeeze %dma_wait3A_717 : memref<1x128x64xf32, #tpu.memory_space<vmem>> -> memref<128x64xf32, #tpu.memory_space<vmem>>
      %dma_wait3A_719 = arith.constant 0 : i32
      %dma_wait3A_720 = tpu.memref_slice %arg4[%add3A_379, %dma_wait3A_719] : memref<106496x64xf32, #tpu.memory_space<hbm>> -> memref<128x64xf32, #tpu.memory_space<hbm>>
      %dma_wait3A_721 = arith.constant 0 : i32
      %dma_wait3A_722 = tpu.memref_slice %arg4[%add3A_379, %dma_wait3A_721] : memref<106496x64xf32, #tpu.memory_space<hbm>> -> memref<128x64xf32, #tpu.memory_space<hbm>>
      %dma_wait3A_723 = arith.constant 0 : i32
      %dma_wait3A_724 = arith.constant 0 : i32
      %dma_wait3A_725 = tpu.memref_slice %arg6[%run_scoped3A_380, %dma_wait3A_723, %dma_wait3A_724] : memref<8x128x64xf32, #tpu.memory_space<vmem>> -> memref<1x128x64xf32, #tpu.memory_space<vmem>>
      %dma_wait3A_726 = tpu.memref_squeeze %dma_wait3A_725 : memref<1x128x64xf32, #tpu.memory_space<vmem>> -> memref<128x64xf32, #tpu.memory_space<vmem>>
      tpu.wait_dma2 semaphore(%run_scoped3A_702 : memref<!tpu.dma_semaphore, #tpu.memory_space<semaphore_mem>>) src(%dma_wait3A_726 : memref<128x64xf32, #tpu.memory_space<vmem>>) dst(%dma_wait3A_722 : memref<128x64xf32, #tpu.memory_space<hbm>>)
      tpu.yield
    }) : () -> ()
    %dma_start3A_381 = arith.constant 18 : i32
    %dma_start3A_382 = arith.constant 2 : i32
    %dma_start3A_383 = arith.constant 0 : i32
    %dma_start3A_384 = arith.constant 0 : i32
    %dma_start3A_385 = tpu.memref_slice %arg6[%dma_start3A_382, %dma_start3A_383, %dma_start3A_384] : memref<8x128x64xf32, #tpu.memory_space<vmem>> -> memref<1x128x64xf32, #tpu.memory_space<vmem>>
    %dma_start3A_386 = tpu.memref_squeeze %dma_start3A_385 : memref<1x128x64xf32, #tpu.memory_space<vmem>> -> memref<128x64xf32, #tpu.memory_space<vmem>>
    %dma_start3A_387 = arith.constant 0 : i32
    %dma_start3A_388 = tpu.memref_slice %arg5[%dma_start3A_381, %dma_start3A_387] : memref<26x128xi32, #tpu.memory_space<vmem>> -> memref<1x128xi32, #tpu.memory_space<vmem>>
    %dma_start3A_389 = tpu.memref_squeeze %dma_start3A_388 : memref<1x128xi32, #tpu.memory_space<vmem>> -> memref<128xi32, #tpu.memory_space<vmem>>
    %dma_start3A_390 = arith.constant 0 : i32
    %dma_start3A_391 = arith.constant 0 : i32
    %dma_start3A_392 = tpu.memref_slice %arg2[%dma_start3A_390, %dma_start3A_391] : memref<26000x64xf32, #tpu.memory_space<hbm>> -> memref<26000x64xf32, #tpu.memory_space<hbm>>
    tpu.enqueue_indirect_dma source(%dma_start3A_392 : memref<26000x64xf32, #tpu.memory_space<hbm>>) target(%dma_start3A_386 : memref<128x64xf32, #tpu.memory_space<vmem>>) offsets(%dma_start3A_389 : memref<128xi32, #tpu.memory_space<vmem>>) semaphore(%arg9 : memref<!tpu.dma_semaphore, #tpu.memory_space<semaphore_mem>>)
    %dma_wait3A_393 = arith.constant 11 : i32
    %dma_wait3A_394 = arith.constant 3 : i32
    %dma_wait3A_395 = arith.constant 0 : i32
    %dma_wait3A_396 = arith.constant 0 : i32
    %dma_wait3A_397 = tpu.memref_slice %arg6[%dma_wait3A_394, %dma_wait3A_395, %dma_wait3A_396] : memref<8x128x64xf32, #tpu.memory_space<vmem>> -> memref<1x128x64xf32, #tpu.memory_space<vmem>>
    %dma_wait3A_398 = tpu.memref_squeeze %dma_wait3A_397 : memref<1x128x64xf32, #tpu.memory_space<vmem>> -> memref<128x64xf32, #tpu.memory_space<vmem>>
    %dma_wait3A_399 = arith.constant 0 : i32
    %dma_wait3A_400 = tpu.memref_slice %arg5[%dma_wait3A_393, %dma_wait3A_399] : memref<26x128xi32, #tpu.memory_space<vmem>> -> memref<1x128xi32, #tpu.memory_space<vmem>>
    %dma_wait3A_401 = tpu.memref_squeeze %dma_wait3A_400 : memref<1x128xi32, #tpu.memory_space<vmem>> -> memref<128xi32, #tpu.memory_space<vmem>>
    %dma_wait3A_402 = arith.constant 0 : i32
    %dma_wait3A_403 = arith.constant 0 : i32
    %dma_wait3A_404 = tpu.memref_slice %arg2[%dma_wait3A_402, %dma_wait3A_403] : memref<26000x64xf32, #tpu.memory_space<hbm>> -> memref<26000x64xf32, #tpu.memory_space<hbm>>
    tpu.wait_indirect_dma semaphore(%arg10 : memref<!tpu.dma_semaphore, #tpu.memory_space<semaphore_mem>>) src(%dma_wait3A_404 : memref<26000x64xf32, #tpu.memory_space<hbm>>) dst(%dma_wait3A_398 : memref<128x64xf32, #tpu.memory_space<vmem>>)
    %add3A_405 = arith.constant 1408 : i32
    %add3A_406 = arith.addi %mul3A_2, %add3A_405 : i32
    %run_scoped3A_407 = arith.constant 3 : i32
    "tpu.region"() ({
      %run_scoped3A_702 = tpu.sem_alloc : memref<!tpu.dma_semaphore, #tpu.memory_space<semaphore_mem>>
      %dma_start3A_703 = arith.constant 0 : i32
      %dma_start3A_704 = arith.constant 0 : i32
      %dma_start3A_705 = tpu.memref_slice %arg6[%run_scoped3A_407, %dma_start3A_703, %dma_start3A_704] : memref<8x128x64xf32, #tpu.memory_space<vmem>> -> memref<1x128x64xf32, #tpu.memory_space<vmem>>
      %dma_start3A_706 = tpu.memref_squeeze %dma_start3A_705 : memref<1x128x64xf32, #tpu.memory_space<vmem>> -> memref<128x64xf32, #tpu.memory_space<vmem>>
      %dma_start3A_707 = arith.constant 0 : i32
      %dma_start3A_708 = tpu.memref_slice %arg4[%add3A_406, %dma_start3A_707] : memref<106496x64xf32, #tpu.memory_space<hbm>> -> memref<128x64xf32, #tpu.memory_space<hbm>>
      %dma_start3A_709 = arith.constant 0 : i32
      %dma_start3A_710 = tpu.memref_slice %arg4[%add3A_406, %dma_start3A_709] : memref<106496x64xf32, #tpu.memory_space<hbm>> -> memref<128x64xf32, #tpu.memory_space<hbm>>
      %dma_start3A_711 = arith.constant 0 : i32
      %dma_start3A_712 = arith.constant 0 : i32
      %dma_start3A_713 = tpu.memref_slice %arg6[%run_scoped3A_407, %dma_start3A_711, %dma_start3A_712] : memref<8x128x64xf32, #tpu.memory_space<vmem>> -> memref<1x128x64xf32, #tpu.memory_space<vmem>>
      %dma_start3A_714 = tpu.memref_squeeze %dma_start3A_713 : memref<1x128x64xf32, #tpu.memory_space<vmem>> -> memref<128x64xf32, #tpu.memory_space<vmem>>
      tpu.enqueue_dma source(%dma_start3A_714 : memref<128x64xf32, #tpu.memory_space<vmem>>) target(%dma_start3A_710 : memref<128x64xf32, #tpu.memory_space<hbm>>) target_semaphore(%run_scoped3A_702 : memref<!tpu.dma_semaphore, #tpu.memory_space<semaphore_mem>>)
      %dma_wait3A_715 = arith.constant 0 : i32
      %dma_wait3A_716 = arith.constant 0 : i32
      %dma_wait3A_717 = tpu.memref_slice %arg6[%run_scoped3A_407, %dma_wait3A_715, %dma_wait3A_716] : memref<8x128x64xf32, #tpu.memory_space<vmem>> -> memref<1x128x64xf32, #tpu.memory_space<vmem>>
      %dma_wait3A_718 = tpu.memref_squeeze %dma_wait3A_717 : memref<1x128x64xf32, #tpu.memory_space<vmem>> -> memref<128x64xf32, #tpu.memory_space<vmem>>
      %dma_wait3A_719 = arith.constant 0 : i32
      %dma_wait3A_720 = tpu.memref_slice %arg4[%add3A_406, %dma_wait3A_719] : memref<106496x64xf32, #tpu.memory_space<hbm>> -> memref<128x64xf32, #tpu.memory_space<hbm>>
      %dma_wait3A_721 = arith.constant 0 : i32
      %dma_wait3A_722 = tpu.memref_slice %arg4[%add3A_406, %dma_wait3A_721] : memref<106496x64xf32, #tpu.memory_space<hbm>> -> memref<128x64xf32, #tpu.memory_space<hbm>>
      %dma_wait3A_723 = arith.constant 0 : i32
      %dma_wait3A_724 = arith.constant 0 : i32
      %dma_wait3A_725 = tpu.memref_slice %arg6[%run_scoped3A_407, %dma_wait3A_723, %dma_wait3A_724] : memref<8x128x64xf32, #tpu.memory_space<vmem>> -> memref<1x128x64xf32, #tpu.memory_space<vmem>>
      %dma_wait3A_726 = tpu.memref_squeeze %dma_wait3A_725 : memref<1x128x64xf32, #tpu.memory_space<vmem>> -> memref<128x64xf32, #tpu.memory_space<vmem>>
      tpu.wait_dma2 semaphore(%run_scoped3A_702 : memref<!tpu.dma_semaphore, #tpu.memory_space<semaphore_mem>>) src(%dma_wait3A_726 : memref<128x64xf32, #tpu.memory_space<vmem>>) dst(%dma_wait3A_722 : memref<128x64xf32, #tpu.memory_space<hbm>>)
      tpu.yield
    }) : () -> ()
    %dma_start3A_408 = arith.constant 19 : i32
    %dma_start3A_409 = arith.constant 3 : i32
    %dma_start3A_410 = arith.constant 0 : i32
    %dma_start3A_411 = arith.constant 0 : i32
    %dma_start3A_412 = tpu.memref_slice %arg6[%dma_start3A_409, %dma_start3A_410, %dma_start3A_411] : memref<8x128x64xf32, #tpu.memory_space<vmem>> -> memref<1x128x64xf32, #tpu.memory_space<vmem>>
    %dma_start3A_413 = tpu.memref_squeeze %dma_start3A_412 : memref<1x128x64xf32, #tpu.memory_space<vmem>> -> memref<128x64xf32, #tpu.memory_space<vmem>>
    %dma_start3A_414 = arith.constant 0 : i32
    %dma_start3A_415 = tpu.memref_slice %arg5[%dma_start3A_408, %dma_start3A_414] : memref<26x128xi32, #tpu.memory_space<vmem>> -> memref<1x128xi32, #tpu.memory_space<vmem>>
    %dma_start3A_416 = tpu.memref_squeeze %dma_start3A_415 : memref<1x128xi32, #tpu.memory_space<vmem>> -> memref<128xi32, #tpu.memory_space<vmem>>
    %dma_start3A_417 = arith.constant 0 : i32
    %dma_start3A_418 = arith.constant 0 : i32
    %dma_start3A_419 = tpu.memref_slice %arg2[%dma_start3A_417, %dma_start3A_418] : memref<26000x64xf32, #tpu.memory_space<hbm>> -> memref<26000x64xf32, #tpu.memory_space<hbm>>
    tpu.enqueue_indirect_dma source(%dma_start3A_419 : memref<26000x64xf32, #tpu.memory_space<hbm>>) target(%dma_start3A_413 : memref<128x64xf32, #tpu.memory_space<vmem>>) offsets(%dma_start3A_416 : memref<128xi32, #tpu.memory_space<vmem>>) semaphore(%arg10 : memref<!tpu.dma_semaphore, #tpu.memory_space<semaphore_mem>>)
    %dma_wait3A_420 = arith.constant 12 : i32
    %dma_wait3A_421 = arith.constant 4 : i32
    %dma_wait3A_422 = arith.constant 0 : i32
    %dma_wait3A_423 = arith.constant 0 : i32
    %dma_wait3A_424 = tpu.memref_slice %arg6[%dma_wait3A_421, %dma_wait3A_422, %dma_wait3A_423] : memref<8x128x64xf32, #tpu.memory_space<vmem>> -> memref<1x128x64xf32, #tpu.memory_space<vmem>>
    %dma_wait3A_425 = tpu.memref_squeeze %dma_wait3A_424 : memref<1x128x64xf32, #tpu.memory_space<vmem>> -> memref<128x64xf32, #tpu.memory_space<vmem>>
    %dma_wait3A_426 = arith.constant 0 : i32
    %dma_wait3A_427 = tpu.memref_slice %arg5[%dma_wait3A_420, %dma_wait3A_426] : memref<26x128xi32, #tpu.memory_space<vmem>> -> memref<1x128xi32, #tpu.memory_space<vmem>>
    %dma_wait3A_428 = tpu.memref_squeeze %dma_wait3A_427 : memref<1x128xi32, #tpu.memory_space<vmem>> -> memref<128xi32, #tpu.memory_space<vmem>>
    %dma_wait3A_429 = arith.constant 0 : i32
    %dma_wait3A_430 = arith.constant 0 : i32
    %dma_wait3A_431 = tpu.memref_slice %arg2[%dma_wait3A_429, %dma_wait3A_430] : memref<26000x64xf32, #tpu.memory_space<hbm>> -> memref<26000x64xf32, #tpu.memory_space<hbm>>
    tpu.wait_indirect_dma semaphore(%arg11 : memref<!tpu.dma_semaphore, #tpu.memory_space<semaphore_mem>>) src(%dma_wait3A_431 : memref<26000x64xf32, #tpu.memory_space<hbm>>) dst(%dma_wait3A_425 : memref<128x64xf32, #tpu.memory_space<vmem>>)
    %add3A_432 = arith.constant 1536 : i32
    %add3A_433 = arith.addi %mul3A_2, %add3A_432 : i32
    %run_scoped3A_434 = arith.constant 4 : i32
    "tpu.region"() ({
      %run_scoped3A_702 = tpu.sem_alloc : memref<!tpu.dma_semaphore, #tpu.memory_space<semaphore_mem>>
      %dma_start3A_703 = arith.constant 0 : i32
      %dma_start3A_704 = arith.constant 0 : i32
      %dma_start3A_705 = tpu.memref_slice %arg6[%run_scoped3A_434, %dma_start3A_703, %dma_start3A_704] : memref<8x128x64xf32, #tpu.memory_space<vmem>> -> memref<1x128x64xf32, #tpu.memory_space<vmem>>
      %dma_start3A_706 = tpu.memref_squeeze %dma_start3A_705 : memref<1x128x64xf32, #tpu.memory_space<vmem>> -> memref<128x64xf32, #tpu.memory_space<vmem>>
      %dma_start3A_707 = arith.constant 0 : i32
      %dma_start3A_708 = tpu.memref_slice %arg4[%add3A_433, %dma_start3A_707] : memref<106496x64xf32, #tpu.memory_space<hbm>> -> memref<128x64xf32, #tpu.memory_space<hbm>>
      %dma_start3A_709 = arith.constant 0 : i32
      %dma_start3A_710 = tpu.memref_slice %arg4[%add3A_433, %dma_start3A_709] : memref<106496x64xf32, #tpu.memory_space<hbm>> -> memref<128x64xf32, #tpu.memory_space<hbm>>
      %dma_start3A_711 = arith.constant 0 : i32
      %dma_start3A_712 = arith.constant 0 : i32
      %dma_start3A_713 = tpu.memref_slice %arg6[%run_scoped3A_434, %dma_start3A_711, %dma_start3A_712] : memref<8x128x64xf32, #tpu.memory_space<vmem>> -> memref<1x128x64xf32, #tpu.memory_space<vmem>>
      %dma_start3A_714 = tpu.memref_squeeze %dma_start3A_713 : memref<1x128x64xf32, #tpu.memory_space<vmem>> -> memref<128x64xf32, #tpu.memory_space<vmem>>
      tpu.enqueue_dma source(%dma_start3A_714 : memref<128x64xf32, #tpu.memory_space<vmem>>) target(%dma_start3A_710 : memref<128x64xf32, #tpu.memory_space<hbm>>) target_semaphore(%run_scoped3A_702 : memref<!tpu.dma_semaphore, #tpu.memory_space<semaphore_mem>>)
      %dma_wait3A_715 = arith.constant 0 : i32
      %dma_wait3A_716 = arith.constant 0 : i32
      %dma_wait3A_717 = tpu.memref_slice %arg6[%run_scoped3A_434, %dma_wait3A_715, %dma_wait3A_716] : memref<8x128x64xf32, #tpu.memory_space<vmem>> -> memref<1x128x64xf32, #tpu.memory_space<vmem>>
      %dma_wait3A_718 = tpu.memref_squeeze %dma_wait3A_717 : memref<1x128x64xf32, #tpu.memory_space<vmem>> -> memref<128x64xf32, #tpu.memory_space<vmem>>
      %dma_wait3A_719 = arith.constant 0 : i32
      %dma_wait3A_720 = tpu.memref_slice %arg4[%add3A_433, %dma_wait3A_719] : memref<106496x64xf32, #tpu.memory_space<hbm>> -> memref<128x64xf32, #tpu.memory_space<hbm>>
      %dma_wait3A_721 = arith.constant 0 : i32
      %dma_wait3A_722 = tpu.memref_slice %arg4[%add3A_433, %dma_wait3A_721] : memref<106496x64xf32, #tpu.memory_space<hbm>> -> memref<128x64xf32, #tpu.memory_space<hbm>>
      %dma_wait3A_723 = arith.constant 0 : i32
      %dma_wait3A_724 = arith.constant 0 : i32
      %dma_wait3A_725 = tpu.memref_slice %arg6[%run_scoped3A_434, %dma_wait3A_723, %dma_wait3A_724] : memref<8x128x64xf32, #tpu.memory_space<vmem>> -> memref<1x128x64xf32, #tpu.memory_space<vmem>>
      %dma_wait3A_726 = tpu.memref_squeeze %dma_wait3A_725 : memref<1x128x64xf32, #tpu.memory_space<vmem>> -> memref<128x64xf32, #tpu.memory_space<vmem>>
      tpu.wait_dma2 semaphore(%run_scoped3A_702 : memref<!tpu.dma_semaphore, #tpu.memory_space<semaphore_mem>>) src(%dma_wait3A_726 : memref<128x64xf32, #tpu.memory_space<vmem>>) dst(%dma_wait3A_722 : memref<128x64xf32, #tpu.memory_space<hbm>>)
      tpu.yield
    }) : () -> ()
    %dma_start3A_435 = arith.constant 20 : i32
    %dma_start3A_436 = arith.constant 4 : i32
    %dma_start3A_437 = arith.constant 0 : i32
    %dma_start3A_438 = arith.constant 0 : i32
    %dma_start3A_439 = tpu.memref_slice %arg6[%dma_start3A_436, %dma_start3A_437, %dma_start3A_438] : memref<8x128x64xf32, #tpu.memory_space<vmem>> -> memref<1x128x64xf32, #tpu.memory_space<vmem>>
    %dma_start3A_440 = tpu.memref_squeeze %dma_start3A_439 : memref<1x128x64xf32, #tpu.memory_space<vmem>> -> memref<128x64xf32, #tpu.memory_space<vmem>>
    %dma_start3A_441 = arith.constant 0 : i32
    %dma_start3A_442 = tpu.memref_slice %arg5[%dma_start3A_435, %dma_start3A_441] : memref<26x128xi32, #tpu.memory_space<vmem>> -> memref<1x128xi32, #tpu.memory_space<vmem>>
    %dma_start3A_443 = tpu.memref_squeeze %dma_start3A_442 : memref<1x128xi32, #tpu.memory_space<vmem>> -> memref<128xi32, #tpu.memory_space<vmem>>
    %dma_start3A_444 = arith.constant 0 : i32
    %dma_start3A_445 = arith.constant 0 : i32
    %dma_start3A_446 = tpu.memref_slice %arg2[%dma_start3A_444, %dma_start3A_445] : memref<26000x64xf32, #tpu.memory_space<hbm>> -> memref<26000x64xf32, #tpu.memory_space<hbm>>
    tpu.enqueue_indirect_dma source(%dma_start3A_446 : memref<26000x64xf32, #tpu.memory_space<hbm>>) target(%dma_start3A_440 : memref<128x64xf32, #tpu.memory_space<vmem>>) offsets(%dma_start3A_443 : memref<128xi32, #tpu.memory_space<vmem>>) semaphore(%arg11 : memref<!tpu.dma_semaphore, #tpu.memory_space<semaphore_mem>>)
    %dma_wait3A_447 = arith.constant 13 : i32
    %dma_wait3A_448 = arith.constant 5 : i32
    %dma_wait3A_449 = arith.constant 0 : i32
    %dma_wait3A_450 = arith.constant 0 : i32
    %dma_wait3A_451 = tpu.memref_slice %arg6[%dma_wait3A_448, %dma_wait3A_449, %dma_wait3A_450] : memref<8x128x64xf32, #tpu.memory_space<vmem>> -> memref<1x128x64xf32, #tpu.memory_space<vmem>>
    %dma_wait3A_452 = tpu.memref_squeeze %dma_wait3A_451 : memref<1x128x64xf32, #tpu.memory_space<vmem>> -> memref<128x64xf32, #tpu.memory_space<vmem>>
    %dma_wait3A_453 = arith.constant 0 : i32
    %dma_wait3A_454 = tpu.memref_slice %arg5[%dma_wait3A_447, %dma_wait3A_453] : memref<26x128xi32, #tpu.memory_space<vmem>> -> memref<1x128xi32, #tpu.memory_space<vmem>>
    %dma_wait3A_455 = tpu.memref_squeeze %dma_wait3A_454 : memref<1x128xi32, #tpu.memory_space<vmem>> -> memref<128xi32, #tpu.memory_space<vmem>>
    %dma_wait3A_456 = arith.constant 0 : i32
    %dma_wait3A_457 = arith.constant 0 : i32
    %dma_wait3A_458 = tpu.memref_slice %arg2[%dma_wait3A_456, %dma_wait3A_457] : memref<26000x64xf32, #tpu.memory_space<hbm>> -> memref<26000x64xf32, #tpu.memory_space<hbm>>
    tpu.wait_indirect_dma semaphore(%arg12 : memref<!tpu.dma_semaphore, #tpu.memory_space<semaphore_mem>>) src(%dma_wait3A_458 : memref<26000x64xf32, #tpu.memory_space<hbm>>) dst(%dma_wait3A_452 : memref<128x64xf32, #tpu.memory_space<vmem>>)
    %add3A_459 = arith.constant 1664 : i32
    %add3A_460 = arith.addi %mul3A_2, %add3A_459 : i32
    %run_scoped3A_461 = arith.constant 5 : i32
    "tpu.region"() ({
      %run_scoped3A_702 = tpu.sem_alloc : memref<!tpu.dma_semaphore, #tpu.memory_space<semaphore_mem>>
      %dma_start3A_703 = arith.constant 0 : i32
      %dma_start3A_704 = arith.constant 0 : i32
      %dma_start3A_705 = tpu.memref_slice %arg6[%run_scoped3A_461, %dma_start3A_703, %dma_start3A_704] : memref<8x128x64xf32, #tpu.memory_space<vmem>> -> memref<1x128x64xf32, #tpu.memory_space<vmem>>
      %dma_start3A_706 = tpu.memref_squeeze %dma_start3A_705 : memref<1x128x64xf32, #tpu.memory_space<vmem>> -> memref<128x64xf32, #tpu.memory_space<vmem>>
      %dma_start3A_707 = arith.constant 0 : i32
      %dma_start3A_708 = tpu.memref_slice %arg4[%add3A_460, %dma_start3A_707] : memref<106496x64xf32, #tpu.memory_space<hbm>> -> memref<128x64xf32, #tpu.memory_space<hbm>>
      %dma_start3A_709 = arith.constant 0 : i32
      %dma_start3A_710 = tpu.memref_slice %arg4[%add3A_460, %dma_start3A_709] : memref<106496x64xf32, #tpu.memory_space<hbm>> -> memref<128x64xf32, #tpu.memory_space<hbm>>
      %dma_start3A_711 = arith.constant 0 : i32
      %dma_start3A_712 = arith.constant 0 : i32
      %dma_start3A_713 = tpu.memref_slice %arg6[%run_scoped3A_461, %dma_start3A_711, %dma_start3A_712] : memref<8x128x64xf32, #tpu.memory_space<vmem>> -> memref<1x128x64xf32, #tpu.memory_space<vmem>>
      %dma_start3A_714 = tpu.memref_squeeze %dma_start3A_713 : memref<1x128x64xf32, #tpu.memory_space<vmem>> -> memref<128x64xf32, #tpu.memory_space<vmem>>
      tpu.enqueue_dma source(%dma_start3A_714 : memref<128x64xf32, #tpu.memory_space<vmem>>) target(%dma_start3A_710 : memref<128x64xf32, #tpu.memory_space<hbm>>) target_semaphore(%run_scoped3A_702 : memref<!tpu.dma_semaphore, #tpu.memory_space<semaphore_mem>>)
      %dma_wait3A_715 = arith.constant 0 : i32
      %dma_wait3A_716 = arith.constant 0 : i32
      %dma_wait3A_717 = tpu.memref_slice %arg6[%run_scoped3A_461, %dma_wait3A_715, %dma_wait3A_716] : memref<8x128x64xf32, #tpu.memory_space<vmem>> -> memref<1x128x64xf32, #tpu.memory_space<vmem>>
      %dma_wait3A_718 = tpu.memref_squeeze %dma_wait3A_717 : memref<1x128x64xf32, #tpu.memory_space<vmem>> -> memref<128x64xf32, #tpu.memory_space<vmem>>
      %dma_wait3A_719 = arith.constant 0 : i32
      %dma_wait3A_720 = tpu.memref_slice %arg4[%add3A_460, %dma_wait3A_719] : memref<106496x64xf32, #tpu.memory_space<hbm>> -> memref<128x64xf32, #tpu.memory_space<hbm>>
      %dma_wait3A_721 = arith.constant 0 : i32
      %dma_wait3A_722 = tpu.memref_slice %arg4[%add3A_460, %dma_wait3A_721] : memref<106496x64xf32, #tpu.memory_space<hbm>> -> memref<128x64xf32, #tpu.memory_space<hbm>>
      %dma_wait3A_723 = arith.constant 0 : i32
      %dma_wait3A_724 = arith.constant 0 : i32
      %dma_wait3A_725 = tpu.memref_slice %arg6[%run_scoped3A_461, %dma_wait3A_723, %dma_wait3A_724] : memref<8x128x64xf32, #tpu.memory_space<vmem>> -> memref<1x128x64xf32, #tpu.memory_space<vmem>>
      %dma_wait3A_726 = tpu.memref_squeeze %dma_wait3A_725 : memref<1x128x64xf32, #tpu.memory_space<vmem>> -> memref<128x64xf32, #tpu.memory_space<vmem>>
      tpu.wait_dma2 semaphore(%run_scoped3A_702 : memref<!tpu.dma_semaphore, #tpu.memory_space<semaphore_mem>>) src(%dma_wait3A_726 : memref<128x64xf32, #tpu.memory_space<vmem>>) dst(%dma_wait3A_722 : memref<128x64xf32, #tpu.memory_space<hbm>>)
      tpu.yield
    }) : () -> ()
    %dma_start3A_462 = arith.constant 21 : i32
    %dma_start3A_463 = arith.constant 5 : i32
    %dma_start3A_464 = arith.constant 0 : i32
    %dma_start3A_465 = arith.constant 0 : i32
    %dma_start3A_466 = tpu.memref_slice %arg6[%dma_start3A_463, %dma_start3A_464, %dma_start3A_465] : memref<8x128x64xf32, #tpu.memory_space<vmem>> -> memref<1x128x64xf32, #tpu.memory_space<vmem>>
    %dma_start3A_467 = tpu.memref_squeeze %dma_start3A_466 : memref<1x128x64xf32, #tpu.memory_space<vmem>> -> memref<128x64xf32, #tpu.memory_space<vmem>>
    %dma_start3A_468 = arith.constant 0 : i32
    %dma_start3A_469 = tpu.memref_slice %arg5[%dma_start3A_462, %dma_start3A_468] : memref<26x128xi32, #tpu.memory_space<vmem>> -> memref<1x128xi32, #tpu.memory_space<vmem>>
    %dma_start3A_470 = tpu.memref_squeeze %dma_start3A_469 : memref<1x128xi32, #tpu.memory_space<vmem>> -> memref<128xi32, #tpu.memory_space<vmem>>
    %dma_start3A_471 = arith.constant 0 : i32
    %dma_start3A_472 = arith.constant 0 : i32
    %dma_start3A_473 = tpu.memref_slice %arg2[%dma_start3A_471, %dma_start3A_472] : memref<26000x64xf32, #tpu.memory_space<hbm>> -> memref<26000x64xf32, #tpu.memory_space<hbm>>
    tpu.enqueue_indirect_dma source(%dma_start3A_473 : memref<26000x64xf32, #tpu.memory_space<hbm>>) target(%dma_start3A_467 : memref<128x64xf32, #tpu.memory_space<vmem>>) offsets(%dma_start3A_470 : memref<128xi32, #tpu.memory_space<vmem>>) semaphore(%arg12 : memref<!tpu.dma_semaphore, #tpu.memory_space<semaphore_mem>>)
    %dma_wait3A_474 = arith.constant 14 : i32
    %dma_wait3A_475 = arith.constant 6 : i32
    %dma_wait3A_476 = arith.constant 0 : i32
    %dma_wait3A_477 = arith.constant 0 : i32
    %dma_wait3A_478 = tpu.memref_slice %arg6[%dma_wait3A_475, %dma_wait3A_476, %dma_wait3A_477] : memref<8x128x64xf32, #tpu.memory_space<vmem>> -> memref<1x128x64xf32, #tpu.memory_space<vmem>>
    %dma_wait3A_479 = tpu.memref_squeeze %dma_wait3A_478 : memref<1x128x64xf32, #tpu.memory_space<vmem>> -> memref<128x64xf32, #tpu.memory_space<vmem>>
    %dma_wait3A_480 = arith.constant 0 : i32
    %dma_wait3A_481 = tpu.memref_slice %arg5[%dma_wait3A_474, %dma_wait3A_480] : memref<26x128xi32, #tpu.memory_space<vmem>> -> memref<1x128xi32, #tpu.memory_space<vmem>>
    %dma_wait3A_482 = tpu.memref_squeeze %dma_wait3A_481 : memref<1x128xi32, #tpu.memory_space<vmem>> -> memref<128xi32, #tpu.memory_space<vmem>>
    %dma_wait3A_483 = arith.constant 0 : i32
    %dma_wait3A_484 = arith.constant 0 : i32
    %dma_wait3A_485 = tpu.memref_slice %arg2[%dma_wait3A_483, %dma_wait3A_484] : memref<26000x64xf32, #tpu.memory_space<hbm>> -> memref<26000x64xf32, #tpu.memory_space<hbm>>
    tpu.wait_indirect_dma semaphore(%arg13 : memref<!tpu.dma_semaphore, #tpu.memory_space<semaphore_mem>>) src(%dma_wait3A_485 : memref<26000x64xf32, #tpu.memory_space<hbm>>) dst(%dma_wait3A_479 : memref<128x64xf32, #tpu.memory_space<vmem>>)
    %add3A_486 = arith.constant 1792 : i32
    %add3A_487 = arith.addi %mul3A_2, %add3A_486 : i32
    %run_scoped3A_488 = arith.constant 6 : i32
    "tpu.region"() ({
      %run_scoped3A_702 = tpu.sem_alloc : memref<!tpu.dma_semaphore, #tpu.memory_space<semaphore_mem>>
      %dma_start3A_703 = arith.constant 0 : i32
      %dma_start3A_704 = arith.constant 0 : i32
      %dma_start3A_705 = tpu.memref_slice %arg6[%run_scoped3A_488, %dma_start3A_703, %dma_start3A_704] : memref<8x128x64xf32, #tpu.memory_space<vmem>> -> memref<1x128x64xf32, #tpu.memory_space<vmem>>
      %dma_start3A_706 = tpu.memref_squeeze %dma_start3A_705 : memref<1x128x64xf32, #tpu.memory_space<vmem>> -> memref<128x64xf32, #tpu.memory_space<vmem>>
      %dma_start3A_707 = arith.constant 0 : i32
      %dma_start3A_708 = tpu.memref_slice %arg4[%add3A_487, %dma_start3A_707] : memref<106496x64xf32, #tpu.memory_space<hbm>> -> memref<128x64xf32, #tpu.memory_space<hbm>>
      %dma_start3A_709 = arith.constant 0 : i32
      %dma_start3A_710 = tpu.memref_slice %arg4[%add3A_487, %dma_start3A_709] : memref<106496x64xf32, #tpu.memory_space<hbm>> -> memref<128x64xf32, #tpu.memory_space<hbm>>
      %dma_start3A_711 = arith.constant 0 : i32
      %dma_start3A_712 = arith.constant 0 : i32
      %dma_start3A_713 = tpu.memref_slice %arg6[%run_scoped3A_488, %dma_start3A_711, %dma_start3A_712] : memref<8x128x64xf32, #tpu.memory_space<vmem>> -> memref<1x128x64xf32, #tpu.memory_space<vmem>>
      %dma_start3A_714 = tpu.memref_squeeze %dma_start3A_713 : memref<1x128x64xf32, #tpu.memory_space<vmem>> -> memref<128x64xf32, #tpu.memory_space<vmem>>
      tpu.enqueue_dma source(%dma_start3A_714 : memref<128x64xf32, #tpu.memory_space<vmem>>) target(%dma_start3A_710 : memref<128x64xf32, #tpu.memory_space<hbm>>) target_semaphore(%run_scoped3A_702 : memref<!tpu.dma_semaphore, #tpu.memory_space<semaphore_mem>>)
      %dma_wait3A_715 = arith.constant 0 : i32
      %dma_wait3A_716 = arith.constant 0 : i32
      %dma_wait3A_717 = tpu.memref_slice %arg6[%run_scoped3A_488, %dma_wait3A_715, %dma_wait3A_716] : memref<8x128x64xf32, #tpu.memory_space<vmem>> -> memref<1x128x64xf32, #tpu.memory_space<vmem>>
      %dma_wait3A_718 = tpu.memref_squeeze %dma_wait3A_717 : memref<1x128x64xf32, #tpu.memory_space<vmem>> -> memref<128x64xf32, #tpu.memory_space<vmem>>
      %dma_wait3A_719 = arith.constant 0 : i32
      %dma_wait3A_720 = tpu.memref_slice %arg4[%add3A_487, %dma_wait3A_719] : memref<106496x64xf32, #tpu.memory_space<hbm>> -> memref<128x64xf32, #tpu.memory_space<hbm>>
      %dma_wait3A_721 = arith.constant 0 : i32
      %dma_wait3A_722 = tpu.memref_slice %arg4[%add3A_487, %dma_wait3A_721] : memref<106496x64xf32, #tpu.memory_space<hbm>> -> memref<128x64xf32, #tpu.memory_space<hbm>>
      %dma_wait3A_723 = arith.constant 0 : i32
      %dma_wait3A_724 = arith.constant 0 : i32
      %dma_wait3A_725 = tpu.memref_slice %arg6[%run_scoped3A_488, %dma_wait3A_723, %dma_wait3A_724] : memref<8x128x64xf32, #tpu.memory_space<vmem>> -> memref<1x128x64xf32, #tpu.memory_space<vmem>>
      %dma_wait3A_726 = tpu.memref_squeeze %dma_wait3A_725 : memref<1x128x64xf32, #tpu.memory_space<vmem>> -> memref<128x64xf32, #tpu.memory_space<vmem>>
      tpu.wait_dma2 semaphore(%run_scoped3A_702 : memref<!tpu.dma_semaphore, #tpu.memory_space<semaphore_mem>>) src(%dma_wait3A_726 : memref<128x64xf32, #tpu.memory_space<vmem>>) dst(%dma_wait3A_722 : memref<128x64xf32, #tpu.memory_space<hbm>>)
      tpu.yield
    }) : () -> ()
    %dma_start3A_489 = arith.constant 22 : i32
    %dma_start3A_490 = arith.constant 6 : i32
    %dma_start3A_491 = arith.constant 0 : i32
    %dma_start3A_492 = arith.constant 0 : i32
    %dma_start3A_493 = tpu.memref_slice %arg6[%dma_start3A_490, %dma_start3A_491, %dma_start3A_492] : memref<8x128x64xf32, #tpu.memory_space<vmem>> -> memref<1x128x64xf32, #tpu.memory_space<vmem>>
    %dma_start3A_494 = tpu.memref_squeeze %dma_start3A_493 : memref<1x128x64xf32, #tpu.memory_space<vmem>> -> memref<128x64xf32, #tpu.memory_space<vmem>>
    %dma_start3A_495 = arith.constant 0 : i32
    %dma_start3A_496 = tpu.memref_slice %arg5[%dma_start3A_489, %dma_start3A_495] : memref<26x128xi32, #tpu.memory_space<vmem>> -> memref<1x128xi32, #tpu.memory_space<vmem>>
    %dma_start3A_497 = tpu.memref_squeeze %dma_start3A_496 : memref<1x128xi32, #tpu.memory_space<vmem>> -> memref<128xi32, #tpu.memory_space<vmem>>
    %dma_start3A_498 = arith.constant 0 : i32
    %dma_start3A_499 = arith.constant 0 : i32
    %dma_start3A_500 = tpu.memref_slice %arg2[%dma_start3A_498, %dma_start3A_499] : memref<26000x64xf32, #tpu.memory_space<hbm>> -> memref<26000x64xf32, #tpu.memory_space<hbm>>
    tpu.enqueue_indirect_dma source(%dma_start3A_500 : memref<26000x64xf32, #tpu.memory_space<hbm>>) target(%dma_start3A_494 : memref<128x64xf32, #tpu.memory_space<vmem>>) offsets(%dma_start3A_497 : memref<128xi32, #tpu.memory_space<vmem>>) semaphore(%arg13 : memref<!tpu.dma_semaphore, #tpu.memory_space<semaphore_mem>>)
    %dma_wait3A_501 = arith.constant 15 : i32
    %dma_wait3A_502 = arith.constant 7 : i32
    %dma_wait3A_503 = arith.constant 0 : i32
    %dma_wait3A_504 = arith.constant 0 : i32
    %dma_wait3A_505 = tpu.memref_slice %arg6[%dma_wait3A_502, %dma_wait3A_503, %dma_wait3A_504] : memref<8x128x64xf32, #tpu.memory_space<vmem>> -> memref<1x128x64xf32, #tpu.memory_space<vmem>>
    %dma_wait3A_506 = tpu.memref_squeeze %dma_wait3A_505 : memref<1x128x64xf32, #tpu.memory_space<vmem>> -> memref<128x64xf32, #tpu.memory_space<vmem>>
    %dma_wait3A_507 = arith.constant 0 : i32
    %dma_wait3A_508 = tpu.memref_slice %arg5[%dma_wait3A_501, %dma_wait3A_507] : memref<26x128xi32, #tpu.memory_space<vmem>> -> memref<1x128xi32, #tpu.memory_space<vmem>>
    %dma_wait3A_509 = tpu.memref_squeeze %dma_wait3A_508 : memref<1x128xi32, #tpu.memory_space<vmem>> -> memref<128xi32, #tpu.memory_space<vmem>>
    %dma_wait3A_510 = arith.constant 0 : i32
    %dma_wait3A_511 = arith.constant 0 : i32
    %dma_wait3A_512 = tpu.memref_slice %arg2[%dma_wait3A_510, %dma_wait3A_511] : memref<26000x64xf32, #tpu.memory_space<hbm>> -> memref<26000x64xf32, #tpu.memory_space<hbm>>
    tpu.wait_indirect_dma semaphore(%arg14 : memref<!tpu.dma_semaphore, #tpu.memory_space<semaphore_mem>>) src(%dma_wait3A_512 : memref<26000x64xf32, #tpu.memory_space<hbm>>) dst(%dma_wait3A_506 : memref<128x64xf32, #tpu.memory_space<vmem>>)
    %add3A_513 = arith.constant 1920 : i32
    %add3A_514 = arith.addi %mul3A_2, %add3A_513 : i32
    %run_scoped3A_515 = arith.constant 7 : i32
    "tpu.region"() ({
      %run_scoped3A_702 = tpu.sem_alloc : memref<!tpu.dma_semaphore, #tpu.memory_space<semaphore_mem>>
      %dma_start3A_703 = arith.constant 0 : i32
      %dma_start3A_704 = arith.constant 0 : i32
      %dma_start3A_705 = tpu.memref_slice %arg6[%run_scoped3A_515, %dma_start3A_703, %dma_start3A_704] : memref<8x128x64xf32, #tpu.memory_space<vmem>> -> memref<1x128x64xf32, #tpu.memory_space<vmem>>
      %dma_start3A_706 = tpu.memref_squeeze %dma_start3A_705 : memref<1x128x64xf32, #tpu.memory_space<vmem>> -> memref<128x64xf32, #tpu.memory_space<vmem>>
      %dma_start3A_707 = arith.constant 0 : i32
      %dma_start3A_708 = tpu.memref_slice %arg4[%add3A_514, %dma_start3A_707] : memref<106496x64xf32, #tpu.memory_space<hbm>> -> memref<128x64xf32, #tpu.memory_space<hbm>>
      %dma_start3A_709 = arith.constant 0 : i32
      %dma_start3A_710 = tpu.memref_slice %arg4[%add3A_514, %dma_start3A_709] : memref<106496x64xf32, #tpu.memory_space<hbm>> -> memref<128x64xf32, #tpu.memory_space<hbm>>
      %dma_start3A_711 = arith.constant 0 : i32
      %dma_start3A_712 = arith.constant 0 : i32
      %dma_start3A_713 = tpu.memref_slice %arg6[%run_scoped3A_515, %dma_start3A_711, %dma_start3A_712] : memref<8x128x64xf32, #tpu.memory_space<vmem>> -> memref<1x128x64xf32, #tpu.memory_space<vmem>>
      %dma_start3A_714 = tpu.memref_squeeze %dma_start3A_713 : memref<1x128x64xf32, #tpu.memory_space<vmem>> -> memref<128x64xf32, #tpu.memory_space<vmem>>
      tpu.enqueue_dma source(%dma_start3A_714 : memref<128x64xf32, #tpu.memory_space<vmem>>) target(%dma_start3A_710 : memref<128x64xf32, #tpu.memory_space<hbm>>) target_semaphore(%run_scoped3A_702 : memref<!tpu.dma_semaphore, #tpu.memory_space<semaphore_mem>>)
      %dma_wait3A_715 = arith.constant 0 : i32
      %dma_wait3A_716 = arith.constant 0 : i32
      %dma_wait3A_717 = tpu.memref_slice %arg6[%run_scoped3A_515, %dma_wait3A_715, %dma_wait3A_716] : memref<8x128x64xf32, #tpu.memory_space<vmem>> -> memref<1x128x64xf32, #tpu.memory_space<vmem>>
      %dma_wait3A_718 = tpu.memref_squeeze %dma_wait3A_717 : memref<1x128x64xf32, #tpu.memory_space<vmem>> -> memref<128x64xf32, #tpu.memory_space<vmem>>
      %dma_wait3A_719 = arith.constant 0 : i32
      %dma_wait3A_720 = tpu.memref_slice %arg4[%add3A_514, %dma_wait3A_719] : memref<106496x64xf32, #tpu.memory_space<hbm>> -> memref<128x64xf32, #tpu.memory_space<hbm>>
      %dma_wait3A_721 = arith.constant 0 : i32
      %dma_wait3A_722 = tpu.memref_slice %arg4[%add3A_514, %dma_wait3A_721] : memref<106496x64xf32, #tpu.memory_space<hbm>> -> memref<128x64xf32, #tpu.memory_space<hbm>>
      %dma_wait3A_723 = arith.constant 0 : i32
      %dma_wait3A_724 = arith.constant 0 : i32
      %dma_wait3A_725 = tpu.memref_slice %arg6[%run_scoped3A_515, %dma_wait3A_723, %dma_wait3A_724] : memref<8x128x64xf32, #tpu.memory_space<vmem>> -> memref<1x128x64xf32, #tpu.memory_space<vmem>>
      %dma_wait3A_726 = tpu.memref_squeeze %dma_wait3A_725 : memref<1x128x64xf32, #tpu.memory_space<vmem>> -> memref<128x64xf32, #tpu.memory_space<vmem>>
      tpu.wait_dma2 semaphore(%run_scoped3A_702 : memref<!tpu.dma_semaphore, #tpu.memory_space<semaphore_mem>>) src(%dma_wait3A_726 : memref<128x64xf32, #tpu.memory_space<vmem>>) dst(%dma_wait3A_722 : memref<128x64xf32, #tpu.memory_space<hbm>>)
      tpu.yield
    }) : () -> ()
    %dma_start3A_516 = arith.constant 23 : i32
    %dma_start3A_517 = arith.constant 7 : i32
    %dma_start3A_518 = arith.constant 0 : i32
    %dma_start3A_519 = arith.constant 0 : i32
    %dma_start3A_520 = tpu.memref_slice %arg6[%dma_start3A_517, %dma_start3A_518, %dma_start3A_519] : memref<8x128x64xf32, #tpu.memory_space<vmem>> -> memref<1x128x64xf32, #tpu.memory_space<vmem>>
    %dma_start3A_521 = tpu.memref_squeeze %dma_start3A_520 : memref<1x128x64xf32, #tpu.memory_space<vmem>> -> memref<128x64xf32, #tpu.memory_space<vmem>>
    %dma_start3A_522 = arith.constant 0 : i32
    %dma_start3A_523 = tpu.memref_slice %arg5[%dma_start3A_516, %dma_start3A_522] : memref<26x128xi32, #tpu.memory_space<vmem>> -> memref<1x128xi32, #tpu.memory_space<vmem>>
    %dma_start3A_524 = tpu.memref_squeeze %dma_start3A_523 : memref<1x128xi32, #tpu.memory_space<vmem>> -> memref<128xi32, #tpu.memory_space<vmem>>
    %dma_start3A_525 = arith.constant 0 : i32
    %dma_start3A_526 = arith.constant 0 : i32
    %dma_start3A_527 = tpu.memref_slice %arg2[%dma_start3A_525, %dma_start3A_526] : memref<26000x64xf32, #tpu.memory_space<hbm>> -> memref<26000x64xf32, #tpu.memory_space<hbm>>
    tpu.enqueue_indirect_dma source(%dma_start3A_527 : memref<26000x64xf32, #tpu.memory_space<hbm>>) target(%dma_start3A_521 : memref<128x64xf32, #tpu.memory_space<vmem>>) offsets(%dma_start3A_524 : memref<128xi32, #tpu.memory_space<vmem>>) semaphore(%arg14 : memref<!tpu.dma_semaphore, #tpu.memory_space<semaphore_mem>>)
    %dma_wait3A_528 = arith.constant 16 : i32
    %dma_wait3A_529 = arith.constant 0 : i32
    %dma_wait3A_530 = arith.constant 0 : i32
    %dma_wait3A_531 = arith.constant 0 : i32
    %dma_wait3A_532 = tpu.memref_slice %arg6[%dma_wait3A_529, %dma_wait3A_530, %dma_wait3A_531] : memref<8x128x64xf32, #tpu.memory_space<vmem>> -> memref<1x128x64xf32, #tpu.memory_space<vmem>>
    %dma_wait3A_533 = tpu.memref_squeeze %dma_wait3A_532 : memref<1x128x64xf32, #tpu.memory_space<vmem>> -> memref<128x64xf32, #tpu.memory_space<vmem>>
    %dma_wait3A_534 = arith.constant 0 : i32
    %dma_wait3A_535 = tpu.memref_slice %arg5[%dma_wait3A_528, %dma_wait3A_534] : memref<26x128xi32, #tpu.memory_space<vmem>> -> memref<1x128xi32, #tpu.memory_space<vmem>>
    %dma_wait3A_536 = tpu.memref_squeeze %dma_wait3A_535 : memref<1x128xi32, #tpu.memory_space<vmem>> -> memref<128xi32, #tpu.memory_space<vmem>>
    %dma_wait3A_537 = arith.constant 0 : i32
    %dma_wait3A_538 = arith.constant 0 : i32
    %dma_wait3A_539 = tpu.memref_slice %arg2[%dma_wait3A_537, %dma_wait3A_538] : memref<26000x64xf32, #tpu.memory_space<hbm>> -> memref<26000x64xf32, #tpu.memory_space<hbm>>
    tpu.wait_indirect_dma semaphore(%arg7 : memref<!tpu.dma_semaphore, #tpu.memory_space<semaphore_mem>>) src(%dma_wait3A_539 : memref<26000x64xf32, #tpu.memory_space<hbm>>) dst(%dma_wait3A_533 : memref<128x64xf32, #tpu.memory_space<vmem>>)
    %add3A_540 = arith.constant 2048 : i32
    %add3A_541 = arith.addi %mul3A_2, %add3A_540 : i32
    %run_scoped3A_542 = arith.constant 0 : i32
    "tpu.region"() ({
      %run_scoped3A_702 = tpu.sem_alloc : memref<!tpu.dma_semaphore, #tpu.memory_space<semaphore_mem>>
      %dma_start3A_703 = arith.constant 0 : i32
      %dma_start3A_704 = arith.constant 0 : i32
      %dma_start3A_705 = tpu.memref_slice %arg6[%run_scoped3A_542, %dma_start3A_703, %dma_start3A_704] : memref<8x128x64xf32, #tpu.memory_space<vmem>> -> memref<1x128x64xf32, #tpu.memory_space<vmem>>
      %dma_start3A_706 = tpu.memref_squeeze %dma_start3A_705 : memref<1x128x64xf32, #tpu.memory_space<vmem>> -> memref<128x64xf32, #tpu.memory_space<vmem>>
      %dma_start3A_707 = arith.constant 0 : i32
      %dma_start3A_708 = tpu.memref_slice %arg4[%add3A_541, %dma_start3A_707] : memref<106496x64xf32, #tpu.memory_space<hbm>> -> memref<128x64xf32, #tpu.memory_space<hbm>>
      %dma_start3A_709 = arith.constant 0 : i32
      %dma_start3A_710 = tpu.memref_slice %arg4[%add3A_541, %dma_start3A_709] : memref<106496x64xf32, #tpu.memory_space<hbm>> -> memref<128x64xf32, #tpu.memory_space<hbm>>
      %dma_start3A_711 = arith.constant 0 : i32
      %dma_start3A_712 = arith.constant 0 : i32
      %dma_start3A_713 = tpu.memref_slice %arg6[%run_scoped3A_542, %dma_start3A_711, %dma_start3A_712] : memref<8x128x64xf32, #tpu.memory_space<vmem>> -> memref<1x128x64xf32, #tpu.memory_space<vmem>>
      %dma_start3A_714 = tpu.memref_squeeze %dma_start3A_713 : memref<1x128x64xf32, #tpu.memory_space<vmem>> -> memref<128x64xf32, #tpu.memory_space<vmem>>
      tpu.enqueue_dma source(%dma_start3A_714 : memref<128x64xf32, #tpu.memory_space<vmem>>) target(%dma_start3A_710 : memref<128x64xf32, #tpu.memory_space<hbm>>) target_semaphore(%run_scoped3A_702 : memref<!tpu.dma_semaphore, #tpu.memory_space<semaphore_mem>>)
      %dma_wait3A_715 = arith.constant 0 : i32
      %dma_wait3A_716 = arith.constant 0 : i32
      %dma_wait3A_717 = tpu.memref_slice %arg6[%run_scoped3A_542, %dma_wait3A_715, %dma_wait3A_716] : memref<8x128x64xf32, #tpu.memory_space<vmem>> -> memref<1x128x64xf32, #tpu.memory_space<vmem>>
      %dma_wait3A_718 = tpu.memref_squeeze %dma_wait3A_717 : memref<1x128x64xf32, #tpu.memory_space<vmem>> -> memref<128x64xf32, #tpu.memory_space<vmem>>
      %dma_wait3A_719 = arith.constant 0 : i32
      %dma_wait3A_720 = tpu.memref_slice %arg4[%add3A_541, %dma_wait3A_719] : memref<106496x64xf32, #tpu.memory_space<hbm>> -> memref<128x64xf32, #tpu.memory_space<hbm>>
      %dma_wait3A_721 = arith.constant 0 : i32
      %dma_wait3A_722 = tpu.memref_slice %arg4[%add3A_541, %dma_wait3A_721] : memref<106496x64xf32, #tpu.memory_space<hbm>> -> memref<128x64xf32, #tpu.memory_space<hbm>>
      %dma_wait3A_723 = arith.constant 0 : i32
      %dma_wait3A_724 = arith.constant 0 : i32
      %dma_wait3A_725 = tpu.memref_slice %arg6[%run_scoped3A_542, %dma_wait3A_723, %dma_wait3A_724] : memref<8x128x64xf32, #tpu.memory_space<vmem>> -> memref<1x128x64xf32, #tpu.memory_space<vmem>>
      %dma_wait3A_726 = tpu.memref_squeeze %dma_wait3A_725 : memref<1x128x64xf32, #tpu.memory_space<vmem>> -> memref<128x64xf32, #tpu.memory_space<vmem>>
      tpu.wait_dma2 semaphore(%run_scoped3A_702 : memref<!tpu.dma_semaphore, #tpu.memory_space<semaphore_mem>>) src(%dma_wait3A_726 : memref<128x64xf32, #tpu.memory_space<vmem>>) dst(%dma_wait3A_722 : memref<128x64xf32, #tpu.memory_space<hbm>>)
      tpu.yield
    }) : () -> ()
    %dma_start3A_543 = arith.constant 24 : i32
    %dma_start3A_544 = arith.constant 0 : i32
    %dma_start3A_545 = arith.constant 0 : i32
    %dma_start3A_546 = arith.constant 0 : i32
    %dma_start3A_547 = tpu.memref_slice %arg6[%dma_start3A_544, %dma_start3A_545, %dma_start3A_546] : memref<8x128x64xf32, #tpu.memory_space<vmem>> -> memref<1x128x64xf32, #tpu.memory_space<vmem>>
    %dma_start3A_548 = tpu.memref_squeeze %dma_start3A_547 : memref<1x128x64xf32, #tpu.memory_space<vmem>> -> memref<128x64xf32, #tpu.memory_space<vmem>>
    %dma_start3A_549 = arith.constant 0 : i32
    %dma_start3A_550 = tpu.memref_slice %arg5[%dma_start3A_543, %dma_start3A_549] : memref<26x128xi32, #tpu.memory_space<vmem>> -> memref<1x128xi32, #tpu.memory_space<vmem>>
    %dma_start3A_551 = tpu.memref_squeeze %dma_start3A_550 : memref<1x128xi32, #tpu.memory_space<vmem>> -> memref<128xi32, #tpu.memory_space<vmem>>
    %dma_start3A_552 = arith.constant 0 : i32
    %dma_start3A_553 = arith.constant 0 : i32
    %dma_start3A_554 = tpu.memref_slice %arg2[%dma_start3A_552, %dma_start3A_553] : memref<26000x64xf32, #tpu.memory_space<hbm>> -> memref<26000x64xf32, #tpu.memory_space<hbm>>
    tpu.enqueue_indirect_dma source(%dma_start3A_554 : memref<26000x64xf32, #tpu.memory_space<hbm>>) target(%dma_start3A_548 : memref<128x64xf32, #tpu.memory_space<vmem>>) offsets(%dma_start3A_551 : memref<128xi32, #tpu.memory_space<vmem>>) semaphore(%arg7 : memref<!tpu.dma_semaphore, #tpu.memory_space<semaphore_mem>>)
    %dma_wait3A_555 = arith.constant 17 : i32
    %dma_wait3A_556 = arith.constant 1 : i32
    %dma_wait3A_557 = arith.constant 0 : i32
    %dma_wait3A_558 = arith.constant 0 : i32
    %dma_wait3A_559 = tpu.memref_slice %arg6[%dma_wait3A_556, %dma_wait3A_557, %dma_wait3A_558] : memref<8x128x64xf32, #tpu.memory_space<vmem>> -> memref<1x128x64xf32, #tpu.memory_space<vmem>>
    %dma_wait3A_560 = tpu.memref_squeeze %dma_wait3A_559 : memref<1x128x64xf32, #tpu.memory_space<vmem>> -> memref<128x64xf32, #tpu.memory_space<vmem>>
    %dma_wait3A_561 = arith.constant 0 : i32
    %dma_wait3A_562 = tpu.memref_slice %arg5[%dma_wait3A_555, %dma_wait3A_561] : memref<26x128xi32, #tpu.memory_space<vmem>> -> memref<1x128xi32, #tpu.memory_space<vmem>>
    %dma_wait3A_563 = tpu.memref_squeeze %dma_wait3A_562 : memref<1x128xi32, #tpu.memory_space<vmem>> -> memref<128xi32, #tpu.memory_space<vmem>>
    %dma_wait3A_564 = arith.constant 0 : i32
    %dma_wait3A_565 = arith.constant 0 : i32
    %dma_wait3A_566 = tpu.memref_slice %arg2[%dma_wait3A_564, %dma_wait3A_565] : memref<26000x64xf32, #tpu.memory_space<hbm>> -> memref<26000x64xf32, #tpu.memory_space<hbm>>
    tpu.wait_indirect_dma semaphore(%arg8 : memref<!tpu.dma_semaphore, #tpu.memory_space<semaphore_mem>>) src(%dma_wait3A_566 : memref<26000x64xf32, #tpu.memory_space<hbm>>) dst(%dma_wait3A_560 : memref<128x64xf32, #tpu.memory_space<vmem>>)
    %add3A_567 = arith.constant 2176 : i32
    %add3A_568 = arith.addi %mul3A_2, %add3A_567 : i32
    %run_scoped3A_569 = arith.constant 1 : i32
    "tpu.region"() ({
      %run_scoped3A_702 = tpu.sem_alloc : memref<!tpu.dma_semaphore, #tpu.memory_space<semaphore_mem>>
      %dma_start3A_703 = arith.constant 0 : i32
      %dma_start3A_704 = arith.constant 0 : i32
      %dma_start3A_705 = tpu.memref_slice %arg6[%run_scoped3A_569, %dma_start3A_703, %dma_start3A_704] : memref<8x128x64xf32, #tpu.memory_space<vmem>> -> memref<1x128x64xf32, #tpu.memory_space<vmem>>
      %dma_start3A_706 = tpu.memref_squeeze %dma_start3A_705 : memref<1x128x64xf32, #tpu.memory_space<vmem>> -> memref<128x64xf32, #tpu.memory_space<vmem>>
      %dma_start3A_707 = arith.constant 0 : i32
      %dma_start3A_708 = tpu.memref_slice %arg4[%add3A_568, %dma_start3A_707] : memref<106496x64xf32, #tpu.memory_space<hbm>> -> memref<128x64xf32, #tpu.memory_space<hbm>>
      %dma_start3A_709 = arith.constant 0 : i32
      %dma_start3A_710 = tpu.memref_slice %arg4[%add3A_568, %dma_start3A_709] : memref<106496x64xf32, #tpu.memory_space<hbm>> -> memref<128x64xf32, #tpu.memory_space<hbm>>
      %dma_start3A_711 = arith.constant 0 : i32
      %dma_start3A_712 = arith.constant 0 : i32
      %dma_start3A_713 = tpu.memref_slice %arg6[%run_scoped3A_569, %dma_start3A_711, %dma_start3A_712] : memref<8x128x64xf32, #tpu.memory_space<vmem>> -> memref<1x128x64xf32, #tpu.memory_space<vmem>>
      %dma_start3A_714 = tpu.memref_squeeze %dma_start3A_713 : memref<1x128x64xf32, #tpu.memory_space<vmem>> -> memref<128x64xf32, #tpu.memory_space<vmem>>
      tpu.enqueue_dma source(%dma_start3A_714 : memref<128x64xf32, #tpu.memory_space<vmem>>) target(%dma_start3A_710 : memref<128x64xf32, #tpu.memory_space<hbm>>) target_semaphore(%run_scoped3A_702 : memref<!tpu.dma_semaphore, #tpu.memory_space<semaphore_mem>>)
      %dma_wait3A_715 = arith.constant 0 : i32
      %dma_wait3A_716 = arith.constant 0 : i32
      %dma_wait3A_717 = tpu.memref_slice %arg6[%run_scoped3A_569, %dma_wait3A_715, %dma_wait3A_716] : memref<8x128x64xf32, #tpu.memory_space<vmem>> -> memref<1x128x64xf32, #tpu.memory_space<vmem>>
      %dma_wait3A_718 = tpu.memref_squeeze %dma_wait3A_717 : memref<1x128x64xf32, #tpu.memory_space<vmem>> -> memref<128x64xf32, #tpu.memory_space<vmem>>
      %dma_wait3A_719 = arith.constant 0 : i32
      %dma_wait3A_720 = tpu.memref_slice %arg4[%add3A_568, %dma_wait3A_719] : memref<106496x64xf32, #tpu.memory_space<hbm>> -> memref<128x64xf32, #tpu.memory_space<hbm>>
      %dma_wait3A_721 = arith.constant 0 : i32
      %dma_wait3A_722 = tpu.memref_slice %arg4[%add3A_568, %dma_wait3A_721] : memref<106496x64xf32, #tpu.memory_space<hbm>> -> memref<128x64xf32, #tpu.memory_space<hbm>>
      %dma_wait3A_723 = arith.constant 0 : i32
      %dma_wait3A_724 = arith.constant 0 : i32
      %dma_wait3A_725 = tpu.memref_slice %arg6[%run_scoped3A_569, %dma_wait3A_723, %dma_wait3A_724] : memref<8x128x64xf32, #tpu.memory_space<vmem>> -> memref<1x128x64xf32, #tpu.memory_space<vmem>>
      %dma_wait3A_726 = tpu.memref_squeeze %dma_wait3A_725 : memref<1x128x64xf32, #tpu.memory_space<vmem>> -> memref<128x64xf32, #tpu.memory_space<vmem>>
      tpu.wait_dma2 semaphore(%run_scoped3A_702 : memref<!tpu.dma_semaphore, #tpu.memory_space<semaphore_mem>>) src(%dma_wait3A_726 : memref<128x64xf32, #tpu.memory_space<vmem>>) dst(%dma_wait3A_722 : memref<128x64xf32, #tpu.memory_space<hbm>>)
      tpu.yield
    }) : () -> ()
    %dma_start3A_570 = arith.constant 25 : i32
    %dma_start3A_571 = arith.constant 1 : i32
    %dma_start3A_572 = arith.constant 0 : i32
    %dma_start3A_573 = arith.constant 0 : i32
    %dma_start3A_574 = tpu.memref_slice %arg6[%dma_start3A_571, %dma_start3A_572, %dma_start3A_573] : memref<8x128x64xf32, #tpu.memory_space<vmem>> -> memref<1x128x64xf32, #tpu.memory_space<vmem>>
    %dma_start3A_575 = tpu.memref_squeeze %dma_start3A_574 : memref<1x128x64xf32, #tpu.memory_space<vmem>> -> memref<128x64xf32, #tpu.memory_space<vmem>>
    %dma_start3A_576 = arith.constant 0 : i32
    %dma_start3A_577 = tpu.memref_slice %arg5[%dma_start3A_570, %dma_start3A_576] : memref<26x128xi32, #tpu.memory_space<vmem>> -> memref<1x128xi32, #tpu.memory_space<vmem>>
    %dma_start3A_578 = tpu.memref_squeeze %dma_start3A_577 : memref<1x128xi32, #tpu.memory_space<vmem>> -> memref<128xi32, #tpu.memory_space<vmem>>
    %dma_start3A_579 = arith.constant 0 : i32
    %dma_start3A_580 = arith.constant 0 : i32
    %dma_start3A_581 = tpu.memref_slice %arg2[%dma_start3A_579, %dma_start3A_580] : memref<26000x64xf32, #tpu.memory_space<hbm>> -> memref<26000x64xf32, #tpu.memory_space<hbm>>
    tpu.enqueue_indirect_dma source(%dma_start3A_581 : memref<26000x64xf32, #tpu.memory_space<hbm>>) target(%dma_start3A_575 : memref<128x64xf32, #tpu.memory_space<vmem>>) offsets(%dma_start3A_578 : memref<128xi32, #tpu.memory_space<vmem>>) semaphore(%arg8 : memref<!tpu.dma_semaphore, #tpu.memory_space<semaphore_mem>>)
    %dma_wait3A_582 = arith.constant 18 : i32
    %dma_wait3A_583 = arith.constant 2 : i32
    %dma_wait3A_584 = arith.constant 0 : i32
    %dma_wait3A_585 = arith.constant 0 : i32
    %dma_wait3A_586 = tpu.memref_slice %arg6[%dma_wait3A_583, %dma_wait3A_584, %dma_wait3A_585] : memref<8x128x64xf32, #tpu.memory_space<vmem>> -> memref<1x128x64xf32, #tpu.memory_space<vmem>>
    %dma_wait3A_587 = tpu.memref_squeeze %dma_wait3A_586 : memref<1x128x64xf32, #tpu.memory_space<vmem>> -> memref<128x64xf32, #tpu.memory_space<vmem>>
    %dma_wait3A_588 = arith.constant 0 : i32
    %dma_wait3A_589 = tpu.memref_slice %arg5[%dma_wait3A_582, %dma_wait3A_588] : memref<26x128xi32, #tpu.memory_space<vmem>> -> memref<1x128xi32, #tpu.memory_space<vmem>>
    %dma_wait3A_590 = tpu.memref_squeeze %dma_wait3A_589 : memref<1x128xi32, #tpu.memory_space<vmem>> -> memref<128xi32, #tpu.memory_space<vmem>>
    %dma_wait3A_591 = arith.constant 0 : i32
    %dma_wait3A_592 = arith.constant 0 : i32
    %dma_wait3A_593 = tpu.memref_slice %arg2[%dma_wait3A_591, %dma_wait3A_592] : memref<26000x64xf32, #tpu.memory_space<hbm>> -> memref<26000x64xf32, #tpu.memory_space<hbm>>
    tpu.wait_indirect_dma semaphore(%arg9 : memref<!tpu.dma_semaphore, #tpu.memory_space<semaphore_mem>>) src(%dma_wait3A_593 : memref<26000x64xf32, #tpu.memory_space<hbm>>) dst(%dma_wait3A_587 : memref<128x64xf32, #tpu.memory_space<vmem>>)
    %add3A_594 = arith.constant 2304 : i32
    %add3A_595 = arith.addi %mul3A_2, %add3A_594 : i32
    %run_scoped3A_596 = arith.constant 2 : i32
    "tpu.region"() ({
      %run_scoped3A_702 = tpu.sem_alloc : memref<!tpu.dma_semaphore, #tpu.memory_space<semaphore_mem>>
      %dma_start3A_703 = arith.constant 0 : i32
      %dma_start3A_704 = arith.constant 0 : i32
      %dma_start3A_705 = tpu.memref_slice %arg6[%run_scoped3A_596, %dma_start3A_703, %dma_start3A_704] : memref<8x128x64xf32, #tpu.memory_space<vmem>> -> memref<1x128x64xf32, #tpu.memory_space<vmem>>
      %dma_start3A_706 = tpu.memref_squeeze %dma_start3A_705 : memref<1x128x64xf32, #tpu.memory_space<vmem>> -> memref<128x64xf32, #tpu.memory_space<vmem>>
      %dma_start3A_707 = arith.constant 0 : i32
      %dma_start3A_708 = tpu.memref_slice %arg4[%add3A_595, %dma_start3A_707] : memref<106496x64xf32, #tpu.memory_space<hbm>> -> memref<128x64xf32, #tpu.memory_space<hbm>>
      %dma_start3A_709 = arith.constant 0 : i32
      %dma_start3A_710 = tpu.memref_slice %arg4[%add3A_595, %dma_start3A_709] : memref<106496x64xf32, #tpu.memory_space<hbm>> -> memref<128x64xf32, #tpu.memory_space<hbm>>
      %dma_start3A_711 = arith.constant 0 : i32
      %dma_start3A_712 = arith.constant 0 : i32
      %dma_start3A_713 = tpu.memref_slice %arg6[%run_scoped3A_596, %dma_start3A_711, %dma_start3A_712] : memref<8x128x64xf32, #tpu.memory_space<vmem>> -> memref<1x128x64xf32, #tpu.memory_space<vmem>>
      %dma_start3A_714 = tpu.memref_squeeze %dma_start3A_713 : memref<1x128x64xf32, #tpu.memory_space<vmem>> -> memref<128x64xf32, #tpu.memory_space<vmem>>
      tpu.enqueue_dma source(%dma_start3A_714 : memref<128x64xf32, #tpu.memory_space<vmem>>) target(%dma_start3A_710 : memref<128x64xf32, #tpu.memory_space<hbm>>) target_semaphore(%run_scoped3A_702 : memref<!tpu.dma_semaphore, #tpu.memory_space<semaphore_mem>>)
      %dma_wait3A_715 = arith.constant 0 : i32
      %dma_wait3A_716 = arith.constant 0 : i32
      %dma_wait3A_717 = tpu.memref_slice %arg6[%run_scoped3A_596, %dma_wait3A_715, %dma_wait3A_716] : memref<8x128x64xf32, #tpu.memory_space<vmem>> -> memref<1x128x64xf32, #tpu.memory_space<vmem>>
      %dma_wait3A_718 = tpu.memref_squeeze %dma_wait3A_717 : memref<1x128x64xf32, #tpu.memory_space<vmem>> -> memref<128x64xf32, #tpu.memory_space<vmem>>
      %dma_wait3A_719 = arith.constant 0 : i32
      %dma_wait3A_720 = tpu.memref_slice %arg4[%add3A_595, %dma_wait3A_719] : memref<106496x64xf32, #tpu.memory_space<hbm>> -> memref<128x64xf32, #tpu.memory_space<hbm>>
      %dma_wait3A_721 = arith.constant 0 : i32
      %dma_wait3A_722 = tpu.memref_slice %arg4[%add3A_595, %dma_wait3A_721] : memref<106496x64xf32, #tpu.memory_space<hbm>> -> memref<128x64xf32, #tpu.memory_space<hbm>>
      %dma_wait3A_723 = arith.constant 0 : i32
      %dma_wait3A_724 = arith.constant 0 : i32
      %dma_wait3A_725 = tpu.memref_slice %arg6[%run_scoped3A_596, %dma_wait3A_723, %dma_wait3A_724] : memref<8x128x64xf32, #tpu.memory_space<vmem>> -> memref<1x128x64xf32, #tpu.memory_space<vmem>>
      %dma_wait3A_726 = tpu.memref_squeeze %dma_wait3A_725 : memref<1x128x64xf32, #tpu.memory_space<vmem>> -> memref<128x64xf32, #tpu.memory_space<vmem>>
      tpu.wait_dma2 semaphore(%run_scoped3A_702 : memref<!tpu.dma_semaphore, #tpu.memory_space<semaphore_mem>>) src(%dma_wait3A_726 : memref<128x64xf32, #tpu.memory_space<vmem>>) dst(%dma_wait3A_722 : memref<128x64xf32, #tpu.memory_space<hbm>>)
      tpu.yield
    }) : () -> ()
    %dma_wait3A_597 = arith.constant 19 : i32
    %dma_wait3A_598 = arith.constant 3 : i32
    %dma_wait3A_599 = arith.constant 0 : i32
    %dma_wait3A_600 = arith.constant 0 : i32
    %dma_wait3A_601 = tpu.memref_slice %arg6[%dma_wait3A_598, %dma_wait3A_599, %dma_wait3A_600] : memref<8x128x64xf32, #tpu.memory_space<vmem>> -> memref<1x128x64xf32, #tpu.memory_space<vmem>>
    %dma_wait3A_602 = tpu.memref_squeeze %dma_wait3A_601 : memref<1x128x64xf32, #tpu.memory_space<vmem>> -> memref<128x64xf32, #tpu.memory_space<vmem>>
    %dma_wait3A_603 = arith.constant 0 : i32
    %dma_wait3A_604 = tpu.memref_slice %arg5[%dma_wait3A_597, %dma_wait3A_603] : memref<26x128xi32, #tpu.memory_space<vmem>> -> memref<1x128xi32, #tpu.memory_space<vmem>>
    %dma_wait3A_605 = tpu.memref_squeeze %dma_wait3A_604 : memref<1x128xi32, #tpu.memory_space<vmem>> -> memref<128xi32, #tpu.memory_space<vmem>>
    %dma_wait3A_606 = arith.constant 0 : i32
    %dma_wait3A_607 = arith.constant 0 : i32
    %dma_wait3A_608 = tpu.memref_slice %arg2[%dma_wait3A_606, %dma_wait3A_607] : memref<26000x64xf32, #tpu.memory_space<hbm>> -> memref<26000x64xf32, #tpu.memory_space<hbm>>
    tpu.wait_indirect_dma semaphore(%arg10 : memref<!tpu.dma_semaphore, #tpu.memory_space<semaphore_mem>>) src(%dma_wait3A_608 : memref<26000x64xf32, #tpu.memory_space<hbm>>) dst(%dma_wait3A_602 : memref<128x64xf32, #tpu.memory_space<vmem>>)
    %add3A_609 = arith.constant 2432 : i32
    %add3A_610 = arith.addi %mul3A_2, %add3A_609 : i32
    %run_scoped3A_611 = arith.constant 3 : i32
    "tpu.region"() ({
      %run_scoped3A_702 = tpu.sem_alloc : memref<!tpu.dma_semaphore, #tpu.memory_space<semaphore_mem>>
      %dma_start3A_703 = arith.constant 0 : i32
      %dma_start3A_704 = arith.constant 0 : i32
      %dma_start3A_705 = tpu.memref_slice %arg6[%run_scoped3A_611, %dma_start3A_703, %dma_start3A_704] : memref<8x128x64xf32, #tpu.memory_space<vmem>> -> memref<1x128x64xf32, #tpu.memory_space<vmem>>
      %dma_start3A_706 = tpu.memref_squeeze %dma_start3A_705 : memref<1x128x64xf32, #tpu.memory_space<vmem>> -> memref<128x64xf32, #tpu.memory_space<vmem>>
      %dma_start3A_707 = arith.constant 0 : i32
      %dma_start3A_708 = tpu.memref_slice %arg4[%add3A_610, %dma_start3A_707] : memref<106496x64xf32, #tpu.memory_space<hbm>> -> memref<128x64xf32, #tpu.memory_space<hbm>>
      %dma_start3A_709 = arith.constant 0 : i32
      %dma_start3A_710 = tpu.memref_slice %arg4[%add3A_610, %dma_start3A_709] : memref<106496x64xf32, #tpu.memory_space<hbm>> -> memref<128x64xf32, #tpu.memory_space<hbm>>
      %dma_start3A_711 = arith.constant 0 : i32
      %dma_start3A_712 = arith.constant 0 : i32
      %dma_start3A_713 = tpu.memref_slice %arg6[%run_scoped3A_611, %dma_start3A_711, %dma_start3A_712] : memref<8x128x64xf32, #tpu.memory_space<vmem>> -> memref<1x128x64xf32, #tpu.memory_space<vmem>>
      %dma_start3A_714 = tpu.memref_squeeze %dma_start3A_713 : memref<1x128x64xf32, #tpu.memory_space<vmem>> -> memref<128x64xf32, #tpu.memory_space<vmem>>
      tpu.enqueue_dma source(%dma_start3A_714 : memref<128x64xf32, #tpu.memory_space<vmem>>) target(%dma_start3A_710 : memref<128x64xf32, #tpu.memory_space<hbm>>) target_semaphore(%run_scoped3A_702 : memref<!tpu.dma_semaphore, #tpu.memory_space<semaphore_mem>>)
      %dma_wait3A_715 = arith.constant 0 : i32
      %dma_wait3A_716 = arith.constant 0 : i32
      %dma_wait3A_717 = tpu.memref_slice %arg6[%run_scoped3A_611, %dma_wait3A_715, %dma_wait3A_716] : memref<8x128x64xf32, #tpu.memory_space<vmem>> -> memref<1x128x64xf32, #tpu.memory_space<vmem>>
      %dma_wait3A_718 = tpu.memref_squeeze %dma_wait3A_717 : memref<1x128x64xf32, #tpu.memory_space<vmem>> -> memref<128x64xf32, #tpu.memory_space<vmem>>
      %dma_wait3A_719 = arith.constant 0 : i32
      %dma_wait3A_720 = tpu.memref_slice %arg4[%add3A_610, %dma_wait3A_719] : memref<106496x64xf32, #tpu.memory_space<hbm>> -> memref<128x64xf32, #tpu.memory_space<hbm>>
      %dma_wait3A_721 = arith.constant 0 : i32
      %dma_wait3A_722 = tpu.memref_slice %arg4[%add3A_610, %dma_wait3A_721] : memref<106496x64xf32, #tpu.memory_space<hbm>> -> memref<128x64xf32, #tpu.memory_space<hbm>>
      %dma_wait3A_723 = arith.constant 0 : i32
      %dma_wait3A_724 = arith.constant 0 : i32
      %dma_wait3A_725 = tpu.memref_slice %arg6[%run_scoped3A_611, %dma_wait3A_723, %dma_wait3A_724] : memref<8x128x64xf32, #tpu.memory_space<vmem>> -> memref<1x128x64xf32, #tpu.memory_space<vmem>>
      %dma_wait3A_726 = tpu.memref_squeeze %dma_wait3A_725 : memref<1x128x64xf32, #tpu.memory_space<vmem>> -> memref<128x64xf32, #tpu.memory_space<vmem>>
      tpu.wait_dma2 semaphore(%run_scoped3A_702 : memref<!tpu.dma_semaphore, #tpu.memory_space<semaphore_mem>>) src(%dma_wait3A_726 : memref<128x64xf32, #tpu.memory_space<vmem>>) dst(%dma_wait3A_722 : memref<128x64xf32, #tpu.memory_space<hbm>>)
      tpu.yield
    }) : () -> ()
    %dma_wait3A_612 = arith.constant 20 : i32
    %dma_wait3A_613 = arith.constant 4 : i32
    %dma_wait3A_614 = arith.constant 0 : i32
    %dma_wait3A_615 = arith.constant 0 : i32
    %dma_wait3A_616 = tpu.memref_slice %arg6[%dma_wait3A_613, %dma_wait3A_614, %dma_wait3A_615] : memref<8x128x64xf32, #tpu.memory_space<vmem>> -> memref<1x128x64xf32, #tpu.memory_space<vmem>>
    %dma_wait3A_617 = tpu.memref_squeeze %dma_wait3A_616 : memref<1x128x64xf32, #tpu.memory_space<vmem>> -> memref<128x64xf32, #tpu.memory_space<vmem>>
    %dma_wait3A_618 = arith.constant 0 : i32
    %dma_wait3A_619 = tpu.memref_slice %arg5[%dma_wait3A_612, %dma_wait3A_618] : memref<26x128xi32, #tpu.memory_space<vmem>> -> memref<1x128xi32, #tpu.memory_space<vmem>>
    %dma_wait3A_620 = tpu.memref_squeeze %dma_wait3A_619 : memref<1x128xi32, #tpu.memory_space<vmem>> -> memref<128xi32, #tpu.memory_space<vmem>>
    %dma_wait3A_621 = arith.constant 0 : i32
    %dma_wait3A_622 = arith.constant 0 : i32
    %dma_wait3A_623 = tpu.memref_slice %arg2[%dma_wait3A_621, %dma_wait3A_622] : memref<26000x64xf32, #tpu.memory_space<hbm>> -> memref<26000x64xf32, #tpu.memory_space<hbm>>
    tpu.wait_indirect_dma semaphore(%arg11 : memref<!tpu.dma_semaphore, #tpu.memory_space<semaphore_mem>>) src(%dma_wait3A_623 : memref<26000x64xf32, #tpu.memory_space<hbm>>) dst(%dma_wait3A_617 : memref<128x64xf32, #tpu.memory_space<vmem>>)
    %add3A_624 = arith.constant 2560 : i32
    %add3A_625 = arith.addi %mul3A_2, %add3A_624 : i32
    %run_scoped3A_626 = arith.constant 4 : i32
    "tpu.region"() ({
      %run_scoped3A_702 = tpu.sem_alloc : memref<!tpu.dma_semaphore, #tpu.memory_space<semaphore_mem>>
      %dma_start3A_703 = arith.constant 0 : i32
      %dma_start3A_704 = arith.constant 0 : i32
      %dma_start3A_705 = tpu.memref_slice %arg6[%run_scoped3A_626, %dma_start3A_703, %dma_start3A_704] : memref<8x128x64xf32, #tpu.memory_space<vmem>> -> memref<1x128x64xf32, #tpu.memory_space<vmem>>
      %dma_start3A_706 = tpu.memref_squeeze %dma_start3A_705 : memref<1x128x64xf32, #tpu.memory_space<vmem>> -> memref<128x64xf32, #tpu.memory_space<vmem>>
      %dma_start3A_707 = arith.constant 0 : i32
      %dma_start3A_708 = tpu.memref_slice %arg4[%add3A_625, %dma_start3A_707] : memref<106496x64xf32, #tpu.memory_space<hbm>> -> memref<128x64xf32, #tpu.memory_space<hbm>>
      %dma_start3A_709 = arith.constant 0 : i32
      %dma_start3A_710 = tpu.memref_slice %arg4[%add3A_625, %dma_start3A_709] : memref<106496x64xf32, #tpu.memory_space<hbm>> -> memref<128x64xf32, #tpu.memory_space<hbm>>
      %dma_start3A_711 = arith.constant 0 : i32
      %dma_start3A_712 = arith.constant 0 : i32
      %dma_start3A_713 = tpu.memref_slice %arg6[%run_scoped3A_626, %dma_start3A_711, %dma_start3A_712] : memref<8x128x64xf32, #tpu.memory_space<vmem>> -> memref<1x128x64xf32, #tpu.memory_space<vmem>>
      %dma_start3A_714 = tpu.memref_squeeze %dma_start3A_713 : memref<1x128x64xf32, #tpu.memory_space<vmem>> -> memref<128x64xf32, #tpu.memory_space<vmem>>
      tpu.enqueue_dma source(%dma_start3A_714 : memref<128x64xf32, #tpu.memory_space<vmem>>) target(%dma_start3A_710 : memref<128x64xf32, #tpu.memory_space<hbm>>) target_semaphore(%run_scoped3A_702 : memref<!tpu.dma_semaphore, #tpu.memory_space<semaphore_mem>>)
      %dma_wait3A_715 = arith.constant 0 : i32
      %dma_wait3A_716 = arith.constant 0 : i32
      %dma_wait3A_717 = tpu.memref_slice %arg6[%run_scoped3A_626, %dma_wait3A_715, %dma_wait3A_716] : memref<8x128x64xf32, #tpu.memory_space<vmem>> -> memref<1x128x64xf32, #tpu.memory_space<vmem>>
      %dma_wait3A_718 = tpu.memref_squeeze %dma_wait3A_717 : memref<1x128x64xf32, #tpu.memory_space<vmem>> -> memref<128x64xf32, #tpu.memory_space<vmem>>
      %dma_wait3A_719 = arith.constant 0 : i32
      %dma_wait3A_720 = tpu.memref_slice %arg4[%add3A_625, %dma_wait3A_719] : memref<106496x64xf32, #tpu.memory_space<hbm>> -> memref<128x64xf32, #tpu.memory_space<hbm>>
      %dma_wait3A_721 = arith.constant 0 : i32
      %dma_wait3A_722 = tpu.memref_slice %arg4[%add3A_625, %dma_wait3A_721] : memref<106496x64xf32, #tpu.memory_space<hbm>> -> memref<128x64xf32, #tpu.memory_space<hbm>>
      %dma_wait3A_723 = arith.constant 0 : i32
      %dma_wait3A_724 = arith.constant 0 : i32
      %dma_wait3A_725 = tpu.memref_slice %arg6[%run_scoped3A_626, %dma_wait3A_723, %dma_wait3A_724] : memref<8x128x64xf32, #tpu.memory_space<vmem>> -> memref<1x128x64xf32, #tpu.memory_space<vmem>>
      %dma_wait3A_726 = tpu.memref_squeeze %dma_wait3A_725 : memref<1x128x64xf32, #tpu.memory_space<vmem>> -> memref<128x64xf32, #tpu.memory_space<vmem>>
      tpu.wait_dma2 semaphore(%run_scoped3A_702 : memref<!tpu.dma_semaphore, #tpu.memory_space<semaphore_mem>>) src(%dma_wait3A_726 : memref<128x64xf32, #tpu.memory_space<vmem>>) dst(%dma_wait3A_722 : memref<128x64xf32, #tpu.memory_space<hbm>>)
      tpu.yield
    }) : () -> ()
    %dma_wait3A_627 = arith.constant 21 : i32
    %dma_wait3A_628 = arith.constant 5 : i32
    %dma_wait3A_629 = arith.constant 0 : i32
    %dma_wait3A_630 = arith.constant 0 : i32
    %dma_wait3A_631 = tpu.memref_slice %arg6[%dma_wait3A_628, %dma_wait3A_629, %dma_wait3A_630] : memref<8x128x64xf32, #tpu.memory_space<vmem>> -> memref<1x128x64xf32, #tpu.memory_space<vmem>>
    %dma_wait3A_632 = tpu.memref_squeeze %dma_wait3A_631 : memref<1x128x64xf32, #tpu.memory_space<vmem>> -> memref<128x64xf32, #tpu.memory_space<vmem>>
    %dma_wait3A_633 = arith.constant 0 : i32
    %dma_wait3A_634 = tpu.memref_slice %arg5[%dma_wait3A_627, %dma_wait3A_633] : memref<26x128xi32, #tpu.memory_space<vmem>> -> memref<1x128xi32, #tpu.memory_space<vmem>>
    %dma_wait3A_635 = tpu.memref_squeeze %dma_wait3A_634 : memref<1x128xi32, #tpu.memory_space<vmem>> -> memref<128xi32, #tpu.memory_space<vmem>>
    %dma_wait3A_636 = arith.constant 0 : i32
    %dma_wait3A_637 = arith.constant 0 : i32
    %dma_wait3A_638 = tpu.memref_slice %arg2[%dma_wait3A_636, %dma_wait3A_637] : memref<26000x64xf32, #tpu.memory_space<hbm>> -> memref<26000x64xf32, #tpu.memory_space<hbm>>
    tpu.wait_indirect_dma semaphore(%arg12 : memref<!tpu.dma_semaphore, #tpu.memory_space<semaphore_mem>>) src(%dma_wait3A_638 : memref<26000x64xf32, #tpu.memory_space<hbm>>) dst(%dma_wait3A_632 : memref<128x64xf32, #tpu.memory_space<vmem>>)
    %add3A_639 = arith.constant 2688 : i32
    %add3A_640 = arith.addi %mul3A_2, %add3A_639 : i32
    %run_scoped3A_641 = arith.constant 5 : i32
    "tpu.region"() ({
      %run_scoped3A_702 = tpu.sem_alloc : memref<!tpu.dma_semaphore, #tpu.memory_space<semaphore_mem>>
      %dma_start3A_703 = arith.constant 0 : i32
      %dma_start3A_704 = arith.constant 0 : i32
      %dma_start3A_705 = tpu.memref_slice %arg6[%run_scoped3A_641, %dma_start3A_703, %dma_start3A_704] : memref<8x128x64xf32, #tpu.memory_space<vmem>> -> memref<1x128x64xf32, #tpu.memory_space<vmem>>
      %dma_start3A_706 = tpu.memref_squeeze %dma_start3A_705 : memref<1x128x64xf32, #tpu.memory_space<vmem>> -> memref<128x64xf32, #tpu.memory_space<vmem>>
      %dma_start3A_707 = arith.constant 0 : i32
      %dma_start3A_708 = tpu.memref_slice %arg4[%add3A_640, %dma_start3A_707] : memref<106496x64xf32, #tpu.memory_space<hbm>> -> memref<128x64xf32, #tpu.memory_space<hbm>>
      %dma_start3A_709 = arith.constant 0 : i32
      %dma_start3A_710 = tpu.memref_slice %arg4[%add3A_640, %dma_start3A_709] : memref<106496x64xf32, #tpu.memory_space<hbm>> -> memref<128x64xf32, #tpu.memory_space<hbm>>
      %dma_start3A_711 = arith.constant 0 : i32
      %dma_start3A_712 = arith.constant 0 : i32
      %dma_start3A_713 = tpu.memref_slice %arg6[%run_scoped3A_641, %dma_start3A_711, %dma_start3A_712] : memref<8x128x64xf32, #tpu.memory_space<vmem>> -> memref<1x128x64xf32, #tpu.memory_space<vmem>>
      %dma_start3A_714 = tpu.memref_squeeze %dma_start3A_713 : memref<1x128x64xf32, #tpu.memory_space<vmem>> -> memref<128x64xf32, #tpu.memory_space<vmem>>
      tpu.enqueue_dma source(%dma_start3A_714 : memref<128x64xf32, #tpu.memory_space<vmem>>) target(%dma_start3A_710 : memref<128x64xf32, #tpu.memory_space<hbm>>) target_semaphore(%run_scoped3A_702 : memref<!tpu.dma_semaphore, #tpu.memory_space<semaphore_mem>>)
      %dma_wait3A_715 = arith.constant 0 : i32
      %dma_wait3A_716 = arith.constant 0 : i32
      %dma_wait3A_717 = tpu.memref_slice %arg6[%run_scoped3A_641, %dma_wait3A_715, %dma_wait3A_716] : memref<8x128x64xf32, #tpu.memory_space<vmem>> -> memref<1x128x64xf32, #tpu.memory_space<vmem>>
      %dma_wait3A_718 = tpu.memref_squeeze %dma_wait3A_717 : memref<1x128x64xf32, #tpu.memory_space<vmem>> -> memref<128x64xf32, #tpu.memory_space<vmem>>
      %dma_wait3A_719 = arith.constant 0 : i32
      %dma_wait3A_720 = tpu.memref_slice %arg4[%add3A_640, %dma_wait3A_719] : memref<106496x64xf32, #tpu.memory_space<hbm>> -> memref<128x64xf32, #tpu.memory_space<hbm>>
      %dma_wait3A_721 = arith.constant 0 : i32
      %dma_wait3A_722 = tpu.memref_slice %arg4[%add3A_640, %dma_wait3A_721] : memref<106496x64xf32, #tpu.memory_space<hbm>> -> memref<128x64xf32, #tpu.memory_space<hbm>>
      %dma_wait3A_723 = arith.constant 0 : i32
      %dma_wait3A_724 = arith.constant 0 : i32
      %dma_wait3A_725 = tpu.memref_slice %arg6[%run_scoped3A_641, %dma_wait3A_723, %dma_wait3A_724] : memref<8x128x64xf32, #tpu.memory_space<vmem>> -> memref<1x128x64xf32, #tpu.memory_space<vmem>>
      %dma_wait3A_726 = tpu.memref_squeeze %dma_wait3A_725 : memref<1x128x64xf32, #tpu.memory_space<vmem>> -> memref<128x64xf32, #tpu.memory_space<vmem>>
      tpu.wait_dma2 semaphore(%run_scoped3A_702 : memref<!tpu.dma_semaphore, #tpu.memory_space<semaphore_mem>>) src(%dma_wait3A_726 : memref<128x64xf32, #tpu.memory_space<vmem>>) dst(%dma_wait3A_722 : memref<128x64xf32, #tpu.memory_space<hbm>>)
      tpu.yield
    }) : () -> ()
    %dma_wait3A_642 = arith.constant 22 : i32
    %dma_wait3A_643 = arith.constant 6 : i32
    %dma_wait3A_644 = arith.constant 0 : i32
    %dma_wait3A_645 = arith.constant 0 : i32
    %dma_wait3A_646 = tpu.memref_slice %arg6[%dma_wait3A_643, %dma_wait3A_644, %dma_wait3A_645] : memref<8x128x64xf32, #tpu.memory_space<vmem>> -> memref<1x128x64xf32, #tpu.memory_space<vmem>>
    %dma_wait3A_647 = tpu.memref_squeeze %dma_wait3A_646 : memref<1x128x64xf32, #tpu.memory_space<vmem>> -> memref<128x64xf32, #tpu.memory_space<vmem>>
    %dma_wait3A_648 = arith.constant 0 : i32
    %dma_wait3A_649 = tpu.memref_slice %arg5[%dma_wait3A_642, %dma_wait3A_648] : memref<26x128xi32, #tpu.memory_space<vmem>> -> memref<1x128xi32, #tpu.memory_space<vmem>>
    %dma_wait3A_650 = tpu.memref_squeeze %dma_wait3A_649 : memref<1x128xi32, #tpu.memory_space<vmem>> -> memref<128xi32, #tpu.memory_space<vmem>>
    %dma_wait3A_651 = arith.constant 0 : i32
    %dma_wait3A_652 = arith.constant 0 : i32
    %dma_wait3A_653 = tpu.memref_slice %arg2[%dma_wait3A_651, %dma_wait3A_652] : memref<26000x64xf32, #tpu.memory_space<hbm>> -> memref<26000x64xf32, #tpu.memory_space<hbm>>
    tpu.wait_indirect_dma semaphore(%arg13 : memref<!tpu.dma_semaphore, #tpu.memory_space<semaphore_mem>>) src(%dma_wait3A_653 : memref<26000x64xf32, #tpu.memory_space<hbm>>) dst(%dma_wait3A_647 : memref<128x64xf32, #tpu.memory_space<vmem>>)
    %add3A_654 = arith.constant 2816 : i32
    %add3A_655 = arith.addi %mul3A_2, %add3A_654 : i32
    %run_scoped3A_656 = arith.constant 6 : i32
    "tpu.region"() ({
      %run_scoped3A_702 = tpu.sem_alloc : memref<!tpu.dma_semaphore, #tpu.memory_space<semaphore_mem>>
      %dma_start3A_703 = arith.constant 0 : i32
      %dma_start3A_704 = arith.constant 0 : i32
      %dma_start3A_705 = tpu.memref_slice %arg6[%run_scoped3A_656, %dma_start3A_703, %dma_start3A_704] : memref<8x128x64xf32, #tpu.memory_space<vmem>> -> memref<1x128x64xf32, #tpu.memory_space<vmem>>
      %dma_start3A_706 = tpu.memref_squeeze %dma_start3A_705 : memref<1x128x64xf32, #tpu.memory_space<vmem>> -> memref<128x64xf32, #tpu.memory_space<vmem>>
      %dma_start3A_707 = arith.constant 0 : i32
      %dma_start3A_708 = tpu.memref_slice %arg4[%add3A_655, %dma_start3A_707] : memref<106496x64xf32, #tpu.memory_space<hbm>> -> memref<128x64xf32, #tpu.memory_space<hbm>>
      %dma_start3A_709 = arith.constant 0 : i32
      %dma_start3A_710 = tpu.memref_slice %arg4[%add3A_655, %dma_start3A_709] : memref<106496x64xf32, #tpu.memory_space<hbm>> -> memref<128x64xf32, #tpu.memory_space<hbm>>
      %dma_start3A_711 = arith.constant 0 : i32
      %dma_start3A_712 = arith.constant 0 : i32
      %dma_start3A_713 = tpu.memref_slice %arg6[%run_scoped3A_656, %dma_start3A_711, %dma_start3A_712] : memref<8x128x64xf32, #tpu.memory_space<vmem>> -> memref<1x128x64xf32, #tpu.memory_space<vmem>>
      %dma_start3A_714 = tpu.memref_squeeze %dma_start3A_713 : memref<1x128x64xf32, #tpu.memory_space<vmem>> -> memref<128x64xf32, #tpu.memory_space<vmem>>
      tpu.enqueue_dma source(%dma_start3A_714 : memref<128x64xf32, #tpu.memory_space<vmem>>) target(%dma_start3A_710 : memref<128x64xf32, #tpu.memory_space<hbm>>) target_semaphore(%run_scoped3A_702 : memref<!tpu.dma_semaphore, #tpu.memory_space<semaphore_mem>>)
      %dma_wait3A_715 = arith.constant 0 : i32
      %dma_wait3A_716 = arith.constant 0 : i32
      %dma_wait3A_717 = tpu.memref_slice %arg6[%run_scoped3A_656, %dma_wait3A_715, %dma_wait3A_716] : memref<8x128x64xf32, #tpu.memory_space<vmem>> -> memref<1x128x64xf32, #tpu.memory_space<vmem>>
      %dma_wait3A_718 = tpu.memref_squeeze %dma_wait3A_717 : memref<1x128x64xf32, #tpu.memory_space<vmem>> -> memref<128x64xf32, #tpu.memory_space<vmem>>
      %dma_wait3A_719 = arith.constant 0 : i32
      %dma_wait3A_720 = tpu.memref_slice %arg4[%add3A_655, %dma_wait3A_719] : memref<106496x64xf32, #tpu.memory_space<hbm>> -> memref<128x64xf32, #tpu.memory_space<hbm>>
      %dma_wait3A_721 = arith.constant 0 : i32
      %dma_wait3A_722 = tpu.memref_slice %arg4[%add3A_655, %dma_wait3A_721] : memref<106496x64xf32, #tpu.memory_space<hbm>> -> memref<128x64xf32, #tpu.memory_space<hbm>>
      %dma_wait3A_723 = arith.constant 0 : i32
      %dma_wait3A_724 = arith.constant 0 : i32
      %dma_wait3A_725 = tpu.memref_slice %arg6[%run_scoped3A_656, %dma_wait3A_723, %dma_wait3A_724] : memref<8x128x64xf32, #tpu.memory_space<vmem>> -> memref<1x128x64xf32, #tpu.memory_space<vmem>>
      %dma_wait3A_726 = tpu.memref_squeeze %dma_wait3A_725 : memref<1x128x64xf32, #tpu.memory_space<vmem>> -> memref<128x64xf32, #tpu.memory_space<vmem>>
      tpu.wait_dma2 semaphore(%run_scoped3A_702 : memref<!tpu.dma_semaphore, #tpu.memory_space<semaphore_mem>>) src(%dma_wait3A_726 : memref<128x64xf32, #tpu.memory_space<vmem>>) dst(%dma_wait3A_722 : memref<128x64xf32, #tpu.memory_space<hbm>>)
      tpu.yield
    }) : () -> ()
    %dma_wait3A_657 = arith.constant 23 : i32
    %dma_wait3A_658 = arith.constant 7 : i32
    %dma_wait3A_659 = arith.constant 0 : i32
    %dma_wait3A_660 = arith.constant 0 : i32
    %dma_wait3A_661 = tpu.memref_slice %arg6[%dma_wait3A_658, %dma_wait3A_659, %dma_wait3A_660] : memref<8x128x64xf32, #tpu.memory_space<vmem>> -> memref<1x128x64xf32, #tpu.memory_space<vmem>>
    %dma_wait3A_662 = tpu.memref_squeeze %dma_wait3A_661 : memref<1x128x64xf32, #tpu.memory_space<vmem>> -> memref<128x64xf32, #tpu.memory_space<vmem>>
    %dma_wait3A_663 = arith.constant 0 : i32
    %dma_wait3A_664 = tpu.memref_slice %arg5[%dma_wait3A_657, %dma_wait3A_663] : memref<26x128xi32, #tpu.memory_space<vmem>> -> memref<1x128xi32, #tpu.memory_space<vmem>>
    %dma_wait3A_665 = tpu.memref_squeeze %dma_wait3A_664 : memref<1x128xi32, #tpu.memory_space<vmem>> -> memref<128xi32, #tpu.memory_space<vmem>>
    %dma_wait3A_666 = arith.constant 0 : i32
    %dma_wait3A_667 = arith.constant 0 : i32
    %dma_wait3A_668 = tpu.memref_slice %arg2[%dma_wait3A_666, %dma_wait3A_667] : memref<26000x64xf32, #tpu.memory_space<hbm>> -> memref<26000x64xf32, #tpu.memory_space<hbm>>
    tpu.wait_indirect_dma semaphore(%arg14 : memref<!tpu.dma_semaphore, #tpu.memory_space<semaphore_mem>>) src(%dma_wait3A_668 : memref<26000x64xf32, #tpu.memory_space<hbm>>) dst(%dma_wait3A_662 : memref<128x64xf32, #tpu.memory_space<vmem>>)
    %add3A_669 = arith.constant 2944 : i32
    %add3A_670 = arith.addi %mul3A_2, %add3A_669 : i32
    %run_scoped3A_671 = arith.constant 7 : i32
    "tpu.region"() ({
      %run_scoped3A_702 = tpu.sem_alloc : memref<!tpu.dma_semaphore, #tpu.memory_space<semaphore_mem>>
      %dma_start3A_703 = arith.constant 0 : i32
      %dma_start3A_704 = arith.constant 0 : i32
      %dma_start3A_705 = tpu.memref_slice %arg6[%run_scoped3A_671, %dma_start3A_703, %dma_start3A_704] : memref<8x128x64xf32, #tpu.memory_space<vmem>> -> memref<1x128x64xf32, #tpu.memory_space<vmem>>
      %dma_start3A_706 = tpu.memref_squeeze %dma_start3A_705 : memref<1x128x64xf32, #tpu.memory_space<vmem>> -> memref<128x64xf32, #tpu.memory_space<vmem>>
      %dma_start3A_707 = arith.constant 0 : i32
      %dma_start3A_708 = tpu.memref_slice %arg4[%add3A_670, %dma_start3A_707] : memref<106496x64xf32, #tpu.memory_space<hbm>> -> memref<128x64xf32, #tpu.memory_space<hbm>>
      %dma_start3A_709 = arith.constant 0 : i32
      %dma_start3A_710 = tpu.memref_slice %arg4[%add3A_670, %dma_start3A_709] : memref<106496x64xf32, #tpu.memory_space<hbm>> -> memref<128x64xf32, #tpu.memory_space<hbm>>
      %dma_start3A_711 = arith.constant 0 : i32
      %dma_start3A_712 = arith.constant 0 : i32
      %dma_start3A_713 = tpu.memref_slice %arg6[%run_scoped3A_671, %dma_start3A_711, %dma_start3A_712] : memref<8x128x64xf32, #tpu.memory_space<vmem>> -> memref<1x128x64xf32, #tpu.memory_space<vmem>>
      %dma_start3A_714 = tpu.memref_squeeze %dma_start3A_713 : memref<1x128x64xf32, #tpu.memory_space<vmem>> -> memref<128x64xf32, #tpu.memory_space<vmem>>
      tpu.enqueue_dma source(%dma_start3A_714 : memref<128x64xf32, #tpu.memory_space<vmem>>) target(%dma_start3A_710 : memref<128x64xf32, #tpu.memory_space<hbm>>) target_semaphore(%run_scoped3A_702 : memref<!tpu.dma_semaphore, #tpu.memory_space<semaphore_mem>>)
      %dma_wait3A_715 = arith.constant 0 : i32
      %dma_wait3A_716 = arith.constant 0 : i32
      %dma_wait3A_717 = tpu.memref_slice %arg6[%run_scoped3A_671, %dma_wait3A_715, %dma_wait3A_716] : memref<8x128x64xf32, #tpu.memory_space<vmem>> -> memref<1x128x64xf32, #tpu.memory_space<vmem>>
      %dma_wait3A_718 = tpu.memref_squeeze %dma_wait3A_717 : memref<1x128x64xf32, #tpu.memory_space<vmem>> -> memref<128x64xf32, #tpu.memory_space<vmem>>
      %dma_wait3A_719 = arith.constant 0 : i32
      %dma_wait3A_720 = tpu.memref_slice %arg4[%add3A_670, %dma_wait3A_719] : memref<106496x64xf32, #tpu.memory_space<hbm>> -> memref<128x64xf32, #tpu.memory_space<hbm>>
      %dma_wait3A_721 = arith.constant 0 : i32
      %dma_wait3A_722 = tpu.memref_slice %arg4[%add3A_670, %dma_wait3A_721] : memref<106496x64xf32, #tpu.memory_space<hbm>> -> memref<128x64xf32, #tpu.memory_space<hbm>>
      %dma_wait3A_723 = arith.constant 0 : i32
      %dma_wait3A_724 = arith.constant 0 : i32
      %dma_wait3A_725 = tpu.memref_slice %arg6[%run_scoped3A_671, %dma_wait3A_723, %dma_wait3A_724] : memref<8x128x64xf32, #tpu.memory_space<vmem>> -> memref<1x128x64xf32, #tpu.memory_space<vmem>>
      %dma_wait3A_726 = tpu.memref_squeeze %dma_wait3A_725 : memref<1x128x64xf32, #tpu.memory_space<vmem>> -> memref<128x64xf32, #tpu.memory_space<vmem>>
      tpu.wait_dma2 semaphore(%run_scoped3A_702 : memref<!tpu.dma_semaphore, #tpu.memory_space<semaphore_mem>>) src(%dma_wait3A_726 : memref<128x64xf32, #tpu.memory_space<vmem>>) dst(%dma_wait3A_722 : memref<128x64xf32, #tpu.memory_space<hbm>>)
      tpu.yield
    }) : () -> ()
    %dma_wait3A_672 = arith.constant 24 : i32
    %dma_wait3A_673 = arith.constant 0 : i32
    %dma_wait3A_674 = arith.constant 0 : i32
    %dma_wait3A_675 = arith.constant 0 : i32
    %dma_wait3A_676 = tpu.memref_slice %arg6[%dma_wait3A_673, %dma_wait3A_674, %dma_wait3A_675] : memref<8x128x64xf32, #tpu.memory_space<vmem>> -> memref<1x128x64xf32, #tpu.memory_space<vmem>>
    %dma_wait3A_677 = tpu.memref_squeeze %dma_wait3A_676 : memref<1x128x64xf32, #tpu.memory_space<vmem>> -> memref<128x64xf32, #tpu.memory_space<vmem>>
    %dma_wait3A_678 = arith.constant 0 : i32
    %dma_wait3A_679 = tpu.memref_slice %arg5[%dma_wait3A_672, %dma_wait3A_678] : memref<26x128xi32, #tpu.memory_space<vmem>> -> memref<1x128xi32, #tpu.memory_space<vmem>>
    %dma_wait3A_680 = tpu.memref_squeeze %dma_wait3A_679 : memref<1x128xi32, #tpu.memory_space<vmem>> -> memref<128xi32, #tpu.memory_space<vmem>>
    %dma_wait3A_681 = arith.constant 0 : i32
    %dma_wait3A_682 = arith.constant 0 : i32
    %dma_wait3A_683 = tpu.memref_slice %arg2[%dma_wait3A_681, %dma_wait3A_682] : memref<26000x64xf32, #tpu.memory_space<hbm>> -> memref<26000x64xf32, #tpu.memory_space<hbm>>
    tpu.wait_indirect_dma semaphore(%arg7 : memref<!tpu.dma_semaphore, #tpu.memory_space<semaphore_mem>>) src(%dma_wait3A_683 : memref<26000x64xf32, #tpu.memory_space<hbm>>) dst(%dma_wait3A_677 : memref<128x64xf32, #tpu.memory_space<vmem>>)
    %add3A_684 = arith.constant 3072 : i32
    %add3A_685 = arith.addi %mul3A_2, %add3A_684 : i32
    %run_scoped3A_686 = arith.constant 0 : i32
    "tpu.region"() ({
      %run_scoped3A_702 = tpu.sem_alloc : memref<!tpu.dma_semaphore, #tpu.memory_space<semaphore_mem>>
      %dma_start3A_703 = arith.constant 0 : i32
      %dma_start3A_704 = arith.constant 0 : i32
      %dma_start3A_705 = tpu.memref_slice %arg6[%run_scoped3A_686, %dma_start3A_703, %dma_start3A_704] : memref<8x128x64xf32, #tpu.memory_space<vmem>> -> memref<1x128x64xf32, #tpu.memory_space<vmem>>
      %dma_start3A_706 = tpu.memref_squeeze %dma_start3A_705 : memref<1x128x64xf32, #tpu.memory_space<vmem>> -> memref<128x64xf32, #tpu.memory_space<vmem>>
      %dma_start3A_707 = arith.constant 0 : i32
      %dma_start3A_708 = tpu.memref_slice %arg4[%add3A_685, %dma_start3A_707] : memref<106496x64xf32, #tpu.memory_space<hbm>> -> memref<128x64xf32, #tpu.memory_space<hbm>>
      %dma_start3A_709 = arith.constant 0 : i32
      %dma_start3A_710 = tpu.memref_slice %arg4[%add3A_685, %dma_start3A_709] : memref<106496x64xf32, #tpu.memory_space<hbm>> -> memref<128x64xf32, #tpu.memory_space<hbm>>
      %dma_start3A_711 = arith.constant 0 : i32
      %dma_start3A_712 = arith.constant 0 : i32
      %dma_start3A_713 = tpu.memref_slice %arg6[%run_scoped3A_686, %dma_start3A_711, %dma_start3A_712] : memref<8x128x64xf32, #tpu.memory_space<vmem>> -> memref<1x128x64xf32, #tpu.memory_space<vmem>>
      %dma_start3A_714 = tpu.memref_squeeze %dma_start3A_713 : memref<1x128x64xf32, #tpu.memory_space<vmem>> -> memref<128x64xf32, #tpu.memory_space<vmem>>
      tpu.enqueue_dma source(%dma_start3A_714 : memref<128x64xf32, #tpu.memory_space<vmem>>) target(%dma_start3A_710 : memref<128x64xf32, #tpu.memory_space<hbm>>) target_semaphore(%run_scoped3A_702 : memref<!tpu.dma_semaphore, #tpu.memory_space<semaphore_mem>>)
      %dma_wait3A_715 = arith.constant 0 : i32
      %dma_wait3A_716 = arith.constant 0 : i32
      %dma_wait3A_717 = tpu.memref_slice %arg6[%run_scoped3A_686, %dma_wait3A_715, %dma_wait3A_716] : memref<8x128x64xf32, #tpu.memory_space<vmem>> -> memref<1x128x64xf32, #tpu.memory_space<vmem>>
      %dma_wait3A_718 = tpu.memref_squeeze %dma_wait3A_717 : memref<1x128x64xf32, #tpu.memory_space<vmem>> -> memref<128x64xf32, #tpu.memory_space<vmem>>
      %dma_wait3A_719 = arith.constant 0 : i32
      %dma_wait3A_720 = tpu.memref_slice %arg4[%add3A_685, %dma_wait3A_719] : memref<106496x64xf32, #tpu.memory_space<hbm>> -> memref<128x64xf32, #tpu.memory_space<hbm>>
      %dma_wait3A_721 = arith.constant 0 : i32
      %dma_wait3A_722 = tpu.memref_slice %arg4[%add3A_685, %dma_wait3A_721] : memref<106496x64xf32, #tpu.memory_space<hbm>> -> memref<128x64xf32, #tpu.memory_space<hbm>>
      %dma_wait3A_723 = arith.constant 0 : i32
      %dma_wait3A_724 = arith.constant 0 : i32
      %dma_wait3A_725 = tpu.memref_slice %arg6[%run_scoped3A_686, %dma_wait3A_723, %dma_wait3A_724] : memref<8x128x64xf32, #tpu.memory_space<vmem>> -> memref<1x128x64xf32, #tpu.memory_space<vmem>>
      %dma_wait3A_726 = tpu.memref_squeeze %dma_wait3A_725 : memref<1x128x64xf32, #tpu.memory_space<vmem>> -> memref<128x64xf32, #tpu.memory_space<vmem>>
      tpu.wait_dma2 semaphore(%run_scoped3A_702 : memref<!tpu.dma_semaphore, #tpu.memory_space<semaphore_mem>>) src(%dma_wait3A_726 : memref<128x64xf32, #tpu.memory_space<vmem>>) dst(%dma_wait3A_722 : memref<128x64xf32, #tpu.memory_space<hbm>>)
      tpu.yield
    }) : () -> ()
    %dma_wait3A_687 = arith.constant 25 : i32
    %dma_wait3A_688 = arith.constant 1 : i32
    %dma_wait3A_689 = arith.constant 0 : i32
    %dma_wait3A_690 = arith.constant 0 : i32
    %dma_wait3A_691 = tpu.memref_slice %arg6[%dma_wait3A_688, %dma_wait3A_689, %dma_wait3A_690] : memref<8x128x64xf32, #tpu.memory_space<vmem>> -> memref<1x128x64xf32, #tpu.memory_space<vmem>>
    %dma_wait3A_692 = tpu.memref_squeeze %dma_wait3A_691 : memref<1x128x64xf32, #tpu.memory_space<vmem>> -> memref<128x64xf32, #tpu.memory_space<vmem>>
    %dma_wait3A_693 = arith.constant 0 : i32
    %dma_wait3A_694 = tpu.memref_slice %arg5[%dma_wait3A_687, %dma_wait3A_693] : memref<26x128xi32, #tpu.memory_space<vmem>> -> memref<1x128xi32, #tpu.memory_space<vmem>>
    %dma_wait3A_695 = tpu.memref_squeeze %dma_wait3A_694 : memref<1x128xi32, #tpu.memory_space<vmem>> -> memref<128xi32, #tpu.memory_space<vmem>>
    %dma_wait3A_696 = arith.constant 0 : i32
    %dma_wait3A_697 = arith.constant 0 : i32
    %dma_wait3A_698 = tpu.memref_slice %arg2[%dma_wait3A_696, %dma_wait3A_697] : memref<26000x64xf32, #tpu.memory_space<hbm>> -> memref<26000x64xf32, #tpu.memory_space<hbm>>
    tpu.wait_indirect_dma semaphore(%arg8 : memref<!tpu.dma_semaphore, #tpu.memory_space<semaphore_mem>>) src(%dma_wait3A_698 : memref<26000x64xf32, #tpu.memory_space<hbm>>) dst(%dma_wait3A_692 : memref<128x64xf32, #tpu.memory_space<vmem>>)
    %add3A_699 = arith.constant 3200 : i32
    %add3A_700 = arith.addi %mul3A_2, %add3A_699 : i32
    %run_scoped3A_701 = arith.constant 1 : i32
    "tpu.region"() ({
      %run_scoped3A_702 = tpu.sem_alloc : memref<!tpu.dma_semaphore, #tpu.memory_space<semaphore_mem>>
      %dma_start3A_703 = arith.constant 0 : i32
      %dma_start3A_704 = arith.constant 0 : i32
      %dma_start3A_705 = tpu.memref_slice %arg6[%run_scoped3A_701, %dma_start3A_703, %dma_start3A_704] : memref<8x128x64xf32, #tpu.memory_space<vmem>> -> memref<1x128x64xf32, #tpu.memory_space<vmem>>
      %dma_start3A_706 = tpu.memref_squeeze %dma_start3A_705 : memref<1x128x64xf32, #tpu.memory_space<vmem>> -> memref<128x64xf32, #tpu.memory_space<vmem>>
      %dma_start3A_707 = arith.constant 0 : i32
      %dma_start3A_708 = tpu.memref_slice %arg4[%add3A_700, %dma_start3A_707] : memref<106496x64xf32, #tpu.memory_space<hbm>> -> memref<128x64xf32, #tpu.memory_space<hbm>>
      %dma_start3A_709 = arith.constant 0 : i32
      %dma_start3A_710 = tpu.memref_slice %arg4[%add3A_700, %dma_start3A_709] : memref<106496x64xf32, #tpu.memory_space<hbm>> -> memref<128x64xf32, #tpu.memory_space<hbm>>
      %dma_start3A_711 = arith.constant 0 : i32
      %dma_start3A_712 = arith.constant 0 : i32
      %dma_start3A_713 = tpu.memref_slice %arg6[%run_scoped3A_701, %dma_start3A_711, %dma_start3A_712] : memref<8x128x64xf32, #tpu.memory_space<vmem>> -> memref<1x128x64xf32, #tpu.memory_space<vmem>>
      %dma_start3A_714 = tpu.memref_squeeze %dma_start3A_713 : memref<1x128x64xf32, #tpu.memory_space<vmem>> -> memref<128x64xf32, #tpu.memory_space<vmem>>
      tpu.enqueue_dma source(%dma_start3A_714 : memref<128x64xf32, #tpu.memory_space<vmem>>) target(%dma_start3A_710 : memref<128x64xf32, #tpu.memory_space<hbm>>) target_semaphore(%run_scoped3A_702 : memref<!tpu.dma_semaphore, #tpu.memory_space<semaphore_mem>>)
      %dma_wait3A_715 = arith.constant 0 : i32
      %dma_wait3A_716 = arith.constant 0 : i32
      %dma_wait3A_717 = tpu.memref_slice %arg6[%run_scoped3A_701, %dma_wait3A_715, %dma_wait3A_716] : memref<8x128x64xf32, #tpu.memory_space<vmem>> -> memref<1x128x64xf32, #tpu.memory_space<vmem>>
      %dma_wait3A_718 = tpu.memref_squeeze %dma_wait3A_717 : memref<1x128x64xf32, #tpu.memory_space<vmem>> -> memref<128x64xf32, #tpu.memory_space<vmem>>
      %dma_wait3A_719 = arith.constant 0 : i32
      %dma_wait3A_720 = tpu.memref_slice %arg4[%add3A_700, %dma_wait3A_719] : memref<106496x64xf32, #tpu.memory_space<hbm>> -> memref<128x64xf32, #tpu.memory_space<hbm>>
      %dma_wait3A_721 = arith.constant 0 : i32
      %dma_wait3A_722 = tpu.memref_slice %arg4[%add3A_700, %dma_wait3A_721] : memref<106496x64xf32, #tpu.memory_space<hbm>> -> memref<128x64xf32, #tpu.memory_space<hbm>>
      %dma_wait3A_723 = arith.constant 0 : i32
      %dma_wait3A_724 = arith.constant 0 : i32
      %dma_wait3A_725 = tpu.memref_slice %arg6[%run_scoped3A_701, %dma_wait3A_723, %dma_wait3A_724] : memref<8x128x64xf32, #tpu.memory_space<vmem>> -> memref<1x128x64xf32, #tpu.memory_space<vmem>>
      %dma_wait3A_726 = tpu.memref_squeeze %dma_wait3A_725 : memref<1x128x64xf32, #tpu.memory_space<vmem>> -> memref<128x64xf32, #tpu.memory_space<vmem>>
      tpu.wait_dma2 semaphore(%run_scoped3A_702 : memref<!tpu.dma_semaphore, #tpu.memory_space<semaphore_mem>>) src(%dma_wait3A_726 : memref<128x64xf32, #tpu.memory_space<vmem>>) dst(%dma_wait3A_722 : memref<128x64xf32, #tpu.memory_space<hbm>>)
      tpu.yield
    }) : () -> ()
    return
  }
}

module attributes {stable_mosaic.version = 14 : i64} {
  func.func @_kb_body(%arg0: memref<26x26xbf16, #tpu.memory_space<vmem>>, %arg1: memref<1664x26xbf16, #tpu.memory_space<vmem>>, %arg2: memref<26x1664xbf16, #tpu.memory_space<vmem>>, %arg3: memref<1664x1664xbf16, #tpu.memory_space<vmem>>) attributes {dimension_semantics = [], scalar_prefetch = 0 : i64, scratch_operands = 0 : i64, tpu.core_type = #tpu.core_type<tc>} {
    %get3A = arith.constant 0 : index
    %get3A_0 = arith.constant 0 : index
    %get3A_1 = vector.load %arg1[%get3A, %get3A_0] : memref<1664x26xbf16, #tpu.memory_space<vmem>>, vector<1664x26xbf16>
    %get3A_2 = arith.constant 0 : index
    %get3A_3 = arith.constant 0 : index
    %get3A_4 = vector.load %arg0[%get3A_2, %get3A_3] : memref<26x26xbf16, #tpu.memory_space<vmem>>, vector<26x26xbf16>
    %dot_general3A = arith.constant dense<0.000000e+00> : vector<1664x26xf32>
    %dot_general3A_5 = tpu.matmul %get3A_1, %get3A_4, %dot_general3A {dimension_numbers = #tpu.dot_dimension_numbers<[1], [0], [0], [1], [0, 0, 1, 1], [], []>, transpose_lhs_hint = false} : vector<1664x26xbf16>, vector<26x26xbf16>, vector<1664x26xf32> -> vector<1664x26xf32>
    %convert_element_type3A = arith.truncf %dot_general3A_5 : vector<1664x26xf32> to vector<1664x26xbf16>
    %get3A_6 = arith.constant 0 : index
    %get3A_7 = arith.constant 0 : index
    %get3A_8 = vector.load %arg2[%get3A_6, %get3A_7] : memref<26x1664xbf16, #tpu.memory_space<vmem>>, vector<26x1664xbf16>
    %dot_general3A_9 = arith.constant dense<0.000000e+00> : vector<1664x1664xf32>
    %dot_general3A_10 = tpu.matmul %convert_element_type3A, %get3A_8, %dot_general3A_9 {dimension_numbers = #tpu.dot_dimension_numbers<[1], [0], [0], [1], [0, 0, 1, 1], [], []>, transpose_lhs_hint = false} : vector<1664x26xbf16>, vector<26x1664xbf16>, vector<1664x1664xf32> -> vector<1664x1664xf32>
    %iota3A = tpu.iota {dimensions = array<i32: 0>} : vector<1664x1664xi32>
    %iota3A_11 = tpu.iota {dimensions = array<i32: 1>} : vector<1664x1664xi32>
    %jit3A = arith.constant 64 : i32
    %eq3A = arith.constant 0 : i32
    %eq3A_12 = arith.cmpi eq, %jit3A, %eq3A : i32
    %jit3A_13 = arith.constant 1 : i32
    %select_n3A = arith.select %eq3A_12, %jit3A_13, %jit3A : i32
    %rem3A = vector.broadcast %select_n3A : i32 to vector<1664x1664xi32>
    %rem3A_14 = arith.remsi %iota3A, %rem3A : vector<1664x1664xi32>
    %ne3A = arith.constant 0 : i32
    %ne3A_15 = vector.broadcast %ne3A : i32 to vector<1664x1664xi32>
    %ne3A_16 = arith.cmpi ne, %rem3A_14, %ne3A_15 : vector<1664x1664xi32>
    %lt3A = arith.constant 0 : i32
    %lt3A_17 = vector.broadcast %lt3A : i32 to vector<1664x1664xi32>
    %lt3A_18 = arith.cmpi slt, %rem3A_14, %lt3A_17 : vector<1664x1664xi32>
    %lt3A_19 = arith.constant 0 : i32
    %lt3A_20 = arith.cmpi slt, %select_n3A, %lt3A_19 : i32
    %ne3A_21 = vector.broadcast %lt3A_20 : i1 to vector<1664x1664xi1>
    %ne3A_22 = vector.broadcast %ne3A_21 : vector<1664x1664xi1> to vector<1664x1664xi1>
    %ne3A_23 = arith.xori %lt3A_18, %ne3A_22 : vector<1664x1664xi1>
    %and3A = arith.andi %ne3A_23, %ne3A_16 : vector<1664x1664xi1>
    %add3A = vector.broadcast %select_n3A : i32 to vector<1664x1664xi32>
    %add3A_24 = arith.addi %rem3A_14, %add3A : vector<1664x1664xi32>
    %select_n3A_25 = arith.select %and3A, %add3A_24, %rem3A_14 : vector<1664x1664xi1>, vector<1664x1664xi32>
    %jit3A_26 = arith.constant 64 : i32
    %eq3A_27 = arith.constant 0 : i32
    %eq3A_28 = arith.cmpi eq, %jit3A_26, %eq3A_27 : i32
    %jit3A_29 = arith.constant 1 : i32
    %select_n3A_30 = arith.select %eq3A_28, %jit3A_29, %jit3A_26 : i32
    %rem3A_31 = vector.broadcast %select_n3A_30 : i32 to vector<1664x1664xi32>
    %rem3A_32 = arith.remsi %iota3A_11, %rem3A_31 : vector<1664x1664xi32>
    %ne3A_33 = arith.constant 0 : i32
    %ne3A_34 = vector.broadcast %ne3A_33 : i32 to vector<1664x1664xi32>
    %ne3A_35 = arith.cmpi ne, %rem3A_32, %ne3A_34 : vector<1664x1664xi32>
    %lt3A_36 = arith.constant 0 : i32
    %lt3A_37 = vector.broadcast %lt3A_36 : i32 to vector<1664x1664xi32>
    %lt3A_38 = arith.cmpi slt, %rem3A_32, %lt3A_37 : vector<1664x1664xi32>
    %lt3A_39 = arith.constant 0 : i32
    %lt3A_40 = arith.cmpi slt, %select_n3A_30, %lt3A_39 : i32
    %ne3A_41 = vector.broadcast %lt3A_40 : i1 to vector<1664x1664xi1>
    %ne3A_42 = vector.broadcast %ne3A_41 : vector<1664x1664xi1> to vector<1664x1664xi1>
    %ne3A_43 = arith.xori %lt3A_38, %ne3A_42 : vector<1664x1664xi1>
    %and3A_44 = arith.andi %ne3A_43, %ne3A_35 : vector<1664x1664xi1>
    %add3A_45 = vector.broadcast %select_n3A_30 : i32 to vector<1664x1664xi32>
    %add3A_46 = arith.addi %rem3A_32, %add3A_45 : vector<1664x1664xi32>
    %select_n3A_47 = arith.select %and3A_44, %add3A_46, %rem3A_32 : vector<1664x1664xi1>, vector<1664x1664xi32>
    %eq3A_48 = arith.cmpi eq, %select_n3A_25, %select_n3A_47 : vector<1664x1664xi32>
    %jit3A_49 = arith.constant 0.000000e+00 : f32
    %broadcast_in_dim3A = vector.broadcast %jit3A_49 : f32 to vector<1664x1664xf32>
    %select_n3A_50 = arith.select %eq3A_48, %dot_general3A_10, %broadcast_in_dim3A : vector<1664x1664xi1>, vector<1664x1664xf32>
    %convert_element_type3A_51 = arith.truncf %select_n3A_50 : vector<1664x1664xf32> to vector<1664x1664xbf16>
    %swap3A = arith.constant 0 : index
    %swap3A_52 = arith.constant 0 : index
    %swap3A_53 = vector.load %arg3[%swap3A, %swap3A_52] : memref<1664x1664xbf16, #tpu.memory_space<vmem>>, vector<1664x1664xbf16>
    tpu.vector_store %arg3[%swap3A, %swap3A_52], %convert_element_type3A_51 {strides = array<i32>} : memref<1664x1664xbf16, #tpu.memory_space<vmem>>, vector<1664x1664xbf16>,
    return
  }
}

module attributes {stable_mosaic.version = 14 : i64} {
  func.func @_tc_body(%arg0: i32, %arg1: memref<512x1664xf32, #tpu.memory_space<vmem>>, %arg2: memref<1664x1664xbf16, #tpu.memory_space<vmem>>, %arg3: memref<1x1664xf32, #tpu.memory_space<vmem>>, %arg4: memref<1xf32, #tpu.memory_space<smem>>, %arg5: memref<512xf32, #tpu.memory_space<vmem>>) attributes {dimension_semantics = [#tpu.dimension_semantics<arbitrary>], iteration_bounds = array<i64: 8>, scalar_prefetch = 0 : i64, scratch_operands = 0 : i64, tpu.core_type = #tpu.core_type<tc>, window_params = [{transform_indices = @transform_0, window_bounds = array<i64: 512, 1664>}, {pipeline_mode = #tpu.pipeline_mode<synchronous>, transform_indices = @transform_1, window_bounds = array<i64: 1664, 1664>}, {pipeline_mode = #tpu.pipeline_mode<synchronous>, transform_indices = @transform_2, window_bounds = array<i64: 1, 1664>}, {transform_indices = @transform_3, window_bounds = array<i64: 1>}, {transform_indices = @transform_4, window_bounds = array<i64: 512>}]} {
    %get3A = arith.constant 0 : index
    %get3A_0 = arith.constant 0 : index
    %get3A_1 = vector.load %arg1[%get3A, %get3A_0] : memref<512x1664xf32, #tpu.memory_space<vmem>>, vector<512x1664xf32>
    %convert_element_type3A = arith.truncf %get3A_1 : vector<512x1664xf32> to vector<512x1664xbf16>
    %get3A_2 = arith.constant 0 : index
    %get3A_3 = arith.constant 0 : index
    %get3A_4 = vector.load %arg2[%get3A_2, %get3A_3] : memref<1664x1664xbf16, #tpu.memory_space<vmem>>, vector<1664x384xbf16>
    %dot_general3A = arith.constant dense<0.000000e+00> : vector<512x384xf32>
    %dot_general3A_5 = tpu.matmul %convert_element_type3A, %get3A_4, %dot_general3A {dimension_numbers = #tpu.dot_dimension_numbers<[1], [0], [0], [1], [0, 0, 1, 1], [], []>, transpose_lhs_hint = false} : vector<512x1664xbf16>, vector<1664x384xbf16>, vector<512x384xf32> -> vector<512x384xf32>
    %slice3A = vector.extract_strided_slice %convert_element_type3A {offsets = [0, 384], sizes = [512, 1280], strides = [1, 1]} : vector<512x1664xbf16> to vector<512x1280xbf16>
    %get3A_6 = arith.constant 384 : index
    %get3A_7 = arith.constant 384 : index
    %get3A_8 = vector.load %arg2[%get3A_6, %get3A_7] : memref<1664x1664xbf16, #tpu.memory_space<vmem>>, vector<1280x384xbf16>
    %dot_general3A_9 = arith.constant dense<0.000000e+00> : vector<512x384xf32>
    %dot_general3A_10 = tpu.matmul %slice3A, %get3A_8, %dot_general3A_9 {dimension_numbers = #tpu.dot_dimension_numbers<[1], [0], [0], [1], [0, 0, 1, 1], [], []>, transpose_lhs_hint = false} : vector<512x1280xbf16>, vector<1280x384xbf16>, vector<512x384xf32> -> vector<512x384xf32>
    %slice3A_11 = vector.extract_strided_slice %convert_element_type3A {offsets = [0, 768], sizes = [512, 896], strides = [1, 1]} : vector<512x1664xbf16> to vector<512x896xbf16>
    %get3A_12 = arith.constant 768 : index
    %get3A_13 = arith.constant 768 : index
    %get3A_14 = vector.load %arg2[%get3A_12, %get3A_13] : memref<1664x1664xbf16, #tpu.memory_space<vmem>>, vector<896x384xbf16>
    %dot_general3A_15 = arith.constant dense<0.000000e+00> : vector<512x384xf32>
    %dot_general3A_16 = tpu.matmul %slice3A_11, %get3A_14, %dot_general3A_15 {dimension_numbers = #tpu.dot_dimension_numbers<[1], [0], [0], [1], [0, 0, 1, 1], [], []>, transpose_lhs_hint = false} : vector<512x896xbf16>, vector<896x384xbf16>, vector<512x384xf32> -> vector<512x384xf32>
    %slice3A_17 = vector.extract_strided_slice %convert_element_type3A {offsets = [0, 1152], sizes = [512, 512], strides = [1, 1]} : vector<512x1664xbf16> to vector<512x512xbf16>
    %get3A_18 = arith.constant 1152 : index
    %get3A_19 = arith.constant 1152 : index
    %get3A_20 = vector.load %arg2[%get3A_18, %get3A_19] : memref<1664x1664xbf16, #tpu.memory_space<vmem>>, vector<512x512xbf16>
    %dot_general3A_21 = arith.constant dense<0.000000e+00> : vector<512x512xf32>
    %dot_general3A_22 = tpu.matmul %slice3A_17, %get3A_20, %dot_general3A_21 {dimension_numbers = #tpu.dot_dimension_numbers<[1], [0], [0], [1], [0, 0, 1, 1], [], []>, transpose_lhs_hint = false} : vector<512x512xbf16>, vector<512x512xbf16>, vector<512x512xf32> -> vector<512x512xf32>
    %concatenate3A = tpu.concatenate %dot_general3A_5, %dot_general3A_10, %dot_general3A_16, %dot_general3A_22 in 1 : vector<512x384xf32>, vector<512x384xf32>, vector<512x384xf32>, vector<512x512xf32> -> vector<512x1664xf32>
    %get3A_23 = arith.constant 0 : index
    %get3A_24 = arith.constant 0 : index
    %get3A_25 = vector.load %arg3[%get3A_23, %get3A_24] : memref<1x1664xf32, #tpu.memory_space<vmem>>, vector<1x1664xf32>
    %add3A = vector.broadcast %get3A_25 : vector<1x1664xf32> to vector<512x1664xf32>
    %add3A_26 = arith.addf %concatenate3A, %add3A : vector<512x1664xf32>
    %mul3A = arith.mulf %get3A_1, %add3A_26 : vector<512x1664xf32>
    %reduce_sum3A = arith.constant dense<0.000000e+00> : vector<512xf32>
    %reduce_sum3A_27 = vector.multi_reduction <add>, %mul3A, %reduce_sum3A [1] : vector<512x1664xf32> to vector<512xf32>
    %get3A_28 = arith.constant 0 : index
    %get3A_29 = memref.load %arg4[%get3A_28] : memref<1xf32, #tpu.memory_space<smem>>
    %add3A_30 = vector.broadcast %get3A_29 : f32 to vector<512xf32>
    %add3A_31 = arith.addf %reduce_sum3A_27, %add3A_30 : vector<512xf32>
    %logistic3A = arith.negf %add3A_31 : vector<512xf32>
    %logistic3A_32 = math.exp %logistic3A : vector<512xf32>
    %logistic3A_33 = arith.constant 1.000000e+00 : f32
    %logistic3A_34 = vector.broadcast %logistic3A_33 : f32 to vector<512xf32>
    %logistic3A_35 = arith.addf %logistic3A_34, %logistic3A_32 : vector<512xf32>
    %logistic3A_36 = arith.divf %logistic3A_34, %logistic3A_35 : vector<512xf32>
    %swap3A = arith.constant 0 : index
    %swap3A_37 = vector.load %arg5[%swap3A] : memref<512xf32, #tpu.memory_space<vmem>>, vector<512xf32>
    tpu.vector_store %arg5[%swap3A], %logistic3A_36 {strides = array<i32>} : memref<512xf32, #tpu.memory_space<vmem>>, vector<512xf32>,
    return
  }
  func.func @transform_0(%arg0: i32) -> (i32, i32) {
    %c0_i32 = arith.constant 0 : i32
    %c0_i32_0 = arith.constant 0 : i32
    return %arg0, %c0_i32 : i32, i32
  }
  func.func @transform_1(%arg0: i32) -> (i32, i32) {
    %c0_i32 = arith.constant 0 : i32
    %c0_i32_0 = arith.constant 0 : i32
    %c0_i32_1 = arith.constant 0 : i32
    return %c0_i32, %c0_i32_0 : i32, i32
  }
  func.func @transform_2(%arg0: i32) -> (i32, i32) {
    %c0_i32 = arith.constant 0 : i32
    %c0_i32_0 = arith.constant 0 : i32
    %c0_i32_1 = arith.constant 0 : i32
    return %c0_i32, %c0_i32_0 : i32, i32
  }
  func.func @transform_3(%arg0: i32) -> i32 {
    %c0_i32 = arith.constant 0 : i32
    %c0_i32_0 = arith.constant 0 : i32
    return %c0_i32 : i32
  }
  func.func @transform_4(%arg0: i32) -> i32 {
    %c0_i32 = arith.constant 0 : i32
    return %arg0 : i32
  }
}

</mosaic_0001>

<sc_bundles>
// kernel: kernel.5.cloned.1.call-start
scs
__scs_entry_jumppad:
0x0: {  	(pc) =	sbr.rel $0x88, $3  }
0x1: {  	(tag) =	ssettag $0x0;
	lr =	simm.s32 $0x1  }
0x2: {  	[smem:$0x3F9C] =	sst lr;
	_ =	strace $0xD0000000  }
0x3: {  	_ = 	snop  }
0x4: {  	_ = 	snop  }
0x5: {  	_ = 	snop  }
0x6: {  	_ = 	snop  }
0x7: {  	_ = 	snop  }
__scs_overlays_trampoline_lowered:
0x8: {  	[smem:$0x3FAB] =	sst s0  }
0x9: {  	[smem:$0x3FAC] =	sst s1  }
0xa: {  	[smem:$0x3FAD] =	sst s2  }
0xb: {  	[smem:$0x3FAE] =	sst s3  }
0xc: {  	[smem:$0x3FAF] =	sst s4  }
0xd: {  	[smem:$0x3FB0] =	sst s5  }
0xe: {  	[smem:$0x3FB1] =	sst s6  }
0xf: {  	[smem:$0x3FB2] =	sst s7  }
0x10: {  	[smem:$0x3FB3] =	sst s8  }
0x11: {  	[smem:$0x3FB4] =	sst s9;
	s0 =	simm.s32 @!p0 $0x0  }
0x12: {  	s1 =	sld [smem:$0x3F9A];
	s0 =	simm.s32 @p0 $0x1  }
0x13: {  	[smem:$0x3FB5] =	sst s0;
	s0 =	simm.s32 @!p1 $0x0  }
0x14: {  	s2 =	sld [smem:$0x3F99];
	s0 =	simm.s32 @p1 $0x1  }
0x15: {  	[smem:$0x3FB6] =	sst s0;
	s0 =	simm.s32 @!p2 $0x0  }
0x16: {  	s3 =	sld [smem:$0x3FDB];
	s0 =	simm.s32 @p2 $0x1  }
0x17: {  	s4 =	simm.s32 $0x1BF5;
	[smem:$0x3FB8] =	sst s0  }
0x18: {  	s0 =	sld [smem:$0x3F9B];
	_ =	swait.ge [sflag:s4], $0x0  }
0x19: {  	s7 =	sld [smem:$0x3F9C]  }
0x1a: {  	s8 =	sadd.s32 $0xFFFFE003, lr  }
0x1b: {  	s9 =	sadd.s32 $0xFFFFFEF7, lr;
	s5 =	simm.s32 $0xFFFFFFFF;
	p2 =	slt.u32 s8, $0xFFFFF086  }
0x1c: {  	p1 =	slt.u32 s9, $0xF7A;
	s5 =	simm.s32 @!p2 $0x0  }
0x1d: {  	s5 =	simm.s32 @p1 $0x1;
	p0 =	seq.s32 s7, s2  }
0x1e: {  	s7 =	smul.u32 @!p0 $0xF7A, s2;
	p2 =	seq.s32 @!p0 s5, $0x0  }
0x1f: {  	s9 =	smul.u32 $0xF7A, s1;
	s8 =	simm.s32 @!p0 $0x1BF5;
	p2 =	por !p2, p0  }
0x20: {  	[sflag:s8] =	ssyncset.s32 @!p0 $0xFFFFF086;
	s6 =	sadd.s32 @!p0 s3, s7;
	s7 =	simm.s32 @!p0 $0x108  }
0x21: {  	s3 =	sadd.s32 s3, s9;
	s6 =	sadd.s32 @!p0 $0x88, s6;
	s7 =	simm.s32 @p2 $0x1082  }
0x22: {  	[simem:s7], [sflag:s8] =	dma.local @!p0 [hbm:s6], $0xF7A  }
0x23: {  	s9 =	sor.u32 $0xD0000000, s2;
	s6 =	simm.s32 $0x108;
	_ =	swait.ge @!p0 [sflag:s8], $0x0  }
0x24: {  	s3 =	sadd.s32 $0x88, s3;
	s6 =	simm.s32 @!p1 $0x1082;
	[sflag:s4] =	ssyncset.s32 $0xFFFFF086  }
0x25: {  	[simem:s6], [sflag:s4] =	dma.local [hbm:s3], $0xF7A  }
0x26: {  	[smem:$0x3F9C] =	sst s1;
	(tag) =	ssettag s2;
	_ =	strace s9  }
0x27: {  	s1 =	sld [smem:$0x3FAC]  }
0x28: {  	s2 =	sld [smem:$0x3FAD]  }
0x29: {  	s4 =	sld [smem:$0x3FAF]  }
0x2a: {  	p0 =	seq.s32 s5, $0x0;
	s5 =	sld [smem:$0x3FB0]  }
0x2b: {  	s6 =	sld [smem:$0x3FB1]  }
0x2c: {  	s7 =	sld [smem:$0x3FB2]  }
0x2d: {  	s3 =	simm.s32 $0x108;
	s8 =	sld [smem:$0x3FB3]  }
0x2e: {  	s3 =	simm.s32 @!p0 $0x1082;
	s9 =	sld [smem:$0x3FB4]  }
0x2f: {  	lr =	sadd.s32 s0, s3;
	s0 =	sld [smem:$0x3FAB]  }
0x30: {  	s3 =	sld [smem:$0x3FAE]  }
0x31: {  	[smem:$0x3FB7] =	sst s10  }
0x32: {  	s10 =	sld [smem:$0x3FB5];
	_ =	sdelay $0x3  }
0x33: {  	p0 =	seq.s32 s10, $0x1;
	s10 =	sld [smem:$0x3FB7];
	_ =	sdelay $0x3  }
0x34: {  	[smem:$0x3FB7] =	sst s10  }
0x35: {  	s10 =	sld [smem:$0x3FB6];
	_ =	sdelay $0x3  }
0x36: {  	p1 =	seq.s32 s10, $0x1;
	s10 =	sld [smem:$0x3FB7];
	_ =	sdelay $0x3  }
0x37: {  	[smem:$0x3FB7] =	sst s10  }
0x38: {  	s10 =	sld [smem:$0x3FB8]  }
0x39: {  	_ = 	snop;
	(pc) =	sbr.ind lr, $3  }
0x3a: {  	_ = 	snop  }
0x3b: {  	_ = 	snop  }
0x3c: {  	p2 =	seq.s32 s10, $0x1;
	s10 =	sld [smem:$0x3FB7]  }
0x3d: {  	_ =	shalt  }
0x3e: {  	_ =	shalt  }
0x3f: {  	_ =	shalt  }
0x40: {  	_ =	shalt  }
0x41: {  	_ =	shalt  }
0x42: {  	_ =	shalt  }
0x43: {  	_ =	shalt  }
0x44: {  	_ =	shalt  }
0x45: {  	_ =	shalt  }
0x46: {  	_ =	shalt  }
0x47: {  	_ =	shalt  }
0x48: {  	_ =	shalt  }
0x49: {  	_ =	shalt  }
0x4a: {  	_ =	shalt  }
0x4b: {  	_ =	shalt  }
0x4c: {  	_ =	shalt  }
0x4d: {  	_ =	shalt  }
0x4e: {  	_ =	shalt  }
0x4f: {  	_ =	shalt  }
0x50: {  	_ =	shalt  }
0x51: {  	_ =	shalt  }
0x52: {  	_ =	shalt  }
0x53: {  	_ =	shalt  }
0x54: {  	_ =	shalt  }
0x55: {  	_ =	shalt  }
0x56: {  	_ =	shalt  }
0x57: {  	_ =	shalt  }
0x58: {  	_ =	shalt  }
0x59: {  	_ =	shalt  }
0x5a: {  	_ =	shalt  }
0x5b: {  	_ =	shalt  }
0x5c: {  	_ =	shalt  }
0x5d: {  	_ =	shalt  }
0x5e: {  	_ =	shalt  }
0x5f: {  	_ =	shalt  }
0x60: {  	_ =	shalt  }
0x61: {  	_ =	shalt  }
0x62: {  	_ =	shalt  }
0x63: {  	_ =	shalt  }
0x64: {  	_ =	shalt  }
0x65: {  	_ =	shalt  }
0x66: {  	_ =	shalt  }
0x67: {  	_ =	shalt  }
0x68: {  	_ =	shalt  }
0x69: {  	_ =	shalt  }
0x6a: {  	_ =	shalt  }
0x6b: {  	_ =	shalt  }
0x6c: {  	_ =	shalt  }
0x6d: {  	_ =	shalt  }
0x6e: {  	_ =	shalt  }
0x6f: {  	_ =	shalt  }
0x70: {  	_ =	shalt  }
0x71: {  	_ =	shalt  }
0x72: {  	_ =	shalt  }
0x73: {  	_ =	shalt  }
0x74: {  	_ =	shalt  }
0x75: {  	_ =	shalt  }
0x76: {  	_ =	shalt  }
0x77: {  	_ =	shalt  }
0x78: {  	_ =	shalt  }
0x79: {  	_ =	shalt  }
0x7a: {  	_ =	shalt  }
0x7b: {  	_ =	shalt  }
0x7c: {  	_ =	shalt  }
0x7d: {  	_ =	shalt  }
0x7e: {  	_ =	shalt  }
0x7f: {  	_ =	shalt  }
0x80: {  	_ =	shalt  }
0x81: {  	_ =	shalt  }
0x82: {  	_ =	shalt  }
0x83: {  	_ =	shalt  }
0x84: {  	_ =	shalt  }
0x85: {  	_ =	shalt  }
0x86: {  	_ =	shalt  }
0x87: {  	_ =	shalt  }
.Lfunc_end0:
.L_simem_size_0:
called_computation_lowered:
.L_overlay_start_0:
0x88: {  	s2 =	sld [smem:$0x3FD9]  }
0x89: {  	s3 =	sld [smem:$0x3FFE];
	_ =	sdelay $0x1  }
0x8a: {  	s1 =	srdreg.scid  }
0x8b: {  	s0 =	sand.u32 $0x1, s1  }
0x8c: {  	s16 =	sshll.u32 s0, $0xA;
	s2 =	sadd.s32 s3, s2  }
0x8d: {  	s2 =	sadd.s32 s2, s16  }
0x8e: {  	[smem:$0x3FC3] =	sst s2  }
0x8f: {  	_ = 	snop  }
0x90: {  	(tm) =	ssettm $0x1  }
0x91: {  	s17 =	sld [smem:$0x3FFB];
	_ =	sdelay $0x3  }
0x92: {  	_ =	strace s17  }
0x93: {  	s2 =	sld [smem:$0x3FFC];
	_ =	sdelay $0x3  }
0x94: {  	_ =	strace s2  }
0x95: {  	s2 =	sld [smem:$0x3FFD];
	_ =	sdelay $0x3  }
0x96: {  	_ =	strace s2  }
0x97: {  	_ =	strace $0x8FFFFFFF  }
0x98: {  	s18 =	sld [smem:$0x3FDB];
	_ =	sdelay $0x1  }
0x99: {  	s19 =	simm.s32 $_scs_section_size  }
0x9a: {  	s4 =	simm.s32 $_size__tile_overlayer_lowered;
	s5 =	simm.s32 $_tile_overlayer_lowered  }
0x9b: {  	s22 =	simm.s32 $0x1BFF;
	s21 =	sshll.u32 s5, $0x1;
	s2 =	sadd.s32 s19, s18  }
0x9c: {  	s6 =	simm.s32 $0x0;
	s20 =	sshll.u32 s4, $0x1;
	s4 =	sadd.s32 s21, s2  }
0x9d: {  	[timem:s6], [sflag:s22] =	dma.local [hbm:s4], s20  }
0x9e: {  	_ =	swait.ge [sflag:s22], s20  }
0x9f: {  	s3 =	ssub.s32 $0x0, s20;
	[sflag:s22] =	ssyncset.done $0x0  }
0xa0: {  	[sflag:s22] =	ssyncadd.s32 s3;
	_ =	sdelay $0x1  }
0xa1: {  	s23 =	simm.s32 $0x1B8B  }
0xa2: {  	_ =	swait.ge [sflag:s23], $0x1  }
0xa3: {  	[sflag:s23] =	ssyncset.done $0x0  }
0xa4: {  	s25 =	simm.s32 $0x1B8E;
	s24 =	sld [smem:$0x3FFE];
	[sflag:s23] =	ssyncadd.s32 $0xFFFFFFFF  }
0xa5: {  	s26 =	simm.s32 $execute0_lowered;
	[smem:$0x3FD2] =	sst s25  }
0xa6: {  	s4 =	sshll.u32 s26, $0x1;
	_ =	strace $0x80000046;
	[dreg:$0x1] =	wrdreg $0xFFFFFFFF  }
0xa7: {  	s28 =	simm.s32 $_size_execute0_lowered;
	s2 =	sadd.s32 s2, s4;
	[dreg:$0x0] =	wrdreg $0x0  }
0xa8: {  	s4 =	sshll.u32 s28, $0x1;
	[dreg:$0x2] =	wrdreg s2  }
0xa9: {  	[dreg:$0x3] =	wrdreg s4  }
0xaa: {  	[dreg:$0x4] =	wrdreg $0xC0  }
0xab: {  	_ =	task [dreg:s6], $0x5FFFF  }
0xac: {  	[dreg:$0x1] =	wrdreg $0xFFFFFFFF  }
0xad: {  	[dreg:$0x0] =	wrdreg $0x60  }
0xae: {  	[dreg:$0x2] =	wrdreg s24  }
0xaf: {  	[dreg:$0x3] =	wrdreg $0x9  }
0xb0: {  	_ =	task.clear_ibuf [dreg:s6], $0x4FFFF;
	_ =	strace $0x90000046  }
0xb1: {  	s29 =	simm.s32 $0x9;
	_ =	strace $0x80000048  }
0xb2: {  	_ =	swait.ge [sflag:s29], $0x1  }
0xb3: {  	[sflag:s29] =	ssyncadd.s32 $0xFFFFFFFF  }
0xb4: {  	_ =	strace $0x90000048  }
0xb5: {  	_ =	sfence  }
0xb6: {  	s30 =	sld [smem:$0x0];
	_ =	sdelay $0x2  }
0xb7: {  	s31 =	sshll.u32 s1, $0xD;
	s1 =	sshrl.u32 s1, $0x2  }
0xb8: {  	s3 =	sand.u32 $0x4000, s31;
	s1 =	sadd.s32 s1, s30  }
0xb9: {  	s0 =	sor.u32 s3, s0;
	s1 =	sshll.u32 s1, $0x11  }
0xba: {  	s0 =	sor.u32 s1, s0  }
0xbb: {  	s0 =	sadd.s32 $0x8F2B, s0  }
0xbc: {  	[sflag:s0] =	ssyncadd.remote.s32 $0x1  }
0xbd: {  	_ =	sfence.sel $0xFFFF  }
0xbe: {  	[dreg:$0x0] =	wrdreg $0xFFFFFFFF;
	(pc) =	sbr.abs _section_cstart, $3  }
0xbf: {  	[dreg:$0x1] =	wrdreg $0xFFFFFFFF  }
0xc0: {  	_ =	task.clear_ibuf [dreg:s6], $0x2FFFF;
	_ =	strace $0x9FFFFFFF  }
0xc1: {  	(tm) =	ssettm $0x7FFFFFFF  }
tec
execute0_lowered:
.L_overlay_start_1:
0x0: {  	(tag) =	ssettag $0x1  }
0x1: {  	s0 =	srdreg.scid;
	s22 =	stileid.u32  }
0x2: {  	s3 =	sand.u32 $0x1, s0;
	s17 =	sshll.u32 s22, $0x1  }
0x3: {  	s0 =	sor.u32 s3, s17  }
0x4: {  	s4 =	smul.u32 $0x1A0, s0  }
0x5: {  	s1 =	rddreg [dreg:$0x0];
	s2 =	simm.s32 $0x0;
	s5 =	smul.u32 $0x6800, s0  }
0x6: {  	[smem:$0x7FF] =	sst s2;
	s0 =	smul.u32 $0x34000, s0  }
0x7: {  	s6 =	sadd.s32 $0x36E00, s1;
	_ =	strace $0x80000047;
	s4 =	sadd.s32 s4, s1  }
0x8: {  	s30 =	sadd.s32 s6, s5;
	s0 =	sshrl.u32 s0, $0x3;
	s4 =	sadd.s32 $0x33A00, s4  }
0x9: {  	s18 =	sadd.s32 $0x400, s30;
	s0 =	sadd.s32 s6, s0;
	[dreg:$0x2] =	wrdreg s4  }
0xa: {  	[dreg:$0x3] =	wrdreg s18;
	s19 =	sadd.s32 $0x800, s0  }
0xb: {  	s20 =	sadd.s32 $0xC00, s0;
	[dreg:$0x4] =	wrdreg s19  }
0xc: {  	s21 =	sadd.s32 $0x1000, s0;
	[dreg:$0x5] =	wrdreg s20  }
0xd: {  	s23 =	sadd.s32 $0x1400, s0;
	[dreg:$0x6] =	wrdreg s21  }
0xe: {  	s24 =	sadd.s32 $0x1800, s0;
	[dreg:$0x7] =	wrdreg s23  }
0xf: {  	s25 =	sadd.s32 $0x1C00, s0;
	[dreg:$0x8] =	wrdreg s24  }
0x10: {  	s26 =	sadd.s32 $0x2000, s0;
	[dreg:$0x9] =	wrdreg s25  }
0x11: {  	s5 =	sadd.s32 $0x2400, s0;
	[dreg:$0xa] =	wrdreg s26  }
0x12: {  	s6 =	sadd.s32 $0x2800, s0;
	[dreg:$0xb] =	wrdreg s5  }
0x13: {  	s7 =	sadd.s32 $0x2C00, s0;
	[dreg:$0xc] =	wrdreg s6  }
0x14: {  	s8 =	sadd.s32 $0x3000, s0;
	[dreg:$0xd] =	wrdreg s7  }
0x15: {  	s9 =	sadd.s32 $0x3400, s0;
	[dreg:$0xe] =	wrdreg s8  }
0x16: {  	s10 =	sadd.s32 $0x3800, s0;
	[dreg:$0xf] =	wrdreg s9  }
0x17: {  	s11 =	sadd.s32 $0x3C00, s0;
	[dreg:$0x10] =	wrdreg s10  }
0x18: {  	s12 =	sadd.s32 $0x4000, s0;
	[dreg:$0x11] =	wrdreg s11  }
0x19: {  	s13 =	sadd.s32 $0x4400, s0;
	[dreg:$0x12] =	wrdreg s12  }
0x1a: {  	s31 =	simm.s32 $0x980;
	s14 =	sadd.s32 $0x4800, s0;
	[dreg:$0x13] =	wrdreg s13  }
0x1b: {  	p0 =	por $0x0, $0x0;
	s15 =	sadd.s32 $0x4C00, s0;
	[dreg:$0x14] =	wrdreg s14  }
0x1c: {  	s29 =	simm.s32 $0xA00;
	s16 =	sadd.s32 $0x5000, s0;
	[dreg:$0x15] =	wrdreg s15  }
0x1d: {  	s28 =	simm.s32 $0xA80;
	s17 =	sadd.s32 $0x5400, s0;
	[dreg:$0x16] =	wrdreg s16  }
0x1e: {  	s3 =	ssub.s32 $0x2, s3;
	s18 =	sadd.s32 $0x5800, s0;
	[dreg:$0x17] =	wrdreg s17  }
0x1f: {  	s4 =	simm.s32 $0x2D00;
	[dreg:$0x18] =	wrdreg s18;
	s19 =	sadd.s32 $0x5C00, s0  }
0x20: {  	s20 =	sadd.s32 $0x6000, s0;
	s21 =	sshrl.u32 s3, $0x1;
	[dreg:$0x19] =	wrdreg s19  }
0x21: {  	s0 =	sadd.s32 $0x6400, s0;
	s11 =	sadd.s32 $0xC00, s1;
	[dreg:$0x1a] =	wrdreg s20  }
0x22: {  	s24 =	simm.s32 $0x100;
	s14 =	simm.s32 $0x80;
	[dreg:$0x1b] =	wrdreg s0  }
0x23: {  	s25 =	simm.s32 $0x180;
	s5 =	simm.s32 $0xD00;
	[dreg:$0x1c] =	wrdreg s24  }
0x24: {  	s26 =	simm.s32 $0x200;
	s6 =	simm.s32 $0x280;
	[dreg:$0x1d] =	wrdreg s25  }
0x25: {  	s16 =	simm.s32 $0x4D00;
	s7 =	simm.s32 $0x300;
	[dreg:$0x1e] =	wrdreg s26  }
0x26: {  	s13 =	simm.s32 $0x6D00;
	s8 =	simm.s32 $0x380;
	[dreg:$0x1f] =	wrdreg s6  }
0x27: {  	s12 =	simm.s32 $0x8D00;
	s9 =	simm.s32 $0x400;
	[smem:$0x7F2] =	sst s7  }
0x28: {  	s10 =	simm.s32 $0xAD00;
	s15 =	simm.s32 $0x480;
	[smem:$0x7F3] =	sst s8  }
0x29: {  	s17 =	simm.s32 $0x500;
	s18 =	simm.s32 $0x580;
	[smem:$0x7F4] =	sst s9  }
0x2a: {  	s23 =	ssub.s32 s3, s21;
	s3 =	simm.s32 $0x9;
	[smem:$0x7F5] =	sst s15  }
0x2b: {  	s9 =	simm.s32 $0xCD00;
	s8 =	simm.s32 $0xED00;
	[smem:$0x7F6] =	sst s17  }
0x2c: {  	s7 =	simm.s32 $0x1;
	[smem:$0x7F7] =	sst s18;
	s19 =	simm.s32 $0x600  }
0x2d: {  	s6 =	simm.s32 $0x2;
	s20 =	simm.s32 $0x680;
	s21 =	simm.s32 $0x3  }
0x2e: {  	s24 =	simm.s32 $0x780;
	s25 =	simm.s32 $0x800;
	s18 =	simm.s32 $0x6  }
0x2f: {  	s26 =	simm.s32 $0x880;
	s0 =	smax.u32 s23, $0x1;
	[smem:$0x7F8] =	sst s19  }
0x30: {  	s17 =	simm.s32 $0x7;
	[smem:$0x7F9] =	sst s20;
	p1 =	sne.s32 s0, $0x1  }
.Ltmp0:
0x31: {  	s15 =	simm.s32 $0x8;
	[smem:$0x7FB] =	sst s24;
	(pc) =	sbr.rel @!p1 .LBB2_1-.Ltmp0, $4  }
0x32: {  	s23 =	simm.s32 $0x700;
	s20 =	simm.s32 $0x4;
	[smem:$0x7FC] =	sst s25  }
0x33: {  	s19 =	simm.s32 $0x5;
	[smem:$0x7FD] =	sst s26;
	s26 =	simm.s32 $0xB00  }
0x34: {  	s25 =	simm.s32 $0xB80;
	s24 =	simm.s32 $0xC00;
	[smem:$0x7FA] =	sst s23  }
0x35: {  	s1 =	sadd.s32 $0xFFFFFFFF, s0;
	s23 =	simm.s32 $0xC80;
	s0 =	rddreg [dreg:$0x2]  }
0x36: {  	[tilespmem:s2], [sflag:$0x9] =	stream.linear.gather [hbm4b:s0+s2], $0xD00, $0x38;
	[tilespmem:$0x10D00] =	vst v63  }
0x37: {  	_ =	swait.ge [sflag:s3], $0xD00  }
0x38: {  	[sflag:s3] =	ssyncset.done $0x0  }
0x39: {  	[sflag:s3] =	ssyncadd.s32 $0xFFFFF300  }
0x3a: {  	[tilespmem:s5], [sflag:$0x1] =	stream.indirect.gather [hbm4b:s11+s14], $0x40, s2, s14, $0xb8;
	[tilespmem:$0x10D00] =	vst v63  }
0x3b: {  	s0 =	rddreg [dreg:$0x1c]  }
0x3c: {  	[tilespmem:s4], [sflag:$0x2] =	stream.indirect.gather [hbm4b:s11+s14], $0x40, s14, s14, $0xb8;
	[tilespmem:$0x10D00] =	vst v63  }
0x3d: {  	s22 =	smov.u32 s1;
	s1 =	rddreg [dreg:$0x1d]  }
0x3e: {  	[tilespmem:s16], [sflag:$0x3] =	stream.indirect.gather [hbm4b:s11+s14], $0x40, s0, s14, $0xb8;
	[tilespmem:$0x10D00] =	vst v63  }
0x3f: {  	s0 =	rddreg [dreg:$0x1e]  }
0x40: {  	[tilespmem:s13], [sflag:$0x4] =	stream.indirect.gather [hbm4b:s11+s14], $0x40, s1, s14, $0xb8;
	[tilespmem:$0x10D00] =	vst v63  }
0x41: {  	s1 =	rddreg [dreg:$0x1f]  }
0x42: {  	[tilespmem:s12], [sflag:$0x5] =	stream.indirect.gather [hbm4b:s11+s14], $0x40, s0, s14, $0xb8;
	[tilespmem:$0x10D00] =	vst v63  }
0x43: {  	s0 =	sld [smem:$0x7F2]  }
0x44: {  	[tilespmem:s10], [sflag:$0x6] =	stream.indirect.gather [hbm4b:s11+s14], $0x40, s1, s14, $0xb8;
	[tilespmem:$0x10D00] =	vst v63  }
0x45: {  	s1 =	sld [smem:$0x7F3]  }
0x46: {  	[tilespmem:s9], [sflag:$0x7] =	stream.indirect.gather [hbm4b:s11+s14], $0x40, s0, s14, $0xb8;
	[tilespmem:$0x10D00] =	vst v63  }
0x47: {  	_ = 	snop  }
0x48: {  	[tilespmem:s8], [sflag:$0x8] =	stream.indirect.gather [hbm4b:s11+s14], $0x40, s1, s14, $0xb8;
	[tilespmem:$0x10D00] =	vst v63  }
0x49: {  	_ =	swait.ge [sflag:s7], $0x2000  }
0x4a: {  	[sflag:s7] =	ssyncset.done $0x0  }
0x4b: {  	[sflag:s7] =	ssyncadd.s32 $0xFFFFE000  }
0x4c: {  	[hbm4b:s30+s2] =	stream.linear.scatter [tilespmem:s5], [sflag:$0x9], $0x2000, $0x38;
	[tilespmem:$0x10D00] =	vst v63  }
0x4d: {  	_ =	swait.ge [sflag:s3], $0x2000  }
0x4e: {  	s1 =	sld [smem:$0x7F4]  }
0x4f: {  	[sflag:s3] =	ssyncset.done $0x0  }
0x50: {  	[sflag:s3] =	ssyncadd.s32 $0xFFFFE000  }
0x51: {  	[tilespmem:s5], [sflag:$0x1] =	stream.indirect.gather [hbm4b:s11+s14], $0x40, s1, s14, $0xb8;
	[tilespmem:$0x10D00] =	vst v63  }
0x52: {  	_ =	swait.ge [sflag:s6], $0x2000  }
0x53: {  	[sflag:s6] =	ssyncset.done $0x0  }
0x54: {  	s1 =	rddreg [dreg:$0x3];
	[sflag:s6] =	ssyncadd.s32 $0xFFFFE000  }
0x55: {  	[hbm4b:s1+s2] =	stream.linear.scatter [tilespmem:s4], [sflag:$0x9], $0x2000, $0x38;
	[tilespmem:$0x10D00] =	vst v63  }
0x56: {  	_ =	swait.ge [sflag:s3], $0x2000  }
0x57: {  	s1 =	sld [smem:$0x7F5]  }
0x58: {  	[sflag:s3] =	ssyncset.done $0x0  }
0x59: {  	[sflag:s3] =	ssyncadd.s32 $0xFFFFE000  }
0x5a: {  	[tilespmem:s4], [sflag:$0x2] =	stream.indirect.gather [hbm4b:s11+s14], $0x40, s1, s14, $0xb8;
	[tilespmem:$0x10D00] =	vst v63  }
0x5b: {  	_ =	swait.ge [sflag:s21], $0x2000  }
0x5c: {  	[sflag:s21] =	ssyncset.done $0x0  }
0x5d: {  	s1 =	rddreg [dreg:$0x4];
	[sflag:s21] =	ssyncadd.s32 $0xFFFFE000  }
0x5e: {  	[hbm4b:s1+s2] =	stream.linear.scatter [tilespmem:s16], [sflag:$0x9], $0x2000, $0x38;
	[tilespmem:$0x10D00] =	vst v63  }
0x5f: {  	_ =	swait.ge [sflag:s3], $0x2000  }
0x60: {  	s1 =	sld [smem:$0x7F6]  }
0x61: {  	[sflag:s3] =	ssyncset.done $0x0  }
0x62: {  	[sflag:s3] =	ssyncadd.s32 $0xFFFFE000  }
0x63: {  	[tilespmem:s16], [sflag:$0x3] =	stream.indirect.gather [hbm4b:s11+s14], $0x40, s1, s14, $0xb8;
	[tilespmem:$0x10D00] =	vst v63  }
0x64: {  	_ =	swait.ge [sflag:s20], $0x2000  }
0x65: {  	[sflag:s20] =	ssyncset.done $0x0  }
0x66: {  	s1 =	rddreg [dreg:$0x5];
	[sflag:s20] =	ssyncadd.s32 $0xFFFFE000  }
0x67: {  	[hbm4b:s1+s2] =	stream.linear.scatter [tilespmem:s13], [sflag:$0x9], $0x2000, $0x38;
	[tilespmem:$0x10D00] =	vst v63  }
0x68: {  	_ =	swait.ge [sflag:s3], $0x2000  }
0x69: {  	s1 =	sld [smem:$0x7F7]  }
0x6a: {  	[sflag:s3] =	ssyncset.done $0x0  }
0x6b: {  	[sflag:s3] =	ssyncadd.s32 $0xFFFFE000  }
0x6c: {  	[tilespmem:s13], [sflag:$0x4] =	stream.indirect.gather [hbm4b:s11+s14], $0x40, s1, s14, $0xb8;
	[tilespmem:$0x10D00] =	vst v63  }
0x6d: {  	_ =	swait.ge [sflag:s19], $0x2000  }
0x6e: {  	[sflag:s19] =	ssyncset.done $0x0  }
0x6f: {  	s1 =	rddreg [dreg:$0x6];
	[sflag:s19] =	ssyncadd.s32 $0xFFFFE000  }
0x70: {  	[hbm4b:s1+s2] =	stream.linear.scatter [tilespmem:s12], [sflag:$0x9], $0x2000, $0x38;
	[tilespmem:$0x10D00] =	vst v63  }
0x71: {  	_ =	swait.ge [sflag:s3], $0x2000  }
0x72: {  	s1 =	sld [smem:$0x7F8]  }
0x73: {  	[sflag:s3] =	ssyncset.done $0x0  }
0x74: {  	[sflag:s3] =	ssyncadd.s32 $0xFFFFE000  }
0x75: {  	[tilespmem:s12], [sflag:$0x5] =	stream.indirect.gather [hbm4b:s11+s14], $0x40, s1, s14, $0xb8;
	[tilespmem:$0x10D00] =	vst v63  }
0x76: {  	_ =	swait.ge [sflag:s18], $0x2000  }
0x77: {  	[sflag:s18] =	ssyncset.done $0x0  }
0x78: {  	s1 =	rddreg [dreg:$0x7];
	[sflag:s18] =	ssyncadd.s32 $0xFFFFE000  }
0x79: {  	[hbm4b:s1+s2] =	stream.linear.scatter [tilespmem:s10], [sflag:$0x9], $0x2000, $0x38;
	[tilespmem:$0x10D00] =	vst v63  }
0x7a: {  	_ =	swait.ge [sflag:s3], $0x2000  }
0x7b: {  	s1 =	sld [smem:$0x7F9]  }
0x7c: {  	[sflag:s3] =	ssyncset.done $0x0  }
0x7d: {  	[sflag:s3] =	ssyncadd.s32 $0xFFFFE000  }
0x7e: {  	[tilespmem:s10], [sflag:$0x6] =	stream.indirect.gather [hbm4b:s11+s14], $0x40, s1, s14, $0xb8;
	[tilespmem:$0x10D00] =	vst v63  }
0x7f: {  	_ =	swait.ge [sflag:s17], $0x2000  }
0x80: {  	[sflag:s17] =	ssyncset.done $0x0  }
0x81: {  	s1 =	rddreg [dreg:$0x8];
	[sflag:s17] =	ssyncadd.s32 $0xFFFFE000  }
0x82: {  	[hbm4b:s1+s2] =	stream.linear.scatter [tilespmem:s9], [sflag:$0x9], $0x2000, $0x38;
	[tilespmem:$0x10D00] =	vst v63  }
0x83: {  	_ =	swait.ge [sflag:s3], $0x2000  }
0x84: {  	s1 =	sld [smem:$0x7FA]  }
0x85: {  	[sflag:s3] =	ssyncset.done $0x0  }
0x86: {  	[sflag:s3] =	ssyncadd.s32 $0xFFFFE000  }
0x87: {  	[tilespmem:s9], [sflag:$0x7] =	stream.indirect.gather [hbm4b:s11+s14], $0x40, s1, s14, $0xb8;
	[tilespmem:$0x10D00] =	vst v63  }
0x88: {  	_ =	swait.ge [sflag:s15], $0x2000  }
0x89: {  	[sflag:s15] =	ssyncset.done $0x0  }
0x8a: {  	s1 =	rddreg [dreg:$0x9];
	[sflag:s15] =	ssyncadd.s32 $0xFFFFE000  }
0x8b: {  	[hbm4b:s1+s2] =	stream.linear.scatter [tilespmem:s8], [sflag:$0x9], $0x2000, $0x38;
	[tilespmem:$0x10D00] =	vst v63  }
0x8c: {  	_ =	swait.ge [sflag:s3], $0x2000  }
0x8d: {  	s1 =	sld [smem:$0x7FB]  }
0x8e: {  	[sflag:s3] =	ssyncset.done $0x0  }
0x8f: {  	[sflag:s3] =	ssyncadd.s32 $0xFFFFE000  }
0x90: {  	[tilespmem:s8], [sflag:$0x8] =	stream.indirect.gather [hbm4b:s11+s14], $0x40, s1, s14, $0xb8;
	[tilespmem:$0x10D00] =	vst v63  }
0x91: {  	_ =	swait.ge [sflag:s7], $0x2000  }
0x92: {  	[sflag:s7] =	ssyncset.done $0x0  }
0x93: {  	s1 =	rddreg [dreg:$0xa];
	[sflag:s7] =	ssyncadd.s32 $0xFFFFE000  }
0x94: {  	[hbm4b:s1+s2] =	stream.linear.scatter [tilespmem:s5], [sflag:$0x9], $0x2000, $0x38;
	[tilespmem:$0x10D00] =	vst v63  }
0x95: {  	_ =	swait.ge [sflag:s3], $0x2000  }
0x96: {  	s1 =	sld [smem:$0x7FC]  }
0x97: {  	[sflag:s3] =	ssyncset.done $0x0  }
0x98: {  	[sflag:s3] =	ssyncadd.s32 $0xFFFFE000  }
0x99: {  	[tilespmem:s5], [sflag:$0x1] =	stream.indirect.gather [hbm4b:s11+s14], $0x40, s1, s14, $0xb8;
	[tilespmem:$0x10D00] =	vst v63  }
0x9a: {  	_ =	swait.ge [sflag:s6], $0x2000  }
0x9b: {  	[sflag:s6] =	ssyncset.done $0x0  }
0x9c: {  	s1 =	rddreg [dreg:$0xb];
	[sflag:s6] =	ssyncadd.s32 $0xFFFFE000  }
0x9d: {  	[hbm4b:s1+s2] =	stream.linear.scatter [tilespmem:s4], [sflag:$0x9], $0x2000, $0x38;
	[tilespmem:$0x10D00] =	vst v63  }
0x9e: {  	_ =	swait.ge [sflag:s3], $0x2000  }
0x9f: {  	s1 =	sld [smem:$0x7FD]  }
0xa0: {  	[sflag:s3] =	ssyncset.done $0x0  }
0xa1: {  	[sflag:s3] =	ssyncadd.s32 $0xFFFFE000  }
0xa2: {  	[tilespmem:s4], [sflag:$0x2] =	stream.indirect.gather [hbm4b:s11+s14], $0x40, s1, s14, $0xb8;
	[tilespmem:$0x10D00] =	vst v63  }
0xa3: {  	_ =	swait.ge [sflag:s21], $0x2000  }
0xa4: {  	[sflag:s21] =	ssyncset.done $0x0  }
0xa5: {  	s1 =	rddreg [dreg:$0xc];
	[sflag:s21] =	ssyncadd.s32 $0xFFFFE000  }
0xa6: {  	[hbm4b:s1+s2] =	stream.linear.scatter [tilespmem:s16], [sflag:$0x9], $0x2000, $0x38;
	[tilespmem:$0x10D00] =	vst v63  }
0xa7: {  	_ =	swait.ge [sflag:s3], $0x2000  }
0xa8: {  	[sflag:s3] =	ssyncset.done $0x0  }
0xa9: {  	s1 =	simm.s32 $0x900;
	[sflag:s3] =	ssyncadd.s32 $0xFFFFE000  }
0xaa: {  	[tilespmem:s16], [sflag:$0x3] =	stream.indirect.gather [hbm4b:s11+s14], $0x40, s1, s14, $0xb8;
	[tilespmem:$0x10D00] =	vst v63  }
0xab: {  	_ =	swait.ge [sflag:s20], $0x2000  }
0xac: {  	[sflag:s20] =	ssyncset.done $0x0  }
0xad: {  	s1 =	rddreg [dreg:$0xd];
	[sflag:s20] =	ssyncadd.s32 $0xFFFFE000  }
0xae: {  	[hbm4b:s1+s2] =	stream.linear.scatter [tilespmem:s13], [sflag:$0x9], $0x2000, $0x38;
	[tilespmem:$0x10D00] =	vst v63  }
0xaf: {  	_ =	swait.ge [sflag:s3], $0x2000  }
0xb0: {  	[sflag:s3] =	ssyncset.done $0x0  }
0xb1: {  	[sflag:s3] =	ssyncadd.s32 $0xFFFFE000  }
0xb2: {  	[tilespmem:s13], [sflag:$0x4] =	stream.indirect.gather [hbm4b:s11+s14], $0x40, s31, s14, $0xb8;
	[tilespmem:$0x10D00] =	vst v63  }
0xb3: {  	_ =	swait.ge [sflag:s19], $0x2000  }
0xb4: {  	[sflag:s19] =	ssyncset.done $0x0  }
0xb5: {  	s1 =	rddreg [dreg:$0xe];
	[sflag:s19] =	ssyncadd.s32 $0xFFFFE000  }
0xb6: {  	[hbm4b:s1+s2] =	stream.linear.scatter [tilespmem:s12], [sflag:$0x9], $0x2000, $0x38;
	[tilespmem:$0x10D00] =	vst v63  }
0xb7: {  	_ =	swait.ge [sflag:s3], $0x2000  }
0xb8: {  	[sflag:s3] =	ssyncset.done $0x0  }
0xb9: {  	[sflag:s3] =	ssyncadd.s32 $0xFFFFE000  }
0xba: {  	[tilespmem:s12], [sflag:$0x5] =	stream.indirect.gather [hbm4b:s11+s14], $0x40, s29, s14, $0xb8;
	[tilespmem:$0x10D00] =	vst v63  }
0xbb: {  	_ =	swait.ge [sflag:s18], $0x2000  }
0xbc: {  	[sflag:s18] =	ssyncset.done $0x0  }
0xbd: {  	s1 =	rddreg [dreg:$0xf];
	[sflag:s18] =	ssyncadd.s32 $0xFFFFE000  }
0xbe: {  	[hbm4b:s1+s2] =	stream.linear.scatter [tilespmem:s10], [sflag:$0x9], $0x2000, $0x38;
	[tilespmem:$0x10D00] =	vst v63  }
0xbf: {  	_ =	swait.ge [sflag:s3], $0x2000  }
0xc0: {  	[sflag:s3] =	ssyncset.done $0x0  }
0xc1: {  	[sflag:s3] =	ssyncadd.s32 $0xFFFFE000  }
0xc2: {  	[tilespmem:s10], [sflag:$0x6] =	stream.indirect.gather [hbm4b:s11+s14], $0x40, s28, s14, $0xb8;
	[tilespmem:$0x10D00] =	vst v63  }
0xc3: {  	_ =	swait.ge [sflag:s17], $0x2000  }
0xc4: {  	[sflag:s17] =	ssyncset.done $0x0  }
0xc5: {  	s1 =	rddreg [dreg:$0x10];
	[sflag:s17] =	ssyncadd.s32 $0xFFFFE000  }
0xc6: {  	[hbm4b:s1+s2] =	stream.linear.scatter [tilespmem:s9], [sflag:$0x9], $0x2000, $0x38;
	[tilespmem:$0x10D00] =	vst v63  }
0xc7: {  	_ =	swait.ge [sflag:s3], $0x2000  }
0xc8: {  	[sflag:s3] =	ssyncset.done $0x0  }
0xc9: {  	[sflag:s3] =	ssyncadd.s32 $0xFFFFE000  }
0xca: {  	[tilespmem:s9], [sflag:$0x7] =	stream.indirect.gather [hbm4b:s11+s14], $0x40, s26, s14, $0xb8;
	[tilespmem:$0x10D00] =	vst v63  }
0xcb: {  	_ =	swait.ge [sflag:s15], $0x2000  }
0xcc: {  	[sflag:s15] =	ssyncset.done $0x0  }
0xcd: {  	s1 =	rddreg [dreg:$0x11];
	[sflag:s15] =	ssyncadd.s32 $0xFFFFE000  }
0xce: {  	[hbm4b:s1+s2] =	stream.linear.scatter [tilespmem:s8], [sflag:$0x9], $0x2000, $0x38;
	[tilespmem:$0x10D00] =	vst v63  }
0xcf: {  	_ =	swait.ge [sflag:s3], $0x2000  }
0xd0: {  	[sflag:s3] =	ssyncset.done $0x0  }
0xd1: {  	[sflag:s3] =	ssyncadd.s32 $0xFFFFE000  }
0xd2: {  	[tilespmem:s8], [sflag:$0x8] =	stream.indirect.gather [hbm4b:s11+s14], $0x40, s25, s14, $0xb8;
	[tilespmem:$0x10D00] =	vst v63  }
0xd3: {  	_ =	swait.ge [sflag:s7], $0x2000  }
0xd4: {  	[sflag:s7] =	ssyncset.done $0x0  }
0xd5: {  	s1 =	rddreg [dreg:$0x12];
	[sflag:s7] =	ssyncadd.s32 $0xFFFFE000  }
0xd6: {  	[hbm4b:s1+s2] =	stream.linear.scatter [tilespmem:s5], [sflag:$0x9], $0x2000, $0x38;
	[tilespmem:$0x10D00] =	vst v63  }
0xd7: {  	_ =	swait.ge [sflag:s3], $0x2000  }
0xd8: {  	[sflag:s3] =	ssyncset.done $0x0  }
0xd9: {  	[sflag:s3] =	ssyncadd.s32 $0xFFFFE000  }
0xda: {  	[tilespmem:s5], [sflag:$0x1] =	stream.indirect.gather [hbm4b:s11+s14], $0x40, s24, s14, $0xb8;
	[tilespmem:$0x10D00] =	vst v63  }
0xdb: {  	_ =	swait.ge [sflag:s6], $0x2000  }
0xdc: {  	[sflag:s6] =	ssyncset.done $0x0  }
0xdd: {  	s1 =	rddreg [dreg:$0x13];
	[sflag:s6] =	ssyncadd.s32 $0xFFFFE000  }
0xde: {  	[hbm4b:s1+s2] =	stream.linear.scatter [tilespmem:s4], [sflag:$0x9], $0x2000, $0x38;
	[tilespmem:$0x10D00] =	vst v63  }
0xdf: {  	_ =	swait.ge [sflag:s3], $0x2000  }
0xe0: {  	[sflag:s3] =	ssyncset.done $0x0  }
0xe1: {  	[sflag:s3] =	ssyncadd.s32 $0xFFFFE000  }
0xe2: {  	[tilespmem:s4], [sflag:$0x2] =	stream.indirect.gather [hbm4b:s11+s14], $0x40, s23, s14, $0xb8;
	[tilespmem:$0x10D00] =	vst v63  }
0xe3: {  	_ =	swait.ge [sflag:s21], $0x2000  }
0xe4: {  	[sflag:s21] =	ssyncset.done $0x0  }
0xe5: {  	s1 =	rddreg [dreg:$0x14];
	[sflag:s21] =	ssyncadd.s32 $0xFFFFE000  }
0xe6: {  	[hbm4b:s1+s2] =	stream.linear.scatter [tilespmem:s16], [sflag:$0x9], $0x2000, $0x38;
	[tilespmem:$0x10D00] =	vst v63  }
0xe7: {  	_ =	swait.ge [sflag:s3], $0x2000  }
0xe8: {  	[sflag:s3] =	ssyncset.done $0x0  }
0xe9: {  	[sflag:s3] =	ssyncadd.s32 $0xFFFFE000  }
0xea: {  	_ =	swait.ge [sflag:s20], $0x2000  }
0xeb: {  	[sflag:s20] =	ssyncset.done $0x0  }
0xec: {  	s1 =	rddreg [dreg:$0x15];
	[sflag:s20] =	ssyncadd.s32 $0xFFFFE000  }
0xed: {  	[hbm4b:s1+s2] =	stream.linear.scatter [tilespmem:s13], [sflag:$0x9], $0x2000, $0x38;
	[tilespmem:$0x10D00] =	vst v63  }
0xee: {  	_ =	swait.ge [sflag:s3], $0x2000  }
0xef: {  	[sflag:s3] =	ssyncset.done $0x0  }
0xf0: {  	[sflag:s3] =	ssyncadd.s32 $0xFFFFE000  }
0xf1: {  	_ =	swait.ge [sflag:s19], $0x2000  }
0xf2: {  	[sflag:s19] =	ssyncset.done $0x0  }
0xf3: {  	s1 =	rddreg [dreg:$0x16];
	[sflag:s19] =	ssyncadd.s32 $0xFFFFE000  }
0xf4: {  	[hbm4b:s1+s2] =	stream.linear.scatter [tilespmem:s12], [sflag:$0x9], $0x2000, $0x38;
	[tilespmem:$0x10D00] =	vst v63  }
0xf5: {  	_ =	swait.ge [sflag:s3], $0x2000  }
0xf6: {  	[sflag:s3] =	ssyncset.done $0x0  }
0xf7: {  	[sflag:s3] =	ssyncadd.s32 $0xFFFFE000  }
0xf8: {  	_ =	swait.ge [sflag:s18], $0x2000  }
0xf9: {  	[sflag:s18] =	ssyncset.done $0x0  }
0xfa: {  	s1 =	rddreg [dreg:$0x17];
	[sflag:s18] =	ssyncadd.s32 $0xFFFFE000  }
0xfb: {  	[hbm4b:s1+s2] =	stream.linear.scatter [tilespmem:s10], [sflag:$0x9], $0x2000, $0x38;
	[tilespmem:$0x10D00] =	vst v63  }
0xfc: {  	_ =	swait.ge [sflag:s3], $0x2000  }
0xfd: {  	[sflag:s3] =	ssyncset.done $0x0  }
0xfe: {  	[sflag:s3] =	ssyncadd.s32 $0xFFFFE000  }
0xff: {  	_ =	swait.ge [sflag:s17], $0x2000  }
0x100: {  	[sflag:s17] =	ssyncset.done $0x0  }
0x101: {  	s1 =	rddreg [dreg:$0x18];
	[sflag:s17] =	ssyncadd.s32 $0xFFFFE000  }
0x102: {  	[hbm4b:s1+s2] =	stream.linear.scatter [tilespmem:s9], [sflag:$0x9], $0x2000, $0x38;
	[tilespmem:$0x10D00] =	vst v63  }
0x103: {  	_ =	swait.ge [sflag:s3], $0x2000  }
0x104: {  	[sflag:s3] =	ssyncset.done $0x0  }
0x105: {  	[sflag:s3] =	ssyncadd.s32 $0xFFFFE000  }
0x106: {  	_ =	swait.ge [sflag:s15], $0x2000  }
0x107: {  	[sflag:s15] =	ssyncset.done $0x0  }
0x108: {  	s1 =	rddreg [dreg:$0x19];
	[sflag:s15] =	ssyncadd.s32 $0xFFFFE000  }
0x109: {  	[hbm4b:s1+s2] =	stream.linear.scatter [tilespmem:s8], [sflag:$0x9], $0x2000, $0x38;
	[tilespmem:$0x10D00] =	vst v63  }
0x10a: {  	_ =	swait.ge [sflag:s3], $0x2000  }
0x10b: {  	[sflag:s3] =	ssyncset.done $0x0  }
0x10c: {  	[sflag:s3] =	ssyncadd.s32 $0xFFFFE000  }
0x10d: {  	_ =	swait.ge [sflag:s7], $0x2000  }
0x10e: {  	[sflag:s7] =	ssyncset.done $0x0  }
0x10f: {  	s1 =	rddreg [dreg:$0x1a];
	[sflag:s7] =	ssyncadd.s32 $0xFFFFE000  }
0x110: {  	[hbm4b:s1+s2] =	stream.linear.scatter [tilespmem:s5], [sflag:$0x9], $0x2000, $0x38;
	[tilespmem:$0x10D00] =	vst v63  }
0x111: {  	_ =	swait.ge [sflag:s3], $0x2000  }
0x112: {  	[sflag:s3] =	ssyncset.done $0x0  }
0x113: {  	[sflag:s3] =	ssyncadd.s32 $0xFFFFE000  }
0x114: {  	p1 =	sne.s32 s22, $0x1;
	_ =	swait.ge [sflag:s6], $0x2000  }
.Ltmp1:
0x115: {  	[sflag:s6] =	ssyncset.done $0x0;
	(pc) =	sbr.rel @!p1 .LBB2_3-.Ltmp1, $4  }
0x116: {  	s1 =	rddreg [dreg:$0x1b];
	[sflag:s6] =	ssyncadd.s32 $0xFFFFE000  }
0x117: {  	[hbm4b:s1+s2] =	stream.linear.scatter [tilespmem:s4], [sflag:$0x9], $0x2000, $0x38;
	[tilespmem:$0x10D00] =	vst v63  }
0x118: {  	p0 =	por $0x1, $0x1;
	_ =	swait.ge [sflag:s3], $0x2000  }
0x119: {  	s1 =	sadd.s32 $0xFFFFFFFF, s22;
	s0 =	rddreg [dreg:$0x2];
	[sflag:s3] =	ssyncset.done $0x0  }
.LBB2_4:
0x11a: {  	[sflag:s3] =	ssyncadd.s32 $0xFFFFE000  }
0x11b: {  	[tilespmem:s2], [sflag:$0x9] =	stream.linear.gather [hbm4b:s0+s2], $0xD00, $0x38;
	[tilespmem:$0x10D00] =	vst v63  }
0x11c: {  	_ =	swait.ge [sflag:s3], $0xD00  }
0x11d: {  	[sflag:s3] =	ssyncset.done $0x0  }
0x11e: {  	[sflag:s3] =	ssyncadd.s32 $0xFFFFF300  }
0x11f: {  	[tilespmem:s5], [sflag:$0x1] =	stream.indirect.gather [hbm4b:s11+s14], $0x40, s2, s14, $0xb8;
	[tilespmem:$0x10D00] =	vst v63  }
0x120: {  	s0 =	rddreg [dreg:$0x1c]  }
0x121: {  	[tilespmem:s4], [sflag:$0x2] =	stream.indirect.gather [hbm4b:s11+s14], $0x40, s14, s14, $0xb8;
	[tilespmem:$0x10D00] =	vst v63  }
0x122: {  	s22 =	rddreg [dreg:$0x1d]  }
0x123: {  	[tilespmem:s16], [sflag:$0x3] =	stream.indirect.gather [hbm4b:s11+s14], $0x40, s0, s14, $0xb8;
	[tilespmem:$0x10D00] =	vst v63  }
0x124: {  	s0 =	rddreg [dreg:$0x1e]  }
0x125: {  	[tilespmem:s13], [sflag:$0x4] =	stream.indirect.gather [hbm4b:s11+s14], $0x40, s22, s14, $0xb8;
	[tilespmem:$0x10D00] =	vst v63  }
0x126: {  	s22 =	rddreg [dreg:$0x1f]  }
0x127: {  	[tilespmem:s12], [sflag:$0x5] =	stream.indirect.gather [hbm4b:s11+s14], $0x40, s0, s14, $0xb8;
	[tilespmem:$0x10D00] =	vst v63  }
0x128: {  	s0 =	sld [smem:$0x7F2]  }
0x129: {  	[tilespmem:s10], [sflag:$0x6] =	stream.indirect.gather [hbm4b:s11+s14], $0x40, s22, s14, $0xb8;
	[tilespmem:$0x10D00] =	vst v63  }
0x12a: {  	s22 =	sld [smem:$0x7F3]  }
0x12b: {  	[tilespmem:s9], [sflag:$0x7] =	stream.indirect.gather [hbm4b:s11+s14], $0x40, s0, s14, $0xb8;
	[tilespmem:$0x10D00] =	vst v63  }
0x12c: {  	_ = 	snop  }
0x12d: {  	[tilespmem:s8], [sflag:$0x8] =	stream.indirect.gather [hbm4b:s11+s14], $0x40, s22, s14, $0xb8;
	[tilespmem:$0x10D00] =	vst v63  }
0x12e: {  	_ =	swait.ge [sflag:s7], $0x2000  }
0x12f: {  	[sflag:s7] =	ssyncset.done $0x0  }
0x130: {  	[sflag:s7] =	ssyncadd.s32 $0xFFFFE000  }
0x131: {  	[hbm4b:s30+s2] =	stream.linear.scatter [tilespmem:s5], [sflag:$0x9], $0x2000, $0x38;
	[tilespmem:$0x10D00] =	vst v63  }
0x132: {  	_ =	swait.ge [sflag:s3], $0x2000  }
0x133: {  	s22 =	sld [smem:$0x7F4]  }
0x134: {  	[sflag:s3] =	ssyncset.done $0x0  }
0x135: {  	[sflag:s3] =	ssyncadd.s32 $0xFFFFE000  }
0x136: {  	[tilespmem:s5], [sflag:$0x1] =	stream.indirect.gather [hbm4b:s11+s14], $0x40, s22, s14, $0xb8;
	[tilespmem:$0x10D00] =	vst v63  }
0x137: {  	_ =	swait.ge [sflag:s6], $0x2000  }
0x138: {  	[sflag:s6] =	ssyncset.done $0x0  }
0x139: {  	s22 =	rddreg [dreg:$0x3];
	[sflag:s6] =	ssyncadd.s32 $0xFFFFE000  }
0x13a: {  	[hbm4b:s22+s2] =	stream.linear.scatter [tilespmem:s4], [sflag:$0x9], $0x2000, $0x38;
	[tilespmem:$0x10D00] =	vst v63  }
0x13b: {  	_ =	swait.ge [sflag:s3], $0x2000  }
0x13c: {  	s22 =	sld [smem:$0x7F5]  }
0x13d: {  	[sflag:s3] =	ssyncset.done $0x0  }
0x13e: {  	[sflag:s3] =	ssyncadd.s32 $0xFFFFE000  }
0x13f: {  	[tilespmem:s4], [sflag:$0x2] =	stream.indirect.gather [hbm4b:s11+s14], $0x40, s22, s14, $0xb8;
	[tilespmem:$0x10D00] =	vst v63  }
0x140: {  	_ =	swait.ge [sflag:s21], $0x2000  }
0x141: {  	[sflag:s21] =	ssyncset.done $0x0  }
0x142: {  	s22 =	rddreg [dreg:$0x4];
	[sflag:s21] =	ssyncadd.s32 $0xFFFFE000  }
0x143: {  	[hbm4b:s22+s2] =	stream.linear.scatter [tilespmem:s16], [sflag:$0x9], $0x2000, $0x38;
	[tilespmem:$0x10D00] =	vst v63  }
0x144: {  	_ =	swait.ge [sflag:s3], $0x2000  }
0x145: {  	s22 =	sld [smem:$0x7F6]  }
0x146: {  	[sflag:s3] =	ssyncset.done $0x0  }
0x147: {  	[sflag:s3] =	ssyncadd.s32 $0xFFFFE000  }
0x148: {  	[tilespmem:s16], [sflag:$0x3] =	stream.indirect.gather [hbm4b:s11+s14], $0x40, s22, s14, $0xb8;
	[tilespmem:$0x10D00] =	vst v63  }
0x149: {  	_ =	swait.ge [sflag:s20], $0x2000  }
0x14a: {  	[sflag:s20] =	ssyncset.done $0x0  }
0x14b: {  	s22 =	rddreg [dreg:$0x5];
	[sflag:s20] =	ssyncadd.s32 $0xFFFFE000  }
0x14c: {  	[hbm4b:s22+s2] =	stream.linear.scatter [tilespmem:s13], [sflag:$0x9], $0x2000, $0x38;
	[tilespmem:$0x10D00] =	vst v63  }
0x14d: {  	_ =	swait.ge [sflag:s3], $0x2000  }
0x14e: {  	s22 =	sld [smem:$0x7F7]  }
0x14f: {  	[sflag:s3] =	ssyncset.done $0x0  }
0x150: {  	[sflag:s3] =	ssyncadd.s32 $0xFFFFE000  }
0x151: {  	[tilespmem:s13], [sflag:$0x4] =	stream.indirect.gather [hbm4b:s11+s14], $0x40, s22, s14, $0xb8;
	[tilespmem:$0x10D00] =	vst v63  }
0x152: {  	_ =	swait.ge [sflag:s19], $0x2000  }
0x153: {  	[sflag:s19] =	ssyncset.done $0x0  }
0x154: {  	s22 =	rddreg [dreg:$0x6];
	[sflag:s19] =	ssyncadd.s32 $0xFFFFE000  }
0x155: {  	[hbm4b:s22+s2] =	stream.linear.scatter [tilespmem:s12], [sflag:$0x9], $0x2000, $0x38;
	[tilespmem:$0x10D00] =	vst v63  }
0x156: {  	_ =	swait.ge [sflag:s3], $0x2000  }
0x157: {  	s22 =	sld [smem:$0x7F8]  }
0x158: {  	[sflag:s3] =	ssyncset.done $0x0  }
0x159: {  	[sflag:s3] =	ssyncadd.s32 $0xFFFFE000  }
0x15a: {  	[tilespmem:s12], [sflag:$0x5] =	stream.indirect.gather [hbm4b:s11+s14], $0x40, s22, s14, $0xb8;
	[tilespmem:$0x10D00] =	vst v63  }
0x15b: {  	_ =	swait.ge [sflag:s18], $0x2000  }
0x15c: {  	[sflag:s18] =	ssyncset.done $0x0  }
0x15d: {  	s22 =	rddreg [dreg:$0x7];
	[sflag:s18] =	ssyncadd.s32 $0xFFFFE000  }
0x15e: {  	[hbm4b:s22+s2] =	stream.linear.scatter [tilespmem:s10], [sflag:$0x9], $0x2000, $0x38;
	[tilespmem:$0x10D00] =	vst v63  }
0x15f: {  	_ =	swait.ge [sflag:s3], $0x2000  }
0x160: {  	s22 =	sld [smem:$0x7F9]  }
0x161: {  	[sflag:s3] =	ssyncset.done $0x0  }
0x162: {  	[sflag:s3] =	ssyncadd.s32 $0xFFFFE000  }
0x163: {  	[tilespmem:s10], [sflag:$0x6] =	stream.indirect.gather [hbm4b:s11+s14], $0x40, s22, s14, $0xb8;
	[tilespmem:$0x10D00] =	vst v63  }
0x164: {  	_ =	swait.ge [sflag:s17], $0x2000  }
0x165: {  	[sflag:s17] =	ssyncset.done $0x0  }
0x166: {  	s22 =	rddreg [dreg:$0x8];
	[sflag:s17] =	ssyncadd.s32 $0xFFFFE000  }
0x167: {  	[hbm4b:s22+s2] =	stream.linear.scatter [tilespmem:s9], [sflag:$0x9], $0x2000, $0x38;
	[tilespmem:$0x10D00] =	vst v63  }
0x168: {  	_ =	swait.ge [sflag:s3], $0x2000  }
0x169: {  	s22 =	sld [smem:$0x7FA]  }
0x16a: {  	[sflag:s3] =	ssyncset.done $0x0  }
0x16b: {  	[sflag:s3] =	ssyncadd.s32 $0xFFFFE000  }
0x16c: {  	[tilespmem:s9], [sflag:$0x7] =	stream.indirect.gather [hbm4b:s11+s14], $0x40, s22, s14, $0xb8;
	[tilespmem:$0x10D00] =	vst v63  }
0x16d: {  	_ =	swait.ge [sflag:s15], $0x2000  }
0x16e: {  	[sflag:s15] =	ssyncset.done $0x0  }
0x16f: {  	s22 =	rddreg [dreg:$0x9];
	[sflag:s15] =	ssyncadd.s32 $0xFFFFE000  }
0x170: {  	[hbm4b:s22+s2] =	stream.linear.scatter [tilespmem:s8], [sflag:$0x9], $0x2000, $0x38;
	[tilespmem:$0x10D00] =	vst v63  }
0x171: {  	_ =	swait.ge [sflag:s3], $0x2000  }
0x172: {  	s22 =	sld [smem:$0x7FB]  }
0x173: {  	[sflag:s3] =	ssyncset.done $0x0  }
0x174: {  	[sflag:s3] =	ssyncadd.s32 $0xFFFFE000  }
0x175: {  	[tilespmem:s8], [sflag:$0x8] =	stream.indirect.gather [hbm4b:s11+s14], $0x40, s22, s14, $0xb8;
	[tilespmem:$0x10D00] =	vst v63  }
0x176: {  	_ =	swait.ge [sflag:s7], $0x2000  }
0x177: {  	[sflag:s7] =	ssyncset.done $0x0  }
0x178: {  	s22 =	rddreg [dreg:$0xa];
	[sflag:s7] =	ssyncadd.s32 $0xFFFFE000  }
0x179: {  	[hbm4b:s22+s2] =	stream.linear.scatter [tilespmem:s5], [sflag:$0x9], $0x2000, $0x38;
	[tilespmem:$0x10D00] =	vst v63  }
0x17a: {  	_ =	swait.ge [sflag:s3], $0x2000  }
0x17b: {  	s22 =	sld [smem:$0x7FC]  }
0x17c: {  	[sflag:s3] =	ssyncset.done $0x0  }
0x17d: {  	[sflag:s3] =	ssyncadd.s32 $0xFFFFE000  }
0x17e: {  	[tilespmem:s5], [sflag:$0x1] =	stream.indirect.gather [hbm4b:s11+s14], $0x40, s22, s14, $0xb8;
	[tilespmem:$0x10D00] =	vst v63  }
0x17f: {  	_ =	swait.ge [sflag:s6], $0x2000  }
0x180: {  	[sflag:s6] =	ssyncset.done $0x0  }
0x181: {  	s22 =	rddreg [dreg:$0xb];
	[sflag:s6] =	ssyncadd.s32 $0xFFFFE000  }
0x182: {  	[hbm4b:s22+s2] =	stream.linear.scatter [tilespmem:s4], [sflag:$0x9], $0x2000, $0x38;
	[tilespmem:$0x10D00] =	vst v63  }
0x183: {  	_ =	swait.ge [sflag:s3], $0x2000  }
0x184: {  	s22 =	sld [smem:$0x7FD]  }
0x185: {  	[sflag:s3] =	ssyncset.done $0x0  }
0x186: {  	[sflag:s3] =	ssyncadd.s32 $0xFFFFE000  }
0x187: {  	[tilespmem:s4], [sflag:$0x2] =	stream.indirect.gather [hbm4b:s11+s14], $0x40, s22, s14, $0xb8;
	[tilespmem:$0x10D00] =	vst v63  }
0x188: {  	_ =	swait.ge [sflag:s21], $0x2000  }
0x189: {  	[sflag:s21] =	ssyncset.done $0x0  }
0x18a: {  	s22 =	rddreg [dreg:$0xc];
	[sflag:s21] =	ssyncadd.s32 $0xFFFFE000  }
0x18b: {  	[hbm4b:s22+s2] =	stream.linear.scatter [tilespmem:s16], [sflag:$0x9], $0x2000, $0x38;
	[tilespmem:$0x10D00] =	vst v63  }
0x18c: {  	_ =	swait.ge [sflag:s3], $0x2000  }
0x18d: {  	[sflag:s3] =	ssyncset.done $0x0  }
0x18e: {  	s22 =	simm.s32 $0x900;
	[sflag:s3] =	ssyncadd.s32 $0xFFFFE000  }
0x18f: {  	[tilespmem:s16], [sflag:$0x3] =	stream.indirect.gather [hbm4b:s11+s14], $0x40, s22, s14, $0xb8;
	[tilespmem:$0x10D00] =	vst v63  }
0x190: {  	_ =	swait.ge [sflag:s20], $0x2000  }
0x191: {  	[sflag:s20] =	ssyncset.done $0x0  }
0x192: {  	s22 =	rddreg [dreg:$0xd];
	[sflag:s20] =	ssyncadd.s32 $0xFFFFE000  }
0x193: {  	[hbm4b:s22+s2] =	stream.linear.scatter [tilespmem:s13], [sflag:$0x9], $0x2000, $0x38;
	[tilespmem:$0x10D00] =	vst v63  }
0x194: {  	_ =	swait.ge [sflag:s3], $0x2000  }
0x195: {  	[sflag:s3] =	ssyncset.done $0x0  }
0x196: {  	[sflag:s3] =	ssyncadd.s32 $0xFFFFE000  }
0x197: {  	[tilespmem:s13], [sflag:$0x4] =	stream.indirect.gather [hbm4b:s11+s14], $0x40, s31, s14, $0xb8;
	[tilespmem:$0x10D00] =	vst v63  }
0x198: {  	_ =	swait.ge [sflag:s19], $0x2000  }
0x199: {  	[sflag:s19] =	ssyncset.done $0x0  }
0x19a: {  	s22 =	rddreg [dreg:$0xe];
	[sflag:s19] =	ssyncadd.s32 $0xFFFFE000  }
0x19b: {  	[hbm4b:s22+s2] =	stream.linear.scatter [tilespmem:s12], [sflag:$0x9], $0x2000, $0x38;
	[tilespmem:$0x10D00] =	vst v63  }
0x19c: {  	_ =	swait.ge [sflag:s3], $0x2000  }
0x19d: {  	[sflag:s3] =	ssyncset.done $0x0  }
0x19e: {  	[sflag:s3] =	ssyncadd.s32 $0xFFFFE000  }
0x19f: {  	[tilespmem:s12], [sflag:$0x5] =	stream.indirect.gather [hbm4b:s11+s14], $0x40, s29, s14, $0xb8;
	[tilespmem:$0x10D00] =	vst v63  }
0x1a0: {  	_ =	swait.ge [sflag:s18], $0x2000  }
0x1a1: {  	[sflag:s18] =	ssyncset.done $0x0  }
0x1a2: {  	s22 =	rddreg [dreg:$0xf];
	[sflag:s18] =	ssyncadd.s32 $0xFFFFE000  }
0x1a3: {  	[hbm4b:s22+s2] =	stream.linear.scatter [tilespmem:s10], [sflag:$0x9], $0x2000, $0x38;
	[tilespmem:$0x10D00] =	vst v63  }
0x1a4: {  	_ =	swait.ge [sflag:s3], $0x2000  }
0x1a5: {  	[sflag:s3] =	ssyncset.done $0x0  }
0x1a6: {  	[sflag:s3] =	ssyncadd.s32 $0xFFFFE000  }
0x1a7: {  	[tilespmem:s10], [sflag:$0x6] =	stream.indirect.gather [hbm4b:s11+s14], $0x40, s28, s14, $0xb8;
	[tilespmem:$0x10D00] =	vst v63  }
0x1a8: {  	_ =	swait.ge [sflag:s17], $0x2000  }
0x1a9: {  	[sflag:s17] =	ssyncset.done $0x0  }
0x1aa: {  	s22 =	rddreg [dreg:$0x10];
	[sflag:s17] =	ssyncadd.s32 $0xFFFFE000  }
0x1ab: {  	[hbm4b:s22+s2] =	stream.linear.scatter [tilespmem:s9], [sflag:$0x9], $0x2000, $0x38;
	[tilespmem:$0x10D00] =	vst v63  }
0x1ac: {  	_ =	swait.ge [sflag:s3], $0x2000  }
0x1ad: {  	[sflag:s3] =	ssyncset.done $0x0  }
0x1ae: {  	[sflag:s3] =	ssyncadd.s32 $0xFFFFE000  }
0x1af: {  	[tilespmem:s9], [sflag:$0x7] =	stream.indirect.gather [hbm4b:s11+s14], $0x40, s26, s14, $0xb8;
	[tilespmem:$0x10D00] =	vst v63  }
0x1b0: {  	_ =	swait.ge [sflag:s15], $0x2000  }
0x1b1: {  	[sflag:s15] =	ssyncset.done $0x0  }
0x1b2: {  	s22 =	rddreg [dreg:$0x11];
	[sflag:s15] =	ssyncadd.s32 $0xFFFFE000  }
0x1b3: {  	[hbm4b:s22+s2] =	stream.linear.scatter [tilespmem:s8], [sflag:$0x9], $0x2000, $0x38;
	[tilespmem:$0x10D00] =	vst v63  }
0x1b4: {  	_ =	swait.ge [sflag:s3], $0x2000  }
0x1b5: {  	[sflag:s3] =	ssyncset.done $0x0  }
0x1b6: {  	[sflag:s3] =	ssyncadd.s32 $0xFFFFE000  }
0x1b7: {  	[tilespmem:s8], [sflag:$0x8] =	stream.indirect.gather [hbm4b:s11+s14], $0x40, s25, s14, $0xb8;
	[tilespmem:$0x10D00] =	vst v63  }
0x1b8: {  	_ =	swait.ge [sflag:s7], $0x2000  }
0x1b9: {  	[sflag:s7] =	ssyncset.done $0x0  }
0x1ba: {  	s22 =	rddreg [dreg:$0x12];
	[sflag:s7] =	ssyncadd.s32 $0xFFFFE000  }
0x1bb: {  	[hbm4b:s22+s2] =	stream.linear.scatter [tilespmem:s5], [sflag:$0x9], $0x2000, $0x38;
	[tilespmem:$0x10D00] =	vst v63  }
0x1bc: {  	_ =	swait.ge [sflag:s3], $0x2000  }
0x1bd: {  	[sflag:s3] =	ssyncset.done $0x0  }
0x1be: {  	[sflag:s3] =	ssyncadd.s32 $0xFFFFE000  }
0x1bf: {  	[tilespmem:s5], [sflag:$0x1] =	stream.indirect.gather [hbm4b:s11+s14], $0x40, s24, s14, $0xb8;
	[tilespmem:$0x10D00] =	vst v63  }
0x1c0: {  	_ =	swait.ge [sflag:s6], $0x2000  }
0x1c1: {  	[sflag:s6] =	ssyncset.done $0x0  }
0x1c2: {  	s22 =	rddreg [dreg:$0x13];
	[sflag:s6] =	ssyncadd.s32 $0xFFFFE000  }
0x1c3: {  	[hbm4b:s22+s2] =	stream.linear.scatter [tilespmem:s4], [sflag:$0x9], $0x2000, $0x38;
	[tilespmem:$0x10D00] =	vst v63  }
0x1c4: {  	_ =	swait.ge [sflag:s3], $0x2000  }
0x1c5: {  	[sflag:s3] =	ssyncset.done $0x0  }
0x1c6: {  	[sflag:s3] =	ssyncadd.s32 $0xFFFFE000  }
0x1c7: {  	[tilespmem:s4], [sflag:$0x2] =	stream.indirect.gather [hbm4b:s11+s14], $0x40, s23, s14, $0xb8;
	[tilespmem:$0x10D00] =	vst v63  }
0x1c8: {  	_ =	swait.ge [sflag:s21], $0x2000  }
0x1c9: {  	[sflag:s21] =	ssyncset.done $0x0  }
0x1ca: {  	s22 =	rddreg [dreg:$0x14];
	[sflag:s21] =	ssyncadd.s32 $0xFFFFE000  }
0x1cb: {  	[hbm4b:s22+s2] =	stream.linear.scatter [tilespmem:s16], [sflag:$0x9], $0x2000, $0x38;
	[tilespmem:$0x10D00] =	vst v63  }
0x1cc: {  	_ =	swait.ge [sflag:s3], $0x2000  }
0x1cd: {  	[sflag:s3] =	ssyncset.done $0x0  }
0x1ce: {  	[sflag:s3] =	ssyncadd.s32 $0xFFFFE000  }
0x1cf: {  	_ =	swait.ge [sflag:s20], $0x2000  }
0x1d0: {  	[sflag:s20] =	ssyncset.done $0x0  }
0x1d1: {  	s22 =	rddreg [dreg:$0x15];
	[sflag:s20] =	ssyncadd.s32 $0xFFFFE000  }
0x1d2: {  	[hbm4b:s22+s2] =	stream.linear.scatter [tilespmem:s13], [sflag:$0x9], $0x2000, $0x38;
	[tilespmem:$0x10D00] =	vst v63  }
0x1d3: {  	_ =	swait.ge [sflag:s3], $0x2000  }
0x1d4: {  	[sflag:s3] =	ssyncset.done $0x0  }
0x1d5: {  	[sflag:s3] =	ssyncadd.s32 $0xFFFFE000  }
0x1d6: {  	_ =	swait.ge [sflag:s19], $0x2000  }
0x1d7: {  	[sflag:s19] =	ssyncset.done $0x0  }
0x1d8: {  	s22 =	rddreg [dreg:$0x16];
	[sflag:s19] =	ssyncadd.s32 $0xFFFFE000  }
0x1d9: {  	[hbm4b:s22+s2] =	stream.linear.scatter [tilespmem:s12], [sflag:$0x9], $0x2000, $0x38;
	[tilespmem:$0x10D00] =	vst v63  }
0x1da: {  	_ =	swait.ge [sflag:s3], $0x2000  }
0x1db: {  	[sflag:s3] =	ssyncset.done $0x0  }
0x1dc: {  	[sflag:s3] =	ssyncadd.s32 $0xFFFFE000  }
0x1dd: {  	_ =	swait.ge [sflag:s18], $0x2000  }
0x1de: {  	[sflag:s18] =	ssyncset.done $0x0  }
0x1df: {  	s22 =	rddreg [dreg:$0x17];
	[sflag:s18] =	ssyncadd.s32 $0xFFFFE000  }
0x1e0: {  	[hbm4b:s22+s2] =	stream.linear.scatter [tilespmem:s10], [sflag:$0x9], $0x2000, $0x38;
	[tilespmem:$0x10D00] =	vst v63  }
0x1e1: {  	_ =	swait.ge [sflag:s3], $0x2000  }
0x1e2: {  	[sflag:s3] =	ssyncset.done $0x0  }
0x1e3: {  	[sflag:s3] =	ssyncadd.s32 $0xFFFFE000  }
0x1e4: {  	_ =	swait.ge [sflag:s17], $0x2000  }
0x1e5: {  	[sflag:s17] =	ssyncset.done $0x0  }
0x1e6: {  	s22 =	rddreg [dreg:$0x18];
	[sflag:s17] =	ssyncadd.s32 $0xFFFFE000  }
0x1e7: {  	[hbm4b:s22+s2] =	stream.linear.scatter [tilespmem:s9], [sflag:$0x9], $0x2000, $0x38;
	[tilespmem:$0x10D00] =	vst v63  }
0x1e8: {  	_ =	swait.ge [sflag:s3], $0x2000  }
0x1e9: {  	[sflag:s3] =	ssyncset.done $0x0  }
0x1ea: {  	[sflag:s3] =	ssyncadd.s32 $0xFFFFE000  }
0x1eb: {  	_ =	swait.ge [sflag:s15], $0x2000  }
0x1ec: {  	[sflag:s15] =	ssyncset.done $0x0  }
0x1ed: {  	s22 =	rddreg [dreg:$0x19];
	[sflag:s15] =	ssyncadd.s32 $0xFFFFE000  }
0x1ee: {  	[hbm4b:s22+s2] =	stream.linear.scatter [tilespmem:s8], [sflag:$0x9], $0x2000, $0x38;
	[tilespmem:$0x10D00] =	vst v63  }
0x1ef: {  	_ =	swait.ge [sflag:s3], $0x2000  }
0x1f0: {  	[sflag:s3] =	ssyncset.done $0x0  }
0x1f1: {  	[sflag:s3] =	ssyncadd.s32 $0xFFFFE000  }
0x1f2: {  	_ =	swait.ge [sflag:s7], $0x2000  }
0x1f3: {  	[sflag:s7] =	ssyncset.done $0x0  }
0x1f4: {  	s22 =	rddreg [dreg:$0x1a];
	[sflag:s7] =	ssyncadd.s32 $0xFFFFE000  }
0x1f5: {  	[hbm4b:s22+s2] =	stream.linear.scatter [tilespmem:s5], [sflag:$0x9], $0x2000, $0x38;
	[tilespmem:$0x10D00] =	vst v63  }
0x1f6: {  	_ =	swait.ge [sflag:s3], $0x2000  }
0x1f7: {  	[sflag:s3] =	ssyncset.done $0x0  }
0x1f8: {  	[sflag:s3] =	ssyncadd.s32 $0xFFFFE000  }
0x1f9: {  	p1 =	sne.s32 s1, $0x1;
	_ =	swait.ge [sflag:s6], $0x2000  }
.Ltmp2:
0x1fa: {  	[sflag:s6] =	ssyncset.done $0x0;
	(pc) =	sbr.rel @p1 .LBB2_4-.Ltmp2, $4  }
0x1fb: {  	s22 =	rddreg [dreg:$0x1b];
	[sflag:s6] =	ssyncadd.s32 $0xFFFFE000  }
0x1fc: {  	[hbm4b:s22+s2] =	stream.linear.scatter [tilespmem:s4], [sflag:$0x9], $0x2000, $0x38;
	[tilespmem:$0x10D00] =	vst v63  }
0x1fd: {  	_ =	swait.ge [sflag:s3], $0x2000  }
0x1fe: {  	s1 =	sadd.s32 $0xFFFFFFFF, s1;
	s0 =	rddreg [dreg:$0x2];
	[sflag:s3] =	ssyncset.done $0x0  }
0x1ff: {  	s23 =	simm.s32 $0x900;
	s31 =	simm.s32 $0x980  }
0x200: {  	s29 =	simm.s32 $0xA00;
	s28 =	simm.s32 $0xA80;
	s26 =	simm.s32 $0xB00  }
0x201: {  	s25 =	simm.s32 $0xB80;
	s24 =	simm.s32 $0xC00;
	s22 =	stileid.u32  }
.LBB2_6:
0x202: {  	[sflag:s3] =	ssyncadd.s32 @p0 $0xFFFFE000  }
0x203: {  	[tilespmem:s2], [sflag:$0x9] =	stream.linear.gather [hbm4b:s0+s2], $0xD00, $0x38;
	[tilespmem:$0x10D00] =	vst v63  }
0x204: {  	_ =	swait.ge [sflag:s3], $0xD00  }
0x205: {  	[sflag:s3] =	ssyncset.done $0x0  }
0x206: {  	[sflag:s3] =	ssyncadd.s32 $0xFFFFF300  }
0x207: {  	[tilespmem:s5], [sflag:$0x1] =	stream.indirect.gather [hbm4b:s11+s14], $0x40, s2, s14, $0xb8;
	[tilespmem:$0x10D00] =	vst v63  }
0x208: {  	s0 =	rddreg [dreg:$0x1c]  }
0x209: {  	[tilespmem:s4], [sflag:$0x2] =	stream.indirect.gather [hbm4b:s11+s14], $0x40, s14, s14, $0xb8;
	[tilespmem:$0x10D00] =	vst v63  }
0x20a: {  	s1 =	rddreg [dreg:$0x1d]  }
0x20b: {  	[tilespmem:s16], [sflag:$0x3] =	stream.indirect.gather [hbm4b:s11+s14], $0x40, s0, s14, $0xb8;
	[tilespmem:$0x10D00] =	vst v63  }
0x20c: {  	s0 =	rddreg [dreg:$0x1e]  }
0x20d: {  	[tilespmem:s13], [sflag:$0x4] =	stream.indirect.gather [hbm4b:s11+s14], $0x40, s1, s14, $0xb8;
	[tilespmem:$0x10D00] =	vst v63  }
0x20e: {  	s1 =	rddreg [dreg:$0x1f]  }
0x20f: {  	[tilespmem:s12], [sflag:$0x5] =	stream.indirect.gather [hbm4b:s11+s14], $0x40, s0, s14, $0xb8;
	[tilespmem:$0x10D00] =	vst v63  }
0x210: {  	s0 =	sld [smem:$0x7F2]  }
0x211: {  	[tilespmem:s10], [sflag:$0x6] =	stream.indirect.gather [hbm4b:s11+s14], $0x40, s1, s14, $0xb8;
	[tilespmem:$0x10D00] =	vst v63  }
0x212: {  	s1 =	sld [smem:$0x7F3]  }
0x213: {  	[tilespmem:s9], [sflag:$0x7] =	stream.indirect.gather [hbm4b:s11+s14], $0x40, s0, s14, $0xb8;
	[tilespmem:$0x10D00] =	vst v63  }
0x214: {  	_ = 	snop  }
0x215: {  	[tilespmem:s8], [sflag:$0x8] =	stream.indirect.gather [hbm4b:s11+s14], $0x40, s1, s14, $0xb8;
	[tilespmem:$0x10D00] =	vst v63  }
0x216: {  	_ =	swait.ge [sflag:s7], $0x2000  }
0x217: {  	[sflag:s7] =	ssyncset.done $0x0  }
0x218: {  	[sflag:s7] =	ssyncadd.s32 $0xFFFFE000  }
0x219: {  	[hbm4b:s30+s2] =	stream.linear.scatter [tilespmem:s5], [sflag:$0x9], $0x2000, $0x38;
	[tilespmem:$0x10D00] =	vst v63  }
0x21a: {  	_ =	swait.ge [sflag:s3], $0x2000  }
0x21b: {  	s30 =	sld [smem:$0x7F4]  }
0x21c: {  	[sflag:s3] =	ssyncset.done $0x0  }
0x21d: {  	[sflag:s3] =	ssyncadd.s32 $0xFFFFE000  }
0x21e: {  	[tilespmem:s5], [sflag:$0x1] =	stream.indirect.gather [hbm4b:s11+s14], $0x40, s30, s14, $0xb8;
	[tilespmem:$0x10D00] =	vst v63  }
0x21f: {  	_ =	swait.ge [sflag:s6], $0x2000  }
0x220: {  	[sflag:s6] =	ssyncset.done $0x0  }
0x221: {  	s1 =	rddreg [dreg:$0x3];
	[sflag:s6] =	ssyncadd.s32 $0xFFFFE000  }
0x222: {  	[hbm4b:s1+s2] =	stream.linear.scatter [tilespmem:s4], [sflag:$0x9], $0x2000, $0x38;
	[tilespmem:$0x10D00] =	vst v63  }
0x223: {  	_ =	swait.ge [sflag:s3], $0x2000  }
0x224: {  	s30 =	sld [smem:$0x7F5]  }
0x225: {  	[sflag:s3] =	ssyncset.done $0x0  }
0x226: {  	[sflag:s3] =	ssyncadd.s32 $0xFFFFE000  }
0x227: {  	[tilespmem:s4], [sflag:$0x2] =	stream.indirect.gather [hbm4b:s11+s14], $0x40, s30, s14, $0xb8;
	[tilespmem:$0x10D00] =	vst v63  }
0x228: {  	_ =	swait.ge [sflag:s21], $0x2000  }
0x229: {  	[sflag:s21] =	ssyncset.done $0x0  }
0x22a: {  	s1 =	rddreg [dreg:$0x4];
	[sflag:s21] =	ssyncadd.s32 $0xFFFFE000  }
0x22b: {  	[hbm4b:s1+s2] =	stream.linear.scatter [tilespmem:s16], [sflag:$0x9], $0x2000, $0x38;
	[tilespmem:$0x10D00] =	vst v63  }
0x22c: {  	_ =	swait.ge [sflag:s3], $0x2000  }
0x22d: {  	s30 =	sld [smem:$0x7F6]  }
0x22e: {  	[sflag:s3] =	ssyncset.done $0x0  }
0x22f: {  	[sflag:s3] =	ssyncadd.s32 $0xFFFFE000  }
0x230: {  	[tilespmem:s16], [sflag:$0x3] =	stream.indirect.gather [hbm4b:s11+s14], $0x40, s30, s14, $0xb8;
	[tilespmem:$0x10D00] =	vst v63  }
0x231: {  	_ =	swait.ge [sflag:s20], $0x2000  }
0x232: {  	[sflag:s20] =	ssyncset.done $0x0  }
0x233: {  	s1 =	rddreg [dreg:$0x5];
	[sflag:s20] =	ssyncadd.s32 $0xFFFFE000  }
0x234: {  	[hbm4b:s1+s2] =	stream.linear.scatter [tilespmem:s13], [sflag:$0x9], $0x2000, $0x38;
	[tilespmem:$0x10D00] =	vst v63  }
0x235: {  	_ =	swait.ge [sflag:s3], $0x2000  }
0x236: {  	s30 =	sld [smem:$0x7F7]  }
0x237: {  	[sflag:s3] =	ssyncset.done $0x0  }
0x238: {  	[sflag:s3] =	ssyncadd.s32 $0xFFFFE000  }
0x239: {  	[tilespmem:s13], [sflag:$0x4] =	stream.indirect.gather [hbm4b:s11+s14], $0x40, s30, s14, $0xb8;
	[tilespmem:$0x10D00] =	vst v63  }
0x23a: {  	_ =	swait.ge [sflag:s19], $0x2000  }
0x23b: {  	[sflag:s19] =	ssyncset.done $0x0  }
0x23c: {  	s1 =	rddreg [dreg:$0x6];
	[sflag:s19] =	ssyncadd.s32 $0xFFFFE000  }
0x23d: {  	[hbm4b:s1+s2] =	stream.linear.scatter [tilespmem:s12], [sflag:$0x9], $0x2000, $0x38;
	[tilespmem:$0x10D00] =	vst v63  }
0x23e: {  	_ =	swait.ge [sflag:s3], $0x2000  }
0x23f: {  	s30 =	sld [smem:$0x7F8]  }
0x240: {  	[sflag:s3] =	ssyncset.done $0x0  }
0x241: {  	[sflag:s3] =	ssyncadd.s32 $0xFFFFE000  }
0x242: {  	[tilespmem:s12], [sflag:$0x5] =	stream.indirect.gather [hbm4b:s11+s14], $0x40, s30, s14, $0xb8;
	[tilespmem:$0x10D00] =	vst v63  }
0x243: {  	_ =	swait.ge [sflag:s18], $0x2000  }
0x244: {  	[sflag:s18] =	ssyncset.done $0x0  }
0x245: {  	s1 =	rddreg [dreg:$0x7];
	[sflag:s18] =	ssyncadd.s32 $0xFFFFE000  }
0x246: {  	[hbm4b:s1+s2] =	stream.linear.scatter [tilespmem:s10], [sflag:$0x9], $0x2000, $0x38;
	[tilespmem:$0x10D00] =	vst v63  }
0x247: {  	_ =	swait.ge [sflag:s3], $0x2000  }
0x248: {  	s30 =	sld [smem:$0x7F9]  }
0x249: {  	[sflag:s3] =	ssyncset.done $0x0  }
0x24a: {  	[sflag:s3] =	ssyncadd.s32 $0xFFFFE000  }
0x24b: {  	[tilespmem:s10], [sflag:$0x6] =	stream.indirect.gather [hbm4b:s11+s14], $0x40, s30, s14, $0xb8;
	[tilespmem:$0x10D00] =	vst v63  }
0x24c: {  	_ =	swait.ge [sflag:s17], $0x2000  }
0x24d: {  	[sflag:s17] =	ssyncset.done $0x0  }
0x24e: {  	s1 =	rddreg [dreg:$0x8];
	[sflag:s17] =	ssyncadd.s32 $0xFFFFE000  }
0x24f: {  	[hbm4b:s1+s2] =	stream.linear.scatter [tilespmem:s9], [sflag:$0x9], $0x2000, $0x38;
	[tilespmem:$0x10D00] =	vst v63  }
0x250: {  	_ =	swait.ge [sflag:s3], $0x2000  }
0x251: {  	s30 =	sld [smem:$0x7FA]  }
0x252: {  	[sflag:s3] =	ssyncset.done $0x0  }
0x253: {  	[sflag:s3] =	ssyncadd.s32 $0xFFFFE000  }
0x254: {  	[tilespmem:s9], [sflag:$0x7] =	stream.indirect.gather [hbm4b:s11+s14], $0x40, s30, s14, $0xb8;
	[tilespmem:$0x10D00] =	vst v63  }
0x255: {  	_ =	swait.ge [sflag:s15], $0x2000  }
0x256: {  	[sflag:s15] =	ssyncset.done $0x0  }
0x257: {  	s1 =	rddreg [dreg:$0x9];
	[sflag:s15] =	ssyncadd.s32 $0xFFFFE000  }
0x258: {  	[hbm4b:s1+s2] =	stream.linear.scatter [tilespmem:s8], [sflag:$0x9], $0x2000, $0x38;
	[tilespmem:$0x10D00] =	vst v63  }
0x259: {  	_ =	swait.ge [sflag:s3], $0x2000  }
0x25a: {  	s30 =	sld [smem:$0x7FB]  }
0x25b: {  	[sflag:s3] =	ssyncset.done $0x0  }
0x25c: {  	[sflag:s3] =	ssyncadd.s32 $0xFFFFE000  }
0x25d: {  	[tilespmem:s8], [sflag:$0x8] =	stream.indirect.gather [hbm4b:s11+s14], $0x40, s30, s14, $0xb8;
	[tilespmem:$0x10D00] =	vst v63  }
0x25e: {  	_ =	swait.ge [sflag:s7], $0x2000  }
0x25f: {  	[sflag:s7] =	ssyncset.done $0x0  }
0x260: {  	s1 =	rddreg [dreg:$0xa];
	[sflag:s7] =	ssyncadd.s32 $0xFFFFE000  }
0x261: {  	[hbm4b:s1+s2] =	stream.linear.scatter [tilespmem:s5], [sflag:$0x9], $0x2000, $0x38;
	[tilespmem:$0x10D00] =	vst v63  }
0x262: {  	_ =	swait.ge [sflag:s3], $0x2000  }
0x263: {  	s30 =	sld [smem:$0x7FC]  }
0x264: {  	[sflag:s3] =	ssyncset.done $0x0  }
0x265: {  	[sflag:s3] =	ssyncadd.s32 $0xFFFFE000  }
0x266: {  	[tilespmem:s5], [sflag:$0x1] =	stream.indirect.gather [hbm4b:s11+s14], $0x40, s30, s14, $0xb8;
	[tilespmem:$0x10D00] =	vst v63  }
0x267: {  	_ =	swait.ge [sflag:s6], $0x2000  }
0x268: {  	[sflag:s6] =	ssyncset.done $0x0  }
0x269: {  	s1 =	rddreg [dreg:$0xb];
	[sflag:s6] =	ssyncadd.s32 $0xFFFFE000  }
0x26a: {  	[hbm4b:s1+s2] =	stream.linear.scatter [tilespmem:s4], [sflag:$0x9], $0x2000, $0x38;
	[tilespmem:$0x10D00] =	vst v63  }
0x26b: {  	_ =	swait.ge [sflag:s3], $0x2000  }
0x26c: {  	s30 =	sld [smem:$0x7FD]  }
0x26d: {  	[sflag:s3] =	ssyncset.done $0x0  }
0x26e: {  	[sflag:s3] =	ssyncadd.s32 $0xFFFFE000  }
0x26f: {  	[tilespmem:s4], [sflag:$0x2] =	stream.indirect.gather [hbm4b:s11+s14], $0x40, s30, s14, $0xb8;
	[tilespmem:$0x10D00] =	vst v63  }
0x270: {  	_ =	swait.ge [sflag:s21], $0x2000  }
0x271: {  	[sflag:s21] =	ssyncset.done $0x0  }
0x272: {  	s1 =	rddreg [dreg:$0xc];
	[sflag:s21] =	ssyncadd.s32 $0xFFFFE000  }
0x273: {  	[hbm4b:s1+s2] =	stream.linear.scatter [tilespmem:s16], [sflag:$0x9], $0x2000, $0x38;
	[tilespmem:$0x10D00] =	vst v63  }
0x274: {  	_ =	swait.ge [sflag:s3], $0x2000  }
0x275: {  	[sflag:s3] =	ssyncset.done $0x0  }
0x276: {  	[sflag:s3] =	ssyncadd.s32 $0xFFFFE000  }
0x277: {  	[tilespmem:s16], [sflag:$0x3] =	stream.indirect.gather [hbm4b:s11+s14], $0x40, s23, s14, $0xb8;
	[tilespmem:$0x10D00] =	vst v63  }
0x278: {  	_ =	swait.ge [sflag:s20], $0x2000  }
0x279: {  	[sflag:s20] =	ssyncset.done $0x0  }
0x27a: {  	s30 =	rddreg [dreg:$0xd];
	[sflag:s20] =	ssyncadd.s32 $0xFFFFE000  }
0x27b: {  	[hbm4b:s30+s2] =	stream.linear.scatter [tilespmem:s13], [sflag:$0x9], $0x2000, $0x38;
	[tilespmem:$0x10D00] =	vst v63  }
0x27c: {  	_ =	swait.ge [sflag:s3], $0x2000  }
0x27d: {  	[sflag:s3] =	ssyncset.done $0x0  }
0x27e: {  	[sflag:s3] =	ssyncadd.s32 $0xFFFFE000  }
0x27f: {  	[tilespmem:s13], [sflag:$0x4] =	stream.indirect.gather [hbm4b:s11+s14], $0x40, s31, s14, $0xb8;
	[tilespmem:$0x10D00] =	vst v63  }
0x280: {  	_ =	swait.ge [sflag:s19], $0x2000  }
0x281: {  	[sflag:s19] =	ssyncset.done $0x0  }
0x282: {  	s1 =	rddreg [dreg:$0xe];
	[sflag:s19] =	ssyncadd.s32 $0xFFFFE000  }
0x283: {  	[hbm4b:s1+s2] =	stream.linear.scatter [tilespmem:s12], [sflag:$0x9], $0x2000, $0x38;
	[tilespmem:$0x10D00] =	vst v63  }
0x284: {  	_ =	swait.ge [sflag:s3], $0x2000  }
0x285: {  	[sflag:s3] =	ssyncset.done $0x0  }
0x286: {  	[sflag:s3] =	ssyncadd.s32 $0xFFFFE000  }
0x287: {  	[tilespmem:s12], [sflag:$0x5] =	stream.indirect.gather [hbm4b:s11+s14], $0x40, s29, s14, $0xb8;
	[tilespmem:$0x10D00] =	vst v63  }
0x288: {  	_ =	swait.ge [sflag:s18], $0x2000  }
0x289: {  	[sflag:s18] =	ssyncset.done $0x0  }
0x28a: {  	s23 =	rddreg [dreg:$0xf];
	[sflag:s18] =	ssyncadd.s32 $0xFFFFE000  }
0x28b: {  	[hbm4b:s23+s2] =	stream.linear.scatter [tilespmem:s10], [sflag:$0x9], $0x2000, $0x38;
	[tilespmem:$0x10D00] =	vst v63  }
0x28c: {  	_ =	swait.ge [sflag:s3], $0x2000  }
0x28d: {  	[sflag:s3] =	ssyncset.done $0x0  }
0x28e: {  	[sflag:s3] =	ssyncadd.s32 $0xFFFFE000  }
0x28f: {  	[tilespmem:s10], [sflag:$0x6] =	stream.indirect.gather [hbm4b:s11+s14], $0x40, s28, s14, $0xb8;
	[tilespmem:$0x10D00] =	vst v63  }
0x290: {  	_ =	swait.ge [sflag:s17], $0x2000  }
0x291: {  	[sflag:s17] =	ssyncset.done $0x0  }
0x292: {  	s28 =	rddreg [dreg:$0x10];
	[sflag:s17] =	ssyncadd.s32 $0xFFFFE000  }
0x293: {  	[hbm4b:s28+s2] =	stream.linear.scatter [tilespmem:s9], [sflag:$0x9], $0x2000, $0x38;
	[tilespmem:$0x10D00] =	vst v63  }
0x294: {  	_ =	swait.ge [sflag:s3], $0x2000  }
0x295: {  	[sflag:s3] =	ssyncset.done $0x0  }
0x296: {  	[sflag:s3] =	ssyncadd.s32 $0xFFFFE000  }
0x297: {  	[tilespmem:s9], [sflag:$0x7] =	stream.indirect.gather [hbm4b:s11+s14], $0x40, s26, s14, $0xb8;
	[tilespmem:$0x10D00] =	vst v63  }
0x298: {  	_ =	swait.ge [sflag:s15], $0x2000  }
0x299: {  	[sflag:s15] =	ssyncset.done $0x0  }
0x29a: {  	s29 =	rddreg [dreg:$0x11];
	[sflag:s15] =	ssyncadd.s32 $0xFFFFE000  }
0x29b: {  	[hbm4b:s29+s2] =	stream.linear.scatter [tilespmem:s8], [sflag:$0x9], $0x2000, $0x38;
	[tilespmem:$0x10D00] =	vst v63  }
0x29c: {  	_ =	swait.ge [sflag:s3], $0x2000  }
0x29d: {  	[sflag:s3] =	ssyncset.done $0x0  }
0x29e: {  	[sflag:s3] =	ssyncadd.s32 $0xFFFFE000  }
0x29f: {  	[tilespmem:s8], [sflag:$0x8] =	stream.indirect.gather [hbm4b:s11+s14], $0x40, s25, s14, $0xb8;
	[tilespmem:$0x10D00] =	vst v63  }
0x2a0: {  	_ =	swait.ge [sflag:s7], $0x2000  }
0x2a1: {  	[sflag:s7] =	ssyncset.done $0x0  }
0x2a2: {  	s30 =	rddreg [dreg:$0x12];
	[sflag:s7] =	ssyncadd.s32 $0xFFFFE000  }
0x2a3: {  	[hbm4b:s30+s2] =	stream.linear.scatter [tilespmem:s5], [sflag:$0x9], $0x2000, $0x38;
	[tilespmem:$0x10D00] =	vst v63  }
0x2a4: {  	_ =	swait.ge [sflag:s3], $0x2000  }
0x2a5: {  	[sflag:s3] =	ssyncset.done $0x0  }
0x2a6: {  	[sflag:s3] =	ssyncadd.s32 $0xFFFFE000  }
0x2a7: {  	[tilespmem:s5], [sflag:$0x1] =	stream.indirect.gather [hbm4b:s11+s14], $0x40, s24, s14, $0xb8;
	[tilespmem:$0x10D00] =	vst v63  }
0x2a8: {  	_ =	swait.ge [sflag:s6], $0x2000  }
0x2a9: {  	[sflag:s6] =	ssyncset.done $0x0  }
0x2aa: {  	s31 =	rddreg [dreg:$0x13];
	[sflag:s6] =	ssyncadd.s32 $0xFFFFE000  }
0x2ab: {  	[hbm4b:s31+s2] =	stream.linear.scatter [tilespmem:s4], [sflag:$0x9], $0x2000, $0x38;
	[tilespmem:$0x10D00] =	vst v63  }
0x2ac: {  	_ =	swait.ge [sflag:s3], $0x2000  }
0x2ad: {  	[sflag:s3] =	ssyncset.done $0x0  }
0x2ae: {  	s1 =	simm.s32 $0xC80;
	[sflag:s3] =	ssyncadd.s32 $0xFFFFE000  }
0x2af: {  	[tilespmem:s4], [sflag:$0x2] =	stream.indirect.gather [hbm4b:s11+s14], $0x40, s1, s14, $0xb8;
	[tilespmem:$0x10D00] =	vst v63  }
0x2b0: {  	_ =	swait.ge [sflag:s21], $0x2000  }
0x2b1: {  	[sflag:s21] =	ssyncset.done $0x0  }
0x2b2: {  	s23 =	rddreg [dreg:$0x14];
	[sflag:s21] =	ssyncadd.s32 $0xFFFFE000  }
0x2b3: {  	[hbm4b:s23+s2] =	stream.linear.scatter [tilespmem:s16], [sflag:$0x9], $0x2000, $0x38;
	[tilespmem:$0x10D00] =	vst v63  }
0x2b4: {  	_ =	swait.ge [sflag:s3], $0x2000  }
0x2b5: {  	[sflag:s3] =	ssyncset.done $0x0  }
0x2b6: {  	[sflag:s3] =	ssyncadd.s32 $0xFFFFE000  }
0x2b7: {  	_ =	swait.ge [sflag:s20], $0x2000  }
0x2b8: {  	[sflag:s20] =	ssyncset.done $0x0  }
0x2b9: {  	s24 =	rddreg [dreg:$0x15];
	[sflag:s20] =	ssyncadd.s32 $0xFFFFE000  }
0x2ba: {  	[hbm4b:s24+s2] =	stream.linear.scatter [tilespmem:s13], [sflag:$0x9], $0x2000, $0x38;
	[tilespmem:$0x10D00] =	vst v63  }
0x2bb: {  	_ =	swait.ge [sflag:s3], $0x2000  }
0x2bc: {  	[sflag:s3] =	ssyncset.done $0x0  }
0x2bd: {  	[sflag:s3] =	ssyncadd.s32 $0xFFFFE000  }
0x2be: {  	_ =	swait.ge [sflag:s19], $0x2000  }
0x2bf: {  	[sflag:s19] =	ssyncset.done $0x0  }
0x2c0: {  	s25 =	rddreg [dreg:$0x16];
	[sflag:s19] =	ssyncadd.s32 $0xFFFFE000  }
0x2c1: {  	[hbm4b:s25+s2] =	stream.linear.scatter [tilespmem:s12], [sflag:$0x9], $0x2000, $0x38;
	[tilespmem:$0x10D00] =	vst v63  }
0x2c2: {  	_ =	swait.ge [sflag:s3], $0x2000  }
0x2c3: {  	[sflag:s3] =	ssyncset.done $0x0  }
0x2c4: {  	[sflag:s3] =	ssyncadd.s32 $0xFFFFE000  }
0x2c5: {  	_ =	swait.ge [sflag:s18], $0x2000  }
0x2c6: {  	[sflag:s18] =	ssyncset.done $0x0  }
0x2c7: {  	s26 =	rddreg [dreg:$0x17];
	[sflag:s18] =	ssyncadd.s32 $0xFFFFE000  }
0x2c8: {  	[hbm4b:s26+s2] =	stream.linear.scatter [tilespmem:s10], [sflag:$0x9], $0x2000, $0x38;
	[tilespmem:$0x10D00] =	vst v63  }
0x2c9: {  	_ =	swait.ge [sflag:s3], $0x2000  }
0x2ca: {  	[sflag:s3] =	ssyncset.done $0x0  }
0x2cb: {  	[sflag:s3] =	ssyncadd.s32 $0xFFFFE000  }
0x2cc: {  	_ =	swait.ge [sflag:s17], $0x2000  }
0x2cd: {  	[sflag:s17] =	ssyncset.done $0x0  }
0x2ce: {  	s28 =	rddreg [dreg:$0x18];
	[sflag:s17] =	ssyncadd.s32 $0xFFFFE000  }
0x2cf: {  	[hbm4b:s28+s2] =	stream.linear.scatter [tilespmem:s9], [sflag:$0x9], $0x2000, $0x38;
	[tilespmem:$0x10D00] =	vst v63  }
0x2d0: {  	_ =	swait.ge [sflag:s3], $0x2000  }
0x2d1: {  	[sflag:s3] =	ssyncset.done $0x0  }
0x2d2: {  	[sflag:s3] =	ssyncadd.s32 $0xFFFFE000  }
0x2d3: {  	_ =	swait.ge [sflag:s15], $0x2000  }
0x2d4: {  	[sflag:s15] =	ssyncset.done $0x0  }
0x2d5: {  	s29 =	rddreg [dreg:$0x19];
	[sflag:s15] =	ssyncadd.s32 $0xFFFFE000  }
0x2d6: {  	[hbm4b:s29+s2] =	stream.linear.scatter [tilespmem:s8], [sflag:$0x9], $0x2000, $0x38;
	[tilespmem:$0x10D00] =	vst v63  }
0x2d7: {  	_ =	swait.ge [sflag:s3], $0x2000  }
0x2d8: {  	[sflag:s3] =	ssyncset.done $0x0  }
0x2d9: {  	[sflag:s3] =	ssyncadd.s32 $0xFFFFE000  }
0x2da: {  	_ =	swait.ge [sflag:s7], $0x2000  }
0x2db: {  	[sflag:s7] =	ssyncset.done $0x0  }
0x2dc: {  	s30 =	rddreg [dreg:$0x1a];
	[sflag:s7] =	ssyncadd.s32 $0xFFFFE000  }
0x2dd: {  	[hbm4b:s30+s2] =	stream.linear.scatter [tilespmem:s5], [sflag:$0x9], $0x2000, $0x38;
	[tilespmem:$0x10D00] =	vst v63  }
0x2de: {  	_ =	swait.ge [sflag:s3], $0x2000  }
0x2df: {  	[sflag:s3] =	ssyncset.done $0x0  }
0x2e0: {  	[sflag:s3] =	ssyncadd.s32 $0xFFFFE000  }
0x2e1: {  	_ =	swait.ge [sflag:s6], $0x2000  }
0x2e2: {  	[sflag:s6] =	ssyncset.done $0x0  }
0x2e3: {  	s31 =	rddreg [dreg:$0x1b];
	[sflag:s6] =	ssyncadd.s32 $0xFFFFE000  }
0x2e4: {  	[hbm4b:s31+s2] =	stream.linear.scatter [tilespmem:s4], [sflag:$0x9], $0x2000, $0x38;
	[tilespmem:$0x10D00] =	vst v63  }
0x2e5: {  	_ =	swait.ge [sflag:s3], $0x2000  }
0x2e6: {  	[sflag:s3] =	ssyncset.done $0x0  }
0x2e7: {  	[sflag:s3] =	ssyncadd.s32 $0xFFFFE000  }
0x2e8: {  	_ =	sfence.sel $0x180000  }
0x2e9: {  	[bflag:$0x0] =	sbarrier.arrive $0xFFFF  }
0x2ea: {  	_ =	strace $0x90000047  }
0x2eb: {  	[bflag:$0x2] =	sbarrier.arrive $0xFFFF  }
0x2ec: {  	p0 =	sne.s32 s22, $0x0;
	s0 =	rddreg [dreg:$0x1]  }
0x2ed: {  	s0 =	sadd.s32 @!p0 $0x100000, s0  }
0x2ee: {  	[sflag:s0] =	ssyncadd.tile.s32 @!p0 $0x1;
	_ =	shalt  }
.LBB2_1:
.Ltmp3:
0x2ef: {  	(pc) =	sbr.rel .LBB2_6-.Ltmp3, $4  }
0x2f0: {  	_ = 	snop  }
0x2f1: {  	s23 =	simm.s32 $0x900  }
0x2f2: {  	s31 =	simm.s32 $0x980;
	s29 =	simm.s32 $0xA00;
	s28 =	simm.s32 $0xA80  }
0x2f3: {  	s26 =	simm.s32 $0xB00;
	s25 =	simm.s32 $0xB80;
	s24 =	simm.s32 $0xC00  }
.LBB2_3:
.Ltmp4:
0x2f4: {  	(pc) =	sbr.rel .LBB2_6-.Ltmp4, $4  }
0x2f5: {  	_ = 	snop  }
0x2f6: {  	s23 =	simm.s32 $0x900;
	s31 =	simm.s32 $0x980  }
0x2f7: {  	s29 =	simm.s32 $0xA00;
	s28 =	simm.s32 $0xA80;
	s26 =	simm.s32 $0xB00  }
0x2f8: {  	s25 =	simm.s32 $0xB80;
	s24 =	simm.s32 $0xC00;
	s22 =	stileid.u32  }
.Lfunc_end2:
_tile_overlayer_lowered:
.L_overlay_start_2:
0x2f9: {  	(tag) =	ssettag $0x2  }
0x2fa: {  	s0 =	rddreg [dreg:$0x0];
	s2 =	stileid.u32  }
0x2fb: {  	s1 =	rddreg [dreg:$0x1];
	p0 =	sne.s32 s2, $0x0  }
0x2fc: {  	s3 =	rddreg [dreg:$0x2];
	[bflag:$0x3] =	sbarrier.arrive $0xFFFF;
	s2 =	simm.s32 @!p0 $0x1C09  }
0x2fd: {  	[timem:s3], [sflag:s2] =	dma.local @!p0 [hbm:s0], s1  }
0x2fe: {  	s0 =	simm.s32 @!p0 $0x9  }
0x2ff: {  	_ =	swait.ge @!p0 [sflag:s0], s1  }
0x300: {  	s1 =	ssub.s32 @!p0 $0x0, s1;
	[sflag:s0] =	ssyncset.done @!p0 $0x0  }
0x301: {  	[sflag:s0] =	ssyncadd.s32 @!p0 s1  }
0x302: {  	[bflag:$0x3] =	sbarrier.arrive $0xFFFF  }
0x303: {  	_ =	shalt  }

</sc_bundles>
